<compile_context>
chip_gen: v7x
topology: tpu7x:2x2x1
jax: 0.10.2.dev20260603
libtpu: 0.0.44.dev20260713+nightly
codegen_flags: <defaults>
</compile_context>

<pallas_src>
import functools

import jax
import jax.numpy as jnp
from jax import lax
from jax.experimental import pallas as pl
from jax.experimental.pallas import tpu as pltpu
from jax.experimental.pallas import tpu_sc as plsc

N = 10000
H = 128
E = 320000
G = 16

NC = 2
NS = 16
NW = NC * NS
EW = E // NW
K = 80
WC = 80
NCH = N // WC
CPT = -(-NCH // NS)

CH2 = EW // K
RING = 4

BN = 1000
NB = N // BN

_mesh = plsc.VectorSubcoreMesh(
    core_axis_name="c", subcore_axis_name="s", num_cores=NC, num_subcores=NS)



@functools.partial(
    pl.kernel,
    out_type=jax.ShapeDtypeStruct((NC, N, 16), jnp.float32),
    mesh=_mesh,
    scratch_types=(
        [pltpu.VMEM((K,), jnp.int32)] * RING
        + [
            pltpu.VMEM((K, 16), jnp.float32),
            pltpu.VMEM((WC, 16), jnp.float32),
            pltpu.VMEM_SHARED((N, 16), jnp.float32),
        ]
        + [pltpu.SemaphoreType.DMA] * RING
    ),
)
def _sc_degree(dst_hbm, out_hbm, di0, di1, di2, di3, onesbuf, zbuf, acc,
               is0, is1, is2, is3):
    didx = [di0, di1, di2, di3]
    isem = [is0, is1, is2, is3]
    c = lax.axis_index("c")
    s = lax.axis_index("s")
    wid = s * NC + c
    zero16 = jnp.zeros((16,), jnp.float32)
    ones16 = jnp.full((16,), 1.0, jnp.float32)

    @pl.loop(0, K)
    def _fill(i):
        onesbuf[i, :] = ones16

    @pl.loop(0, WC)
    def _zb(i):
        zbuf[i, :] = zero16

    @pl.loop(0, CPT)
    def _zacc(j):
        q = s + NS * j

        @pl.when(q < NCH)
        def _():
            pltpu.sync_copy(zbuf, acc.at[pl.ds(q * WC, WC)])

    plsc.subcore_barrier()
    ebase = wid * EW
    n_outer = (CH2 + 2 * RING - 1) // RING

    @pl.loop(0, n_outer)
    def _pipe(io):
        for b in range(RING):
            i = io * RING + b

            @pl.when(i < CH2)
            def _(i=i, b=b):
                pltpu.async_copy(dst_hbm.at[pl.ds(ebase + i * K, K)],
                                 didx[b], isem[b])

            g = i - 1
            bg = (b - 1) % RING

            @pl.when(jnp.logical_and(g >= 0, g < CH2))
            def _(g=g, bg=bg):
                pltpu.make_async_copy(
                    dst_hbm.at[pl.ds(ebase + g * K, K)], didx[bg],
                    isem[bg]).wait()
                pltpu.sync_copy(onesbuf, acc.at[didx[bg]], add=True)

    plsc.subcore_barrier()

    @pl.loop(0, CPT)
    def _wout(j):
        q = s + NS * j

        @pl.when(q < NCH)
        def _():
            r0 = q * WC
            pltpu.sync_copy(acc.at[pl.ds(r0, WC)],
                            out_hbm.at[c, pl.ds(r0, WC)])


@functools.partial(
    pl.kernel,
    out_type=jax.ShapeDtypeStruct((NC, N, H), jnp.float32),
    mesh=_mesh,
    scratch_types=(
        [pltpu.VMEM((K,), jnp.int32)] * (2 * RING)
        + [pltpu.VMEM((K, H), jnp.float32)] * RING
        + [pltpu.VMEM_SHARED((N, H), jnp.float32)]
        + [pltpu.SemaphoreType.DMA] * (2 * RING)
    ),
)
def _sc_scatter(u_hbm, src_hbm, dst_hbm, out_hbm,
                si0, si1, si2, si3, di0, di1, di2, di3,
                rb0, rb1, rb2, rb3, acc,
                is0, is1, is2, is3,
                gs0, gs1, gs2, gs3):
    sidx = [si0, si1, si2, si3]
    didx = [di0, di1, di2, di3]
    rows = [rb0, rb1, rb2, rb3]
    isem = [is0, is1, is2, is3]
    gsem = [gs0, gs1, gs2, gs3]
    c = lax.axis_index("c")
    s = lax.axis_index("s")
    wid = s * NC + c
    zero16 = jnp.zeros((16,), jnp.float32)

    @pl.loop(0, WC)
    def _zb(i):
        for j in range(H // 16):
            rb0[i, pl.ds(j * 16, 16)] = zero16

    @pl.loop(0, CPT)
    def _zacc(j):
        q = s + NS * j

        @pl.when(q < NCH)
        def _():
            pltpu.sync_copy(rb0.at[pl.ds(0, WC)], acc.at[pl.ds(q * WC, WC)])

    plsc.subcore_barrier()

    ebase = wid * EW
    n_outer = (CH2 + 2 * RING - 1) // RING

    @pl.loop(0, n_outer)
    def _pipe(io):
        for b in range(RING):
            i = io * RING + b

            @pl.when(i < CH2)
            def _(i=i, b=b):
                off = ebase + i * K
                pltpu.async_copy(src_hbm.at[pl.ds(off, K)], sidx[b], isem[b])
                pltpu.async_copy(dst_hbm.at[pl.ds(off, K)], didx[b], isem[b])

            g = i - 1
            bg = (b - 1) % RING

            @pl.when(jnp.logical_and(g >= 0, g < CH2))
            def _(g=g, bg=bg):
                off = ebase + g * K
                pltpu.make_async_copy(
                    src_hbm.at[pl.ds(off, K)], sidx[bg], isem[bg]).wait()
                pltpu.make_async_copy(
                    dst_hbm.at[pl.ds(off, K)], didx[bg], isem[bg]).wait()
                pltpu.async_copy(u_hbm.at[sidx[bg]], rows[bg], gsem[bg])

            j = i - 3
            bj = (b - 3) % RING

            @pl.when(jnp.logical_and(j >= 0, j < CH2))
            def _(bj=bj):
                pltpu.make_async_copy(
                    u_hbm.at[sidx[bj]], rows[bj], gsem[bj]).wait()
                pltpu.sync_copy(rows[bj], acc.at[didx[bj]], add=True)

    plsc.subcore_barrier()

    @pl.loop(0, CPT)
    def _wout(j):
        q = s + NS * j

        @pl.when(q < NCH)
        def _():
            r0 = q * WC
            pltpu.sync_copy(acc.at[pl.ds(r0, WC)],
                            out_hbm.at[c, pl.ds(r0, WC)])



def _tc_m1_body(x_ref, w_ref, m_ref):
    m_ref[...] = jnp.dot(x_ref[...], w_ref[...],
                         preferred_element_type=jnp.float32)


def _tc_m1(x, w1):
    return pl.pallas_call(
        _tc_m1_body,
        grid=(NB,),
        in_specs=[
            pl.BlockSpec((BN, H), lambda i: (i, 0)),
            pl.BlockSpec((H, H), lambda i: (0, 0)),
        ],
        out_specs=pl.BlockSpec((BN, H), lambda i: (i, 0)),
        out_shape=jax.ShapeDtypeStruct((N, H), jnp.float32),
    )(x, w1)


def _tc1_body(degp_ref, x_ref, w_ref, u_ref, dis_ref):
    deg = 1.0 + degp_ref[0, :, 0] + degp_ref[1, :, 0]
    dis = lax.rsqrt(deg)[:, None]
    u_ref[...] = dis * jnp.dot(x_ref[...], w_ref[...],
                               preferred_element_type=jnp.float32)
    dis_ref[...] = dis


def _tc1(deg_parts, x, w1):
    return pl.pallas_call(
        _tc1_body,
        grid=(NB,),
        in_specs=[
            pl.BlockSpec((NC, BN, 16), lambda i: (0, i, 0)),
            pl.BlockSpec((BN, H), lambda i: (i, 0)),
            pl.BlockSpec((H, H), lambda i: (0, 0)),
        ],
        out_specs=[
            pl.BlockSpec((BN, H), lambda i: (i, 0)),
            pl.BlockSpec((BN, 1), lambda i: (i, 0)),
        ],
        out_shape=[
            jax.ShapeDtypeStruct((N, H), jnp.float32),
            jax.ShapeDtypeStruct((N, 1), jnp.float32),
        ],
    )(deg_parts, x, w1)


def _tc_layer_body(s_ref, u_ref, dis_ref, b_ref, w_ref, out_ref):
    st = s_ref[0] + s_ref[1]
    h = jnp.maximum(dis_ref[...] * (st + u_ref[...]) + b_ref[...], 0.0)
    out_ref[...] = dis_ref[...] * jnp.dot(h, w_ref[...],
                                          preferred_element_type=jnp.float32)


def _tc_layer(s_parts, u, dis, b, w_next):
    return pl.pallas_call(
        _tc_layer_body,
        grid=(NB,),
        in_specs=[
            pl.BlockSpec((NC, BN, H), lambda i: (0, i, 0)),
            pl.BlockSpec((BN, H), lambda i: (i, 0)),
            pl.BlockSpec((BN, 1), lambda i: (i, 0)),
            pl.BlockSpec((1, H), lambda i: (0, 0)),
            pl.BlockSpec((H, H), lambda i: (0, 0)),
        ],
        out_specs=pl.BlockSpec((BN, H), lambda i: (i, 0)),
        out_shape=jax.ShapeDtypeStruct((N, H), jnp.float32),
    )(s_parts, u, dis, b, w_next)


def _tc_head_body(s_ref, u_ref, dis_ref, b_ref, batch_ref,
                  wm1_ref, bm1_ref, wm2_ref, bm2_ref, out_ref, sums, cnts):
    i = pl.program_id(0)

    @pl.when(i == 0)
    def _():
        sums[...] = jnp.zeros_like(sums)
        cnts[...] = jnp.zeros_like(cnts)

    st = s_ref[0] + s_ref[1]
    h = jnp.maximum(dis_ref[...] * (st + u_ref[...]) + b_ref[...], 0.0)
    seg = batch_ref[0, 0, :]
    gids = lax.broadcasted_iota(jnp.int32, (G, BN), 0)
    onehot = (gids == seg[None, :]).astype(jnp.float32)
    sums[...] += jnp.dot(onehot, h, preferred_element_type=jnp.float32)
    cnts[...] += jnp.sum(onehot, axis=1)[:, None]

    @pl.when(i == pl.num_programs(0) - 1)
    def _():
        pooled = sums[...] / jnp.maximum(cnts[...], 1.0)
        z = jnp.maximum(jnp.dot(pooled, wm1_ref[...],
                                preferred_element_type=jnp.float32)
                        + bm1_ref[...], 0.0)
        out_ref[...] = jnp.dot(z, wm2_ref[...],
                               preferred_element_type=jnp.float32) + bm2_ref[...]


def _tc_head(s_parts, u, dis, b, batch2d, wm1, bm1, wm2, bm2):
    return pl.pallas_call(
        _tc_head_body,
        grid=(NB,),
        in_specs=[
            pl.BlockSpec((NC, BN, H), lambda i: (0, i, 0)),
            pl.BlockSpec((BN, H), lambda i: (i, 0)),
            pl.BlockSpec((BN, 1), lambda i: (i, 0)),
            pl.BlockSpec((1, H), lambda i: (0, 0)),
            pl.BlockSpec((1, 1, BN), lambda i: (i, 0, 0)),
            pl.BlockSpec((H, H // 2), lambda i: (0, 0)),
            pl.BlockSpec((1, H // 2), lambda i: (0, 0)),
            pl.BlockSpec((H // 2, 1), lambda i: (0, 0)),
            pl.BlockSpec((1, 1), lambda i: (0, 0)),
        ],
        out_specs=pl.BlockSpec((G, 1), lambda i: (0, 0)),
        out_shape=jax.ShapeDtypeStruct((G, 1), jnp.float32),
        scratch_shapes=[
            pltpu.VMEM((G, H), jnp.float32),
            pltpu.VMEM((G, H), jnp.float32),
        ],
    )(s_parts, u, dis, b, batch2d, wm1, bm1, wm2, bm2)



def kernel(x, edge_index, batch, W1, b1, W2, b2, W3, b3, Wm1, bm1, Wm2, bm2):
    src = edge_index[0]
    dst = edge_index[1]

    deg_parts = _sc_degree(dst)
    u1, dis = _tc1(deg_parts, x, W1)

    s1 = _sc_scatter(u1, src, dst)
    u2 = _tc_layer(s1, u1, dis, b1.reshape(1, H), W2)

    s2 = _sc_scatter(u2, src, dst)
    u3 = _tc_layer(s2, u2, dis, b2.reshape(1, H), W3)

    s3 = _sc_scatter(u3, src, dst)
    out = _tc_head(s3, u3, dis, b3.reshape(1, H), batch.reshape(NB, 1, BN),
                   Wm1, bm1.reshape(1, H // 2), Wm2, bm2.reshape(1, 1))
    return out.reshape(-1)

# --- scband reference (transcript-rebuilt; emitter-appended) ---
"""Pipeline reference for scband-gnn-74990128988715 (READ-ONLY COPY).

The authoritative reference and input builder live on the scoring server;
editing this copy changes nothing except your own understanding.
"""

import jax, jax.numpy as jnp
import numpy as np

N = 10000
E = 320000
D = 128
H = 128
G = 16


def setup_inputs(seed: int = 0) -> dict:
    key = jax.random.key(seed)
    ks = jax.random.split(key, 16)
    x = jax.random.normal(ks[0], (N, D), dtype=jnp.float32)
    edge_index = jax.random.randint(ks[1], (2, E), 0, N, dtype=jnp.int32)
    batch = jnp.sort(jax.random.randint(ks[2], (N,), 0, G, dtype=jnp.int32))
    s = 0.05
    W1 = jax.random.normal(ks[3], (D, H), dtype=jnp.float32) * s
    b1 = jnp.zeros((H,), dtype=jnp.float32)
    W2 = jax.random.normal(ks[4], (H, H), dtype=jnp.float32) * s
    b2 = jnp.zeros((H,), dtype=jnp.float32)
    W3 = jax.random.normal(ks[5], (H, H), dtype=jnp.float32) * s
    b3 = jnp.zeros((H,), dtype=jnp.float32)
    Wm1 = jax.random.normal(ks[6], (H, H // 2), dtype=jnp.float32) * s
    bm1 = jnp.zeros((H // 2,), dtype=jnp.float32)
    Wm2 = jax.random.normal(ks[7], (H // 2, 1), dtype=jnp.float32) * s
    bm2 = jnp.zeros((1,), dtype=jnp.float32)
    return {"x": x, "edge_index": edge_index, "batch": batch,
            "W1": W1, "b1": b1, "W2": W2, "b2": b2, "W3": W3, "b3": b3,
            "Wm1": Wm1, "bm1": bm1, "Wm2": Wm2, "bm2": bm2}


def _gcn_layer(x, edge_index, W, b):
    # PyG GCNConv: add self-loops, symmetric normalization D^-1/2 A D^-1/2,
    # linear transform, scatter-add aggregation, bias.
    loops = jnp.arange(N, dtype=edge_index.dtype)
    src = jnp.concatenate([edge_index[0], loops])
    dst = jnp.concatenate([edge_index[1], loops])
    deg = jnp.zeros((N,), x.dtype).at[dst].add(1.0)
    dis = jnp.where(deg > 0, jax.lax.rsqrt(jnp.maximum(deg, 1e-12)), 0.0)
    norm = dis[src] * dis[dst]
    xw = x @ W
    msg = xw[src] * norm[:, None]
    out = jnp.zeros((N, W.shape[1]), x.dtype).at[dst].add(msg)
    return out + b


def reference(x, edge_index, batch, W1, b1, W2, b2, W3, b3, Wm1, bm1, Wm2, bm2):
    h = jax.nn.relu(_gcn_layer(x, edge_index, W1, b1))
    h = jax.nn.relu(_gcn_layer(h, edge_index, W2, b2))
    h = jax.nn.relu(_gcn_layer(h, edge_index, W3, b3))
    # global_mean_pool over graph segment ids
    sums = jax.ops.segment_sum(h, batch, num_segments=G)
    counts = jax.ops.segment_sum(jnp.ones((N, 1), h.dtype), batch, num_segments=G)
    pooled = sums / jnp.maximum(counts, 1.0)
    # MLP head (dropout is identity at inference)
    z = jax.nn.relu(pooled @ Wm1 + bm1)
    out = (z @ Wm2 + bm2).reshape(-1)
    return out

if __name__ == "__main__":
    import jax
    _d = setup_inputs()
    print(jax.jit(kernel)(*tuple(_d.values())))

</pallas_src>

<mosaic_0001>
#map = affine_map<(d0, d1) -> (0, 0)>
#map1 = affine_map<(d0, d1) -> (0)>
#map2 = affine_map<(d0, d1) -> (0, 0, 0)>
module attributes {stable_mosaic.version = 14 : i64} {
  func.func @_sc_scatter(%arg0: i32, %arg1: i32, %arg2: memref<10000x128xf32, #tpu.memory_space<hbm>>, %arg3: memref<320000xi32, #tpu.memory_space<hbm>>, %arg4: memref<320000xi32, #tpu.memory_space<hbm>>, %arg5: memref<2x10000x128xf32, #tpu.memory_space<hbm>>, %arg6: memref<80xi32, #tpu.memory_space<vmem>>, %arg7: memref<80xi32, #tpu.memory_space<vmem>>, %arg8: memref<80xi32, #tpu.memory_space<vmem>>, %arg9: memref<80xi32, #tpu.memory_space<vmem>>, %arg10: memref<80xi32, #tpu.memory_space<vmem>>, %arg11: memref<80xi32, #tpu.memory_space<vmem>>, %arg12: memref<80xi32, #tpu.memory_space<vmem>>, %arg13: memref<80xi32, #tpu.memory_space<vmem>>, %arg14: memref<80x128xf32, #tpu.memory_space<vmem>>, %arg15: memref<80x128xf32, #tpu.memory_space<vmem>>, %arg16: memref<80x128xf32, #tpu.memory_space<vmem>>, %arg17: memref<80x128xf32, #tpu.memory_space<vmem>>, %arg18: memref<10000x128xf32, #tpu.memory_space<vmem_shared>>, %arg19: memref<!tpu.dma_semaphore, #tpu.memory_space<semaphore_mem>>, %arg20: memref<!tpu.dma_semaphore, #tpu.memory_space<semaphore_mem>>, %arg21: memref<!tpu.dma_semaphore, #tpu.memory_space<semaphore_mem>>, %arg22: memref<!tpu.dma_semaphore, #tpu.memory_space<semaphore_mem>>, %arg23: memref<!tpu.dma_semaphore, #tpu.memory_space<semaphore_mem>>, %arg24: memref<!tpu.dma_semaphore, #tpu.memory_space<semaphore_mem>>, %arg25: memref<!tpu.dma_semaphore, #tpu.memory_space<semaphore_mem>>, %arg26: memref<!tpu.dma_semaphore, #tpu.memory_space<semaphore_mem>>) attributes {dimension_semantics = [#tpu.dimension_semantics<core_parallel>, #tpu.dimension_semantics<subcore_parallel>], iteration_bounds = array<i64: 2, 16>, scalar_prefetch = 0 : i64, scratch_operands = 21 : i64, tpu.core_type = #tpu.core_type<sc_vector_subcore>, window_params = [{transform_indices = #map}, {transform_indices = #map1}, {transform_indices = #map1}, {transform_indices = #map2}]} {
    %mul3A = arith.constant 2 : i32
    %mul3A_0 = arith.muli %arg1, %mul3A : i32
    %add3A = arith.addi %mul3A_0, %arg0 : i32
    %broadcast_in_dim3A = arith.constant 0.000000e+00 : f32
    %broadcast_in_dim3A_1 = vector.broadcast %broadcast_in_dim3A : f32 to vector<16xf32>
    %scan3A = arith.constant 0 : i32
    %scan3A_2 = arith.constant 80 : i32
    %scan3A_3 = arith.addi %scan3A, %scan3A_2 : i32
    %scan3A_4 = arith.constant 1 : i32
    scf.for %scan3A_24 = %scan3A to %scan3A_3 step %scan3A_4  : i32 {
      %mul3A_25 = arith.constant 1 : i32
      %mul3A_26 = arith.muli %scan3A_24, %mul3A_25 : i32
      %add3A_27 = arith.constant 0 : i32
      %add3A_28 = arith.addi %add3A_27, %mul3A_26 : i32
      %swap3A = arith.index_cast %add3A_28 : i32 to index
      %swap3A_29 = arith.constant 0 : index
      %swap3A_30 = tpu.vector_load %arg14[%swap3A, %swap3A_29] {strides = array<i32>} : memref<80x128xf32, #tpu.memory_space<vmem>>, vector<1x16xf32>,
      %swap3A_31 = vector.shape_cast %swap3A_30 : vector<1x16xf32> to vector<16xf32>
      %swap3A_32 = vector.shape_cast %broadcast_in_dim3A_1 : vector<16xf32> to vector<1x16xf32>
      tpu.vector_store %arg14[%swap3A, %swap3A_29], %swap3A_32 {strides = array<i32>} : memref<80x128xf32, #tpu.memory_space<vmem>>, vector<1x16xf32>,
      %swap3A_33 = arith.index_cast %add3A_28 : i32 to index
      %swap3A_34 = arith.constant 16 : index
      %swap3A_35 = tpu.vector_load %arg14[%swap3A_33, %swap3A_34] {strides = array<i32>} : memref<80x128xf32, #tpu.memory_space<vmem>>, vector<1x16xf32>,
      %swap3A_36 = vector.shape_cast %swap3A_35 : vector<1x16xf32> to vector<16xf32>
      %swap3A_37 = vector.shape_cast %broadcast_in_dim3A_1 : vector<16xf32> to vector<1x16xf32>
      tpu.vector_store %arg14[%swap3A_33, %swap3A_34], %swap3A_37 {strides = array<i32>} : memref<80x128xf32, #tpu.memory_space<vmem>>, vector<1x16xf32>,
      %swap3A_38 = arith.index_cast %add3A_28 : i32 to index
      %swap3A_39 = arith.constant 32 : index
      %swap3A_40 = tpu.vector_load %arg14[%swap3A_38, %swap3A_39] {strides = array<i32>} : memref<80x128xf32, #tpu.memory_space<vmem>>, vector<1x16xf32>,
      %swap3A_41 = vector.shape_cast %swap3A_40 : vector<1x16xf32> to vector<16xf32>
      %swap3A_42 = vector.shape_cast %broadcast_in_dim3A_1 : vector<16xf32> to vector<1x16xf32>
      tpu.vector_store %arg14[%swap3A_38, %swap3A_39], %swap3A_42 {strides = array<i32>} : memref<80x128xf32, #tpu.memory_space<vmem>>, vector<1x16xf32>,
      %swap3A_43 = arith.index_cast %add3A_28 : i32 to index
      %swap3A_44 = arith.constant 48 : index
      %swap3A_45 = tpu.vector_load %arg14[%swap3A_43, %swap3A_44] {strides = array<i32>} : memref<80x128xf32, #tpu.memory_space<vmem>>, vector<1x16xf32>,
      %swap3A_46 = vector.shape_cast %swap3A_45 : vector<1x16xf32> to vector<16xf32>
      %swap3A_47 = vector.shape_cast %broadcast_in_dim3A_1 : vector<16xf32> to vector<1x16xf32>
      tpu.vector_store %arg14[%swap3A_43, %swap3A_44], %swap3A_47 {strides = array<i32>} : memref<80x128xf32, #tpu.memory_space<vmem>>, vector<1x16xf32>,
      %swap3A_48 = arith.index_cast %add3A_28 : i32 to index
      %swap3A_49 = arith.constant 64 : index
      %swap3A_50 = tpu.vector_load %arg14[%swap3A_48, %swap3A_49] {strides = array<i32>} : memref<80x128xf32, #tpu.memory_space<vmem>>, vector<1x16xf32>,
      %swap3A_51 = vector.shape_cast %swap3A_50 : vector<1x16xf32> to vector<16xf32>
      %swap3A_52 = vector.shape_cast %broadcast_in_dim3A_1 : vector<16xf32> to vector<1x16xf32>
      tpu.vector_store %arg14[%swap3A_48, %swap3A_49], %swap3A_52 {strides = array<i32>} : memref<80x128xf32, #tpu.memory_space<vmem>>, vector<1x16xf32>,
      %swap3A_53 = arith.index_cast %add3A_28 : i32 to index
      %swap3A_54 = arith.constant 80 : index
      %swap3A_55 = tpu.vector_load %arg14[%swap3A_53, %swap3A_54] {strides = array<i32>} : memref<80x128xf32, #tpu.memory_space<vmem>>, vector<1x16xf32>,
      %swap3A_56 = vector.shape_cast %swap3A_55 : vector<1x16xf32> to vector<16xf32>
      %swap3A_57 = vector.shape_cast %broadcast_in_dim3A_1 : vector<16xf32> to vector<1x16xf32>
      tpu.vector_store %arg14[%swap3A_53, %swap3A_54], %swap3A_57 {strides = array<i32>} : memref<80x128xf32, #tpu.memory_space<vmem>>, vector<1x16xf32>,
      %swap3A_58 = arith.index_cast %add3A_28 : i32 to index
      %swap3A_59 = arith.constant 96 : index
      %swap3A_60 = tpu.vector_load %arg14[%swap3A_58, %swap3A_59] {strides = array<i32>} : memref<80x128xf32, #tpu.memory_space<vmem>>, vector<1x16xf32>,
      %swap3A_61 = vector.shape_cast %swap3A_60 : vector<1x16xf32> to vector<16xf32>
      %swap3A_62 = vector.shape_cast %broadcast_in_dim3A_1 : vector<16xf32> to vector<1x16xf32>
      tpu.vector_store %arg14[%swap3A_58, %swap3A_59], %swap3A_62 {strides = array<i32>} : memref<80x128xf32, #tpu.memory_space<vmem>>, vector<1x16xf32>,
      %swap3A_63 = arith.index_cast %add3A_28 : i32 to index
      %swap3A_64 = arith.constant 112 : index
      %swap3A_65 = tpu.vector_load %arg14[%swap3A_63, %swap3A_64] {strides = array<i32>} : memref<80x128xf32, #tpu.memory_space<vmem>>, vector<1x16xf32>,
      %swap3A_66 = vector.shape_cast %swap3A_65 : vector<1x16xf32> to vector<16xf32>
      %swap3A_67 = vector.shape_cast %broadcast_in_dim3A_1 : vector<16xf32> to vector<1x16xf32>
      tpu.vector_store %arg14[%swap3A_63, %swap3A_64], %swap3A_67 {strides = array<i32>} : memref<80x128xf32, #tpu.memory_space<vmem>>, vector<1x16xf32>,
    }
    %scan3A_5 = arith.constant 80 : i32
    %scan3A_6 = arith.constant 0 : i32
    %scan3A_7 = arith.constant 8 : i32
    %scan3A_8 = arith.addi %scan3A_6, %scan3A_7 : i32
    %scan3A_9 = arith.constant 1 : i32
    scf.for %scan3A_24 = %scan3A_6 to %scan3A_8 step %scan3A_9  : i32 {
      %mul3A_25 = arith.constant 1 : i32
      %mul3A_26 = arith.muli %scan3A_24, %mul3A_25 : i32
      %add3A_27 = arith.constant 0 : i32
      %add3A_28 = arith.addi %add3A_27, %mul3A_26 : i32
      %mul3A_29 = arith.constant 16 : i32
      %mul3A_30 = arith.muli %mul3A_29, %add3A_28 : i32
      %add3A_31 = arith.addi %arg1, %mul3A_30 : i32
      %lt3A = arith.constant 125 : i32
      %lt3A_32 = arith.cmpi slt, %add3A_31, %lt3A : i32
      %convert_element_type3A = arith.extui %lt3A_32 : i1 to i32
      %cond3A = arith.constant 0 : i32
      %cond3A_33 = arith.cmpi ne, %convert_element_type3A, %cond3A : i32
      scf.if %cond3A_33 {
        %mul3A_34 = arith.constant 80 : i32
        %mul3A_35 = arith.muli %add3A_31, %mul3A_34 : i32
        "tpu.region"() ({
          %run_scoped3A = tpu.sem_alloc : memref<!tpu.dma_semaphore, #tpu.memory_space<semaphore_mem>>
          %dma_start3A = arith.constant 0 : i32
          %dma_start3A_36 = arith.constant 0 : i32
          %dma_start3A_37 = tpu.memref_slice %arg14[%dma_start3A, %dma_start3A_36] : memref<80x128xf32, #tpu.memory_space<vmem>> -> memref<80x128xf32, #tpu.memory_space<vmem>>
          %dma_start3A_38 = arith.constant 0 : i32
          %dma_start3A_39 = tpu.memref_slice %arg18[%mul3A_35, %dma_start3A_38] : memref<10000x128xf32, #tpu.memory_space<vmem_shared>> -> memref<80x128xf32, #tpu.memory_space<vmem_shared>>
          %dma_start3A_40 = arith.constant 0 : i32
          %dma_start3A_41 = tpu.memref_slice %arg18[%mul3A_35, %dma_start3A_40] : memref<10000x128xf32, #tpu.memory_space<vmem_shared>> -> memref<80x128xf32, #tpu.memory_space<vmem_shared>>
          %dma_start3A_42 = arith.constant 0 : i32
          %dma_start3A_43 = arith.constant 0 : i32
          %dma_start3A_44 = tpu.memref_slice %arg14[%dma_start3A_42, %dma_start3A_43] : memref<80x128xf32, #tpu.memory_space<vmem>> -> memref<80x128xf32, #tpu.memory_space<vmem>>
          tpu.enqueue_dma source(%dma_start3A_44 : memref<80x128xf32, #tpu.memory_space<vmem>>) target(%dma_start3A_41 : memref<80x128xf32, #tpu.memory_space<vmem_shared>>) target_semaphore(%run_scoped3A : memref<!tpu.dma_semaphore, #tpu.memory_space<semaphore_mem>>)
          %dma_wait3A = arith.constant 0 : i32
          %dma_wait3A_45 = arith.constant 0 : i32
          %dma_wait3A_46 = tpu.memref_slice %arg14[%dma_wait3A, %dma_wait3A_45] : memref<80x128xf32, #tpu.memory_space<vmem>> -> memref<80x128xf32, #tpu.memory_space<vmem>>
          %dma_wait3A_47 = arith.constant 0 : i32
          %dma_wait3A_48 = tpu.memref_slice %arg18[%mul3A_35, %dma_wait3A_47] : memref<10000x128xf32, #tpu.memory_space<vmem_shared>> -> memref<80x128xf32, #tpu.memory_space<vmem_shared>>
          %dma_wait3A_49 = arith.constant 0 : i32
          %dma_wait3A_50 = tpu.memref_slice %arg18[%mul3A_35, %dma_wait3A_49] : memref<10000x128xf32, #tpu.memory_space<vmem_shared>> -> memref<80x128xf32, #tpu.memory_space<vmem_shared>>
          %dma_wait3A_51 = arith.constant 0 : i32
          %dma_wait3A_52 = arith.constant 0 : i32
          %dma_wait3A_53 = tpu.memref_slice %arg14[%dma_wait3A_51, %dma_wait3A_52] : memref<80x128xf32, #tpu.memory_space<vmem>> -> memref<80x128xf32, #tpu.memory_space<vmem>>
          tpu.wait_dma2 semaphore(%run_scoped3A : memref<!tpu.dma_semaphore, #tpu.memory_space<semaphore_mem>>) src(%dma_wait3A_53 : memref<80x128xf32, #tpu.memory_space<vmem>>) dst(%dma_wait3A_50 : memref<80x128xf32, #tpu.memory_space<vmem_shared>>)
          tpu.yield
        }) : () -> ()
      } else {
      }
    }
    %scan3A_10 = arith.constant 8 : i32
    %barrier3A = arith.constant 0 : index
    tpu.barrier barrier_id(%barrier3A)
    %mul3A_11 = arith.constant 10000 : i32
    %mul3A_12 = arith.muli %add3A, %mul3A_11 : i32
    %scan3A_13 = arith.constant 0 : i32
    %scan3A_14 = arith.constant 33 : i32
    %scan3A_15 = arith.addi %scan3A_13, %scan3A_14 : i32
    %scan3A_16 = arith.constant 1 : i32
    scf.for %scan3A_24 = %scan3A_13 to %scan3A_15 step %scan3A_16  : i32 {
      %mul3A_25 = arith.constant 1 : i32
      %mul3A_26 = arith.muli %scan3A_24, %mul3A_25 : i32
      %add3A_27 = arith.constant 0 : i32
      %add3A_28 = arith.addi %add3A_27, %mul3A_26 : i32
      %mul3A_29 = arith.constant 4 : i32
      %mul3A_30 = arith.muli %add3A_28, %mul3A_29 : i32
      %add3A_31 = arith.constant 0 : i32
      %add3A_32 = arith.addi %mul3A_30, %add3A_31 : i32
      %lt3A = arith.constant 125 : i32
      %lt3A_33 = arith.cmpi slt, %add3A_32, %lt3A : i32
      %convert_element_type3A = arith.extui %lt3A_33 : i1 to i32
      %cond3A = arith.constant 0 : i32
      %cond3A_34 = arith.cmpi ne, %convert_element_type3A, %cond3A : i32
      scf.if %cond3A_34 {
        %mul3A_139 = arith.constant 80 : i32
        %mul3A_140 = arith.muli %add3A_32, %mul3A_139 : i32
        %add3A_141 = arith.addi %mul3A_12, %mul3A_140 : i32
        %dma_start3A = tpu.memref_slice %arg3[%add3A_141] : memref<320000xi32, #tpu.memory_space<hbm>> -> memref<80xi32, #tpu.memory_space<hbm>>
        %dma_start3A_142 = tpu.memref_slice %arg3[%add3A_141] : memref<320000xi32, #tpu.memory_space<hbm>> -> memref<80xi32, #tpu.memory_space<hbm>>
        tpu.enqueue_dma source(%dma_start3A_142 : memref<80xi32, #tpu.memory_space<hbm>>) target(%arg6 : memref<80xi32, #tpu.memory_space<vmem>>) target_semaphore(%arg19 : memref<!tpu.dma_semaphore, #tpu.memory_space<semaphore_mem>>)
        %dma_start3A_143 = tpu.memref_slice %arg4[%add3A_141] : memref<320000xi32, #tpu.memory_space<hbm>> -> memref<80xi32, #tpu.memory_space<hbm>>
        %dma_start3A_144 = tpu.memref_slice %arg4[%add3A_141] : memref<320000xi32, #tpu.memory_space<hbm>> -> memref<80xi32, #tpu.memory_space<hbm>>
        tpu.enqueue_dma source(%dma_start3A_144 : memref<80xi32, #tpu.memory_space<hbm>>) target(%arg10 : memref<80xi32, #tpu.memory_space<vmem>>) target_semaphore(%arg19 : memref<!tpu.dma_semaphore, #tpu.memory_space<semaphore_mem>>)
      } else {
      }
      %sub3A = arith.constant 1 : i32
      %sub3A_35 = arith.subi %add3A_32, %sub3A : i32
      %ge3A = arith.constant 0 : i32
      %ge3A_36 = arith.cmpi sge, %sub3A_35, %ge3A : i32
      %lt3A_37 = arith.constant 125 : i32
      %lt3A_38 = arith.cmpi slt, %sub3A_35, %lt3A_37 : i32
      %and3A = arith.andi %ge3A_36, %lt3A_38 : i1
      %convert_element_type3A_39 = arith.extui %and3A : i1 to i32
      %cond3A_40 = arith.constant 0 : i32
      %cond3A_41 = arith.cmpi ne, %convert_element_type3A_39, %cond3A_40 : i32
      scf.if %cond3A_41 {
        %mul3A_139 = arith.constant 80 : i32
        %mul3A_140 = arith.muli %sub3A_35, %mul3A_139 : i32
        %add3A_141 = arith.addi %mul3A_12, %mul3A_140 : i32
        %dma_wait3A = tpu.memref_slice %arg3[%add3A_141] : memref<320000xi32, #tpu.memory_space<hbm>> -> memref<80xi32, #tpu.memory_space<hbm>>
        %dma_wait3A_142 = tpu.memref_slice %arg3[%add3A_141] : memref<320000xi32, #tpu.memory_space<hbm>> -> memref<80xi32, #tpu.memory_space<hbm>>
        tpu.wait_dma2 semaphore(%arg22 : memref<!tpu.dma_semaphore, #tpu.memory_space<semaphore_mem>>) src(%dma_wait3A_142 : memref<80xi32, #tpu.memory_space<hbm>>) dst(%arg9 : memref<80xi32, #tpu.memory_space<vmem>>)
        %dma_wait3A_143 = tpu.memref_slice %arg4[%add3A_141] : memref<320000xi32, #tpu.memory_space<hbm>> -> memref<80xi32, #tpu.memory_space<hbm>>
        %dma_wait3A_144 = tpu.memref_slice %arg4[%add3A_141] : memref<320000xi32, #tpu.memory_space<hbm>> -> memref<80xi32, #tpu.memory_space<hbm>>
        tpu.wait_dma2 semaphore(%arg22 : memref<!tpu.dma_semaphore, #tpu.memory_space<semaphore_mem>>) src(%dma_wait3A_144 : memref<80xi32, #tpu.memory_space<hbm>>) dst(%arg13 : memref<80xi32, #tpu.memory_space<vmem>>)
        %dma_start3A = arith.constant 0 : i32
        %dma_start3A_145 = arith.constant 0 : i32
        %dma_start3A_146 = tpu.memref_slice %arg2[%dma_start3A, %dma_start3A_145] : memref<10000x128xf32, #tpu.memory_space<hbm>> -> memref<10000x128xf32, #tpu.memory_space<hbm>>
        tpu.enqueue_indirect_dma source(%dma_start3A_146 : memref<10000x128xf32, #tpu.memory_space<hbm>>) target(%arg17 : memref<80x128xf32, #tpu.memory_space<vmem>>) offsets(%arg9 : memref<80xi32, #tpu.memory_space<vmem>>) semaphore(%arg26 : memref<!tpu.dma_semaphore, #tpu.memory_space<semaphore_mem>>)
      } else {
      }
      %sub3A_42 = arith.constant 3 : i32
      %sub3A_43 = arith.subi %add3A_32, %sub3A_42 : i32
      %ge3A_44 = arith.constant 0 : i32
      %ge3A_45 = arith.cmpi sge, %sub3A_43, %ge3A_44 : i32
      %lt3A_46 = arith.constant 125 : i32
      %lt3A_47 = arith.cmpi slt, %sub3A_43, %lt3A_46 : i32
      %and3A_48 = arith.andi %ge3A_45, %lt3A_47 : i1
      %convert_element_type3A_49 = arith.extui %and3A_48 : i1 to i32
      %cond3A_50 = arith.constant 0 : i32
      %cond3A_51 = arith.cmpi ne, %convert_element_type3A_49, %cond3A_50 : i32
      scf.if %cond3A_51 {
        %dma_wait3A = arith.constant 0 : i32
        %dma_wait3A_139 = arith.constant 0 : i32
        %dma_wait3A_140 = tpu.memref_slice %arg2[%dma_wait3A, %dma_wait3A_139] : memref<10000x128xf32, #tpu.memory_space<hbm>> -> memref<10000x128xf32, #tpu.memory_space<hbm>>
        tpu.wait_indirect_dma semaphore(%arg24 : memref<!tpu.dma_semaphore, #tpu.memory_space<semaphore_mem>>) src(%dma_wait3A_140 : memref<10000x128xf32, #tpu.memory_space<hbm>>) dst(%arg15 : memref<80x128xf32, #tpu.memory_space<vmem>>)
        "tpu.region"() ({
          %run_scoped3A = tpu.sem_alloc : memref<!tpu.dma_semaphore, #tpu.memory_space<semaphore_mem>>
          %dma_start3A = arith.constant 0 : i32
          %dma_start3A_141 = arith.constant 0 : i32
          %dma_start3A_142 = tpu.memref_slice %arg18[%dma_start3A, %dma_start3A_141] : memref<10000x128xf32, #tpu.memory_space<vmem_shared>> -> memref<10000x128xf32, #tpu.memory_space<vmem_shared>>
          tpu.enqueue_indirect_dma source(%arg15 : memref<80x128xf32, #tpu.memory_space<vmem>>) target(%dma_start3A_142 : memref<10000x128xf32, #tpu.memory_space<vmem_shared>>) offsets(%arg11 : memref<80xi32, #tpu.memory_space<vmem>>) semaphore(%run_scoped3A : memref<!tpu.dma_semaphore, #tpu.memory_space<semaphore_mem>>) {add = true}
          %dma_wait3A_143 = arith.constant 0 : i32
          %dma_wait3A_144 = arith.constant 0 : i32
          %dma_wait3A_145 = tpu.memref_slice %arg18[%dma_wait3A_143, %dma_wait3A_144] : memref<10000x128xf32, #tpu.memory_space<vmem_shared>> -> memref<10000x128xf32, #tpu.memory_space<vmem_shared>>
          tpu.wait_indirect_dma semaphore(%run_scoped3A : memref<!tpu.dma_semaphore, #tpu.memory_space<semaphore_mem>>) src(%arg15 : memref<80x128xf32, #tpu.memory_space<vmem>>) dst(%dma_wait3A_145 : memref<10000x128xf32, #tpu.memory_space<vmem_shared>>)
          tpu.yield
        }) : () -> ()
      } else {
      }
      %mul3A_52 = arith.constant 4 : i32
      %mul3A_53 = arith.muli %add3A_28, %mul3A_52 : i32
      %add3A_54 = arith.constant 1 : i32
      %add3A_55 = arith.addi %mul3A_53, %add3A_54 : i32
      %lt3A_56 = arith.constant 125 : i32
      %lt3A_57 = arith.cmpi slt, %add3A_55, %lt3A_56 : i32
      %convert_element_type3A_58 = arith.extui %lt3A_57 : i1 to i32
      %cond3A_59 = arith.constant 0 : i32
      %cond3A_60 = arith.cmpi ne, %convert_element_type3A_58, %cond3A_59 : i32
      scf.if %cond3A_60 {
        %mul3A_139 = arith.constant 80 : i32
        %mul3A_140 = arith.muli %add3A_55, %mul3A_139 : i32
        %add3A_141 = arith.addi %mul3A_12, %mul3A_140 : i32
        %dma_start3A = tpu.memref_slice %arg3[%add3A_141] : memref<320000xi32, #tpu.memory_space<hbm>> -> memref<80xi32, #tpu.memory_space<hbm>>
        %dma_start3A_142 = tpu.memref_slice %arg3[%add3A_141] : memref<320000xi32, #tpu.memory_space<hbm>> -> memref<80xi32, #tpu.memory_space<hbm>>
        tpu.enqueue_dma source(%dma_start3A_142 : memref<80xi32, #tpu.memory_space<hbm>>) target(%arg7 : memref<80xi32, #tpu.memory_space<vmem>>) target_semaphore(%arg20 : memref<!tpu.dma_semaphore, #tpu.memory_space<semaphore_mem>>)
        %dma_start3A_143 = tpu.memref_slice %arg4[%add3A_141] : memref<320000xi32, #tpu.memory_space<hbm>> -> memref<80xi32, #tpu.memory_space<hbm>>
        %dma_start3A_144 = tpu.memref_slice %arg4[%add3A_141] : memref<320000xi32, #tpu.memory_space<hbm>> -> memref<80xi32, #tpu.memory_space<hbm>>
        tpu.enqueue_dma source(%dma_start3A_144 : memref<80xi32, #tpu.memory_space<hbm>>) target(%arg11 : memref<80xi32, #tpu.memory_space<vmem>>) target_semaphore(%arg20 : memref<!tpu.dma_semaphore, #tpu.memory_space<semaphore_mem>>)
      } else {
      }
      %sub3A_61 = arith.constant 1 : i32
      %sub3A_62 = arith.subi %add3A_55, %sub3A_61 : i32
      %ge3A_63 = arith.constant 0 : i32
      %ge3A_64 = arith.cmpi sge, %sub3A_62, %ge3A_63 : i32
      %lt3A_65 = arith.constant 125 : i32
      %lt3A_66 = arith.cmpi slt, %sub3A_62, %lt3A_65 : i32
      %and3A_67 = arith.andi %ge3A_64, %lt3A_66 : i1
      %convert_element_type3A_68 = arith.extui %and3A_67 : i1 to i32
      %cond3A_69 = arith.constant 0 : i32
      %cond3A_70 = arith.cmpi ne, %convert_element_type3A_68, %cond3A_69 : i32
      scf.if %cond3A_70 {
        %mul3A_139 = arith.constant 80 : i32
        %mul3A_140 = arith.muli %sub3A_62, %mul3A_139 : i32
        %add3A_141 = arith.addi %mul3A_12, %mul3A_140 : i32
        %dma_wait3A = tpu.memref_slice %arg3[%add3A_141] : memref<320000xi32, #tpu.memory_space<hbm>> -> memref<80xi32, #tpu.memory_space<hbm>>
        %dma_wait3A_142 = tpu.memref_slice %arg3[%add3A_141] : memref<320000xi32, #tpu.memory_space<hbm>> -> memref<80xi32, #tpu.memory_space<hbm>>
        tpu.wait_dma2 semaphore(%arg19 : memref<!tpu.dma_semaphore, #tpu.memory_space<semaphore_mem>>) src(%dma_wait3A_142 : memref<80xi32, #tpu.memory_space<hbm>>) dst(%arg6 : memref<80xi32, #tpu.memory_space<vmem>>)
        %dma_wait3A_143 = tpu.memref_slice %arg4[%add3A_141] : memref<320000xi32, #tpu.memory_space<hbm>> -> memref<80xi32, #tpu.memory_space<hbm>>
        %dma_wait3A_144 = tpu.memref_slice %arg4[%add3A_141] : memref<320000xi32, #tpu.memory_space<hbm>> -> memref<80xi32, #tpu.memory_space<hbm>>
        tpu.wait_dma2 semaphore(%arg19 : memref<!tpu.dma_semaphore, #tpu.memory_space<semaphore_mem>>) src(%dma_wait3A_144 : memref<80xi32, #tpu.memory_space<hbm>>) dst(%arg10 : memref<80xi32, #tpu.memory_space<vmem>>)
        %dma_start3A = arith.constant 0 : i32
        %dma_start3A_145 = arith.constant 0 : i32
        %dma_start3A_146 = tpu.memref_slice %arg2[%dma_start3A, %dma_start3A_145] : memref<10000x128xf32, #tpu.memory_space<hbm>> -> memref<10000x128xf32, #tpu.memory_space<hbm>>
        tpu.enqueue_indirect_dma source(%dma_start3A_146 : memref<10000x128xf32, #tpu.memory_space<hbm>>) target(%arg14 : memref<80x128xf32, #tpu.memory_space<vmem>>) offsets(%arg6 : memref<80xi32, #tpu.memory_space<vmem>>) semaphore(%arg23 : memref<!tpu.dma_semaphore, #tpu.memory_space<semaphore_mem>>)
      } else {
      }
      %sub3A_71 = arith.constant 3 : i32
      %sub3A_72 = arith.subi %add3A_55, %sub3A_71 : i32
      %ge3A_73 = arith.constant 0 : i32
      %ge3A_74 = arith.cmpi sge, %sub3A_72, %ge3A_73 : i32
      %lt3A_75 = arith.constant 125 : i32
      %lt3A_76 = arith.cmpi slt, %sub3A_72, %lt3A_75 : i32
      %and3A_77 = arith.andi %ge3A_74, %lt3A_76 : i1
      %convert_element_type3A_78 = arith.extui %and3A_77 : i1 to i32
      %cond3A_79 = arith.constant 0 : i32
      %cond3A_80 = arith.cmpi ne, %convert_element_type3A_78, %cond3A_79 : i32
      scf.if %cond3A_80 {
        %dma_wait3A = arith.constant 0 : i32
        %dma_wait3A_139 = arith.constant 0 : i32
        %dma_wait3A_140 = tpu.memref_slice %arg2[%dma_wait3A, %dma_wait3A_139] : memref<10000x128xf32, #tpu.memory_space<hbm>> -> memref<10000x128xf32, #tpu.memory_space<hbm>>
        tpu.wait_indirect_dma semaphore(%arg25 : memref<!tpu.dma_semaphore, #tpu.memory_space<semaphore_mem>>) src(%dma_wait3A_140 : memref<10000x128xf32, #tpu.memory_space<hbm>>) dst(%arg16 : memref<80x128xf32, #tpu.memory_space<vmem>>)
        "tpu.region"() ({
          %run_scoped3A = tpu.sem_alloc : memref<!tpu.dma_semaphore, #tpu.memory_space<semaphore_mem>>
          %dma_start3A = arith.constant 0 : i32
          %dma_start3A_141 = arith.constant 0 : i32
          %dma_start3A_142 = tpu.memref_slice %arg18[%dma_start3A, %dma_start3A_141] : memref<10000x128xf32, #tpu.memory_space<vmem_shared>> -> memref<10000x128xf32, #tpu.memory_space<vmem_shared>>
          tpu.enqueue_indirect_dma source(%arg16 : memref<80x128xf32, #tpu.memory_space<vmem>>) target(%dma_start3A_142 : memref<10000x128xf32, #tpu.memory_space<vmem_shared>>) offsets(%arg12 : memref<80xi32, #tpu.memory_space<vmem>>) semaphore(%run_scoped3A : memref<!tpu.dma_semaphore, #tpu.memory_space<semaphore_mem>>) {add = true}
          %dma_wait3A_143 = arith.constant 0 : i32
          %dma_wait3A_144 = arith.constant 0 : i32
          %dma_wait3A_145 = tpu.memref_slice %arg18[%dma_wait3A_143, %dma_wait3A_144] : memref<10000x128xf32, #tpu.memory_space<vmem_shared>> -> memref<10000x128xf32, #tpu.memory_space<vmem_shared>>
          tpu.wait_indirect_dma semaphore(%run_scoped3A : memref<!tpu.dma_semaphore, #tpu.memory_space<semaphore_mem>>) src(%arg16 : memref<80x128xf32, #tpu.memory_space<vmem>>) dst(%dma_wait3A_145 : memref<10000x128xf32, #tpu.memory_space<vmem_shared>>)
          tpu.yield
        }) : () -> ()
      } else {
      }
      %mul3A_81 = arith.constant 4 : i32
      %mul3A_82 = arith.muli %add3A_28, %mul3A_81 : i32
      %add3A_83 = arith.constant 2 : i32
      %add3A_84 = arith.addi %mul3A_82, %add3A_83 : i32
      %lt3A_85 = arith.constant 125 : i32
      %lt3A_86 = arith.cmpi slt, %add3A_84, %lt3A_85 : i32
      %convert_element_type3A_87 = arith.extui %lt3A_86 : i1 to i32
      %cond3A_88 = arith.constant 0 : i32
      %cond3A_89 = arith.cmpi ne, %convert_element_type3A_87, %cond3A_88 : i32
      scf.if %cond3A_89 {
        %mul3A_139 = arith.constant 80 : i32
        %mul3A_140 = arith.muli %add3A_84, %mul3A_139 : i32
        %add3A_141 = arith.addi %mul3A_12, %mul3A_140 : i32
        %dma_start3A = tpu.memref_slice %arg3[%add3A_141] : memref<320000xi32, #tpu.memory_space<hbm>> -> memref<80xi32, #tpu.memory_space<hbm>>
        %dma_start3A_142 = tpu.memref_slice %arg3[%add3A_141] : memref<320000xi32, #tpu.memory_space<hbm>> -> memref<80xi32, #tpu.memory_space<hbm>>
        tpu.enqueue_dma source(%dma_start3A_142 : memref<80xi32, #tpu.memory_space<hbm>>) target(%arg8 : memref<80xi32, #tpu.memory_space<vmem>>) target_semaphore(%arg21 : memref<!tpu.dma_semaphore, #tpu.memory_space<semaphore_mem>>)
        %dma_start3A_143 = tpu.memref_slice %arg4[%add3A_141] : memref<320000xi32, #tpu.memory_space<hbm>> -> memref<80xi32, #tpu.memory_space<hbm>>
        %dma_start3A_144 = tpu.memref_slice %arg4[%add3A_141] : memref<320000xi32, #tpu.memory_space<hbm>> -> memref<80xi32, #tpu.memory_space<hbm>>
        tpu.enqueue_dma source(%dma_start3A_144 : memref<80xi32, #tpu.memory_space<hbm>>) target(%arg12 : memref<80xi32, #tpu.memory_space<vmem>>) target_semaphore(%arg21 : memref<!tpu.dma_semaphore, #tpu.memory_space<semaphore_mem>>)
      } else {
      }
      %sub3A_90 = arith.constant 1 : i32
      %sub3A_91 = arith.subi %add3A_84, %sub3A_90 : i32
      %ge3A_92 = arith.constant 0 : i32
      %ge3A_93 = arith.cmpi sge, %sub3A_91, %ge3A_92 : i32
      %lt3A_94 = arith.constant 125 : i32
      %lt3A_95 = arith.cmpi slt, %sub3A_91, %lt3A_94 : i32
      %and3A_96 = arith.andi %ge3A_93, %lt3A_95 : i1
      %convert_element_type3A_97 = arith.extui %and3A_96 : i1 to i32
      %cond3A_98 = arith.constant 0 : i32
      %cond3A_99 = arith.cmpi ne, %convert_element_type3A_97, %cond3A_98 : i32
      scf.if %cond3A_99 {
        %mul3A_139 = arith.constant 80 : i32
        %mul3A_140 = arith.muli %sub3A_91, %mul3A_139 : i32
        %add3A_141 = arith.addi %mul3A_12, %mul3A_140 : i32
        %dma_wait3A = tpu.memref_slice %arg3[%add3A_141] : memref<320000xi32, #tpu.memory_space<hbm>> -> memref<80xi32, #tpu.memory_space<hbm>>
        %dma_wait3A_142 = tpu.memref_slice %arg3[%add3A_141] : memref<320000xi32, #tpu.memory_space<hbm>> -> memref<80xi32, #tpu.memory_space<hbm>>
        tpu.wait_dma2 semaphore(%arg20 : memref<!tpu.dma_semaphore, #tpu.memory_space<semaphore_mem>>) src(%dma_wait3A_142 : memref<80xi32, #tpu.memory_space<hbm>>) dst(%arg7 : memref<80xi32, #tpu.memory_space<vmem>>)
        %dma_wait3A_143 = tpu.memref_slice %arg4[%add3A_141] : memref<320000xi32, #tpu.memory_space<hbm>> -> memref<80xi32, #tpu.memory_space<hbm>>
        %dma_wait3A_144 = tpu.memref_slice %arg4[%add3A_141] : memref<320000xi32, #tpu.memory_space<hbm>> -> memref<80xi32, #tpu.memory_space<hbm>>
        tpu.wait_dma2 semaphore(%arg20 : memref<!tpu.dma_semaphore, #tpu.memory_space<semaphore_mem>>) src(%dma_wait3A_144 : memref<80xi32, #tpu.memory_space<hbm>>) dst(%arg11 : memref<80xi32, #tpu.memory_space<vmem>>)
        %dma_start3A = arith.constant 0 : i32
        %dma_start3A_145 = arith.constant 0 : i32
        %dma_start3A_146 = tpu.memref_slice %arg2[%dma_start3A, %dma_start3A_145] : memref<10000x128xf32, #tpu.memory_space<hbm>> -> memref<10000x128xf32, #tpu.memory_space<hbm>>
        tpu.enqueue_indirect_dma source(%dma_start3A_146 : memref<10000x128xf32, #tpu.memory_space<hbm>>) target(%arg15 : memref<80x128xf32, #tpu.memory_space<vmem>>) offsets(%arg7 : memref<80xi32, #tpu.memory_space<vmem>>) semaphore(%arg24 : memref<!tpu.dma_semaphore, #tpu.memory_space<semaphore_mem>>)
      } else {
      }
      %sub3A_100 = arith.constant 3 : i32
      %sub3A_101 = arith.subi %add3A_84, %sub3A_100 : i32
      %ge3A_102 = arith.constant 0 : i32
      %ge3A_103 = arith.cmpi sge, %sub3A_101, %ge3A_102 : i32
      %lt3A_104 = arith.constant 125 : i32
      %lt3A_105 = arith.cmpi slt, %sub3A_101, %lt3A_104 : i32
      %and3A_106 = arith.andi %ge3A_103, %lt3A_105 : i1
      %convert_element_type3A_107 = arith.extui %and3A_106 : i1 to i32
      %cond3A_108 = arith.constant 0 : i32
      %cond3A_109 = arith.cmpi ne, %convert_element_type3A_107, %cond3A_108 : i32
      scf.if %cond3A_109 {
        %dma_wait3A = arith.constant 0 : i32
        %dma_wait3A_139 = arith.constant 0 : i32
        %dma_wait3A_140 = tpu.memref_slice %arg2[%dma_wait3A, %dma_wait3A_139] : memref<10000x128xf32, #tpu.memory_space<hbm>> -> memref<10000x128xf32, #tpu.memory_space<hbm>>
        tpu.wait_indirect_dma semaphore(%arg26 : memref<!tpu.dma_semaphore, #tpu.memory_space<semaphore_mem>>) src(%dma_wait3A_140 : memref<10000x128xf32, #tpu.memory_space<hbm>>) dst(%arg17 : memref<80x128xf32, #tpu.memory_space<vmem>>)
        "tpu.region"() ({
          %run_scoped3A = tpu.sem_alloc : memref<!tpu.dma_semaphore, #tpu.memory_space<semaphore_mem>>
          %dma_start3A = arith.constant 0 : i32
          %dma_start3A_141 = arith.constant 0 : i32
          %dma_start3A_142 = tpu.memref_slice %arg18[%dma_start3A, %dma_start3A_141] : memref<10000x128xf32, #tpu.memory_space<vmem_shared>> -> memref<10000x128xf32, #tpu.memory_space<vmem_shared>>
          tpu.enqueue_indirect_dma source(%arg17 : memref<80x128xf32, #tpu.memory_space<vmem>>) target(%dma_start3A_142 : memref<10000x128xf32, #tpu.memory_space<vmem_shared>>) offsets(%arg13 : memref<80xi32, #tpu.memory_space<vmem>>) semaphore(%run_scoped3A : memref<!tpu.dma_semaphore, #tpu.memory_space<semaphore_mem>>) {add = true}
          %dma_wait3A_143 = arith.constant 0 : i32
          %dma_wait3A_144 = arith.constant 0 : i32
          %dma_wait3A_145 = tpu.memref_slice %arg18[%dma_wait3A_143, %dma_wait3A_144] : memref<10000x128xf32, #tpu.memory_space<vmem_shared>> -> memref<10000x128xf32, #tpu.memory_space<vmem_shared>>
          tpu.wait_indirect_dma semaphore(%run_scoped3A : memref<!tpu.dma_semaphore, #tpu.memory_space<semaphore_mem>>) src(%arg17 : memref<80x128xf32, #tpu.memory_space<vmem>>) dst(%dma_wait3A_145 : memref<10000x128xf32, #tpu.memory_space<vmem_shared>>)
          tpu.yield
        }) : () -> ()
      } else {
      }
      %mul3A_110 = arith.constant 4 : i32
      %mul3A_111 = arith.muli %add3A_28, %mul3A_110 : i32
      %add3A_112 = arith.constant 3 : i32
      %add3A_113 = arith.addi %mul3A_111, %add3A_112 : i32
      %lt3A_114 = arith.constant 125 : i32
      %lt3A_115 = arith.cmpi slt, %add3A_113, %lt3A_114 : i32
      %convert_element_type3A_116 = arith.extui %lt3A_115 : i1 to i32
      %cond3A_117 = arith.constant 0 : i32
      %cond3A_118 = arith.cmpi ne, %convert_element_type3A_116, %cond3A_117 : i32
      scf.if %cond3A_118 {
        %mul3A_139 = arith.constant 80 : i32
        %mul3A_140 = arith.muli %add3A_113, %mul3A_139 : i32
        %add3A_141 = arith.addi %mul3A_12, %mul3A_140 : i32
        %dma_start3A = tpu.memref_slice %arg3[%add3A_141] : memref<320000xi32, #tpu.memory_space<hbm>> -> memref<80xi32, #tpu.memory_space<hbm>>
        %dma_start3A_142 = tpu.memref_slice %arg3[%add3A_141] : memref<320000xi32, #tpu.memory_space<hbm>> -> memref<80xi32, #tpu.memory_space<hbm>>
        tpu.enqueue_dma source(%dma_start3A_142 : memref<80xi32, #tpu.memory_space<hbm>>) target(%arg9 : memref<80xi32, #tpu.memory_space<vmem>>) target_semaphore(%arg22 : memref<!tpu.dma_semaphore, #tpu.memory_space<semaphore_mem>>)
        %dma_start3A_143 = tpu.memref_slice %arg4[%add3A_141] : memref<320000xi32, #tpu.memory_space<hbm>> -> memref<80xi32, #tpu.memory_space<hbm>>
        %dma_start3A_144 = tpu.memref_slice %arg4[%add3A_141] : memref<320000xi32, #tpu.memory_space<hbm>> -> memref<80xi32, #tpu.memory_space<hbm>>
        tpu.enqueue_dma source(%dma_start3A_144 : memref<80xi32, #tpu.memory_space<hbm>>) target(%arg13 : memref<80xi32, #tpu.memory_space<vmem>>) target_semaphore(%arg22 : memref<!tpu.dma_semaphore, #tpu.memory_space<semaphore_mem>>)
      } else {
      }
      %sub3A_119 = arith.constant 1 : i32
      %sub3A_120 = arith.subi %add3A_113, %sub3A_119 : i32
      %ge3A_121 = arith.constant 0 : i32
      %ge3A_122 = arith.cmpi sge, %sub3A_120, %ge3A_121 : i32
      %lt3A_123 = arith.constant 125 : i32
      %lt3A_124 = arith.cmpi slt, %sub3A_120, %lt3A_123 : i32
      %and3A_125 = arith.andi %ge3A_122, %lt3A_124 : i1
      %convert_element_type3A_126 = arith.extui %and3A_125 : i1 to i32
      %cond3A_127 = arith.constant 0 : i32
      %cond3A_128 = arith.cmpi ne, %convert_element_type3A_126, %cond3A_127 : i32
      scf.if %cond3A_128 {
        %mul3A_139 = arith.constant 80 : i32
        %mul3A_140 = arith.muli %sub3A_120, %mul3A_139 : i32
        %add3A_141 = arith.addi %mul3A_12, %mul3A_140 : i32
        %dma_wait3A = tpu.memref_slice %arg3[%add3A_141] : memref<320000xi32, #tpu.memory_space<hbm>> -> memref<80xi32, #tpu.memory_space<hbm>>
        %dma_wait3A_142 = tpu.memref_slice %arg3[%add3A_141] : memref<320000xi32, #tpu.memory_space<hbm>> -> memref<80xi32, #tpu.memory_space<hbm>>
        tpu.wait_dma2 semaphore(%arg21 : memref<!tpu.dma_semaphore, #tpu.memory_space<semaphore_mem>>) src(%dma_wait3A_142 : memref<80xi32, #tpu.memory_space<hbm>>) dst(%arg8 : memref<80xi32, #tpu.memory_space<vmem>>)
        %dma_wait3A_143 = tpu.memref_slice %arg4[%add3A_141] : memref<320000xi32, #tpu.memory_space<hbm>> -> memref<80xi32, #tpu.memory_space<hbm>>
        %dma_wait3A_144 = tpu.memref_slice %arg4[%add3A_141] : memref<320000xi32, #tpu.memory_space<hbm>> -> memref<80xi32, #tpu.memory_space<hbm>>
        tpu.wait_dma2 semaphore(%arg21 : memref<!tpu.dma_semaphore, #tpu.memory_space<semaphore_mem>>) src(%dma_wait3A_144 : memref<80xi32, #tpu.memory_space<hbm>>) dst(%arg12 : memref<80xi32, #tpu.memory_space<vmem>>)
        %dma_start3A = arith.constant 0 : i32
        %dma_start3A_145 = arith.constant 0 : i32
        %dma_start3A_146 = tpu.memref_slice %arg2[%dma_start3A, %dma_start3A_145] : memref<10000x128xf32, #tpu.memory_space<hbm>> -> memref<10000x128xf32, #tpu.memory_space<hbm>>
        tpu.enqueue_indirect_dma source(%dma_start3A_146 : memref<10000x128xf32, #tpu.memory_space<hbm>>) target(%arg16 : memref<80x128xf32, #tpu.memory_space<vmem>>) offsets(%arg8 : memref<80xi32, #tpu.memory_space<vmem>>) semaphore(%arg25 : memref<!tpu.dma_semaphore, #tpu.memory_space<semaphore_mem>>)
      } else {
      }
      %sub3A_129 = arith.constant 3 : i32
      %sub3A_130 = arith.subi %add3A_113, %sub3A_129 : i32
      %ge3A_131 = arith.constant 0 : i32
      %ge3A_132 = arith.cmpi sge, %sub3A_130, %ge3A_131 : i32
      %lt3A_133 = arith.constant 125 : i32
      %lt3A_134 = arith.cmpi slt, %sub3A_130, %lt3A_133 : i32
      %and3A_135 = arith.andi %ge3A_132, %lt3A_134 : i1
      %convert_element_type3A_136 = arith.extui %and3A_135 : i1 to i32
      %cond3A_137 = arith.constant 0 : i32
      %cond3A_138 = arith.cmpi ne, %convert_element_type3A_136, %cond3A_137 : i32
      scf.if %cond3A_138 {
        %dma_wait3A = arith.constant 0 : i32
        %dma_wait3A_139 = arith.constant 0 : i32
        %dma_wait3A_140 = tpu.memref_slice %arg2[%dma_wait3A, %dma_wait3A_139] : memref<10000x128xf32, #tpu.memory_space<hbm>> -> memref<10000x128xf32, #tpu.memory_space<hbm>>
        tpu.wait_indirect_dma semaphore(%arg23 : memref<!tpu.dma_semaphore, #tpu.memory_space<semaphore_mem>>) src(%dma_wait3A_140 : memref<10000x128xf32, #tpu.memory_space<hbm>>) dst(%arg14 : memref<80x128xf32, #tpu.memory_space<vmem>>)
        "tpu.region"() ({
          %run_scoped3A = tpu.sem_alloc : memref<!tpu.dma_semaphore, #tpu.memory_space<semaphore_mem>>
          %dma_start3A = arith.constant 0 : i32
          %dma_start3A_141 = arith.constant 0 : i32
          %dma_start3A_142 = tpu.memref_slice %arg18[%dma_start3A, %dma_start3A_141] : memref<10000x128xf32, #tpu.memory_space<vmem_shared>> -> memref<10000x128xf32, #tpu.memory_space<vmem_shared>>
          tpu.enqueue_indirect_dma source(%arg14 : memref<80x128xf32, #tpu.memory_space<vmem>>) target(%dma_start3A_142 : memref<10000x128xf32, #tpu.memory_space<vmem_shared>>) offsets(%arg10 : memref<80xi32, #tpu.memory_space<vmem>>) semaphore(%run_scoped3A : memref<!tpu.dma_semaphore, #tpu.memory_space<semaphore_mem>>) {add = true}
          %dma_wait3A_143 = arith.constant 0 : i32
          %dma_wait3A_144 = arith.constant 0 : i32
          %dma_wait3A_145 = tpu.memref_slice %arg18[%dma_wait3A_143, %dma_wait3A_144] : memref<10000x128xf32, #tpu.memory_space<vmem_shared>> -> memref<10000x128xf32, #tpu.memory_space<vmem_shared>>
          tpu.wait_indirect_dma semaphore(%run_scoped3A : memref<!tpu.dma_semaphore, #tpu.memory_space<semaphore_mem>>) src(%arg14 : memref<80x128xf32, #tpu.memory_space<vmem>>) dst(%dma_wait3A_145 : memref<10000x128xf32, #tpu.memory_space<vmem_shared>>)
          tpu.yield
        }) : () -> ()
      } else {
      }
    }
    %scan3A_17 = arith.constant 33 : i32
    %barrier3A_18 = arith.constant 0 : index
    tpu.barrier barrier_id(%barrier3A_18)
    %scan3A_19 = arith.constant 0 : i32
    %scan3A_20 = arith.constant 8 : i32
    %scan3A_21 = arith.addi %scan3A_19, %scan3A_20 : i32
    %scan3A_22 = arith.constant 1 : i32
    scf.for %scan3A_24 = %scan3A_19 to %scan3A_21 step %scan3A_22  : i32 {
      %mul3A_25 = arith.constant 1 : i32
      %mul3A_26 = arith.muli %scan3A_24, %mul3A_25 : i32
      %add3A_27 = arith.constant 0 : i32
      %add3A_28 = arith.addi %add3A_27, %mul3A_26 : i32
      %mul3A_29 = arith.constant 16 : i32
      %mul3A_30 = arith.muli %mul3A_29, %add3A_28 : i32
      %add3A_31 = arith.addi %arg1, %mul3A_30 : i32
      %lt3A = arith.constant 125 : i32
      %lt3A_32 = arith.cmpi slt, %add3A_31, %lt3A : i32
      %convert_element_type3A = arith.extui %lt3A_32 : i1 to i32
      %cond3A = arith.constant 0 : i32
      %cond3A_33 = arith.cmpi ne, %convert_element_type3A, %cond3A : i32
      scf.if %cond3A_33 {
        %mul3A_34 = arith.constant 80 : i32
        %mul3A_35 = arith.muli %add3A_31, %mul3A_34 : i32
        "tpu.region"() ({
          %run_scoped3A = tpu.sem_alloc : memref<!tpu.dma_semaphore, #tpu.memory_space<semaphore_mem>>
          %dma_start3A = arith.constant 0 : i32
          %dma_start3A_36 = tpu.memref_slice %arg5[%arg0, %mul3A_35, %dma_start3A] : memref<2x10000x128xf32, #tpu.memory_space<hbm>> -> memref<1x80x128xf32, #tpu.memory_space<hbm>>
          %dma_start3A_37 = tpu.memref_squeeze %dma_start3A_36 : memref<1x80x128xf32, #tpu.memory_space<hbm>> -> memref<80x128xf32, #tpu.memory_space<hbm>>
          %dma_start3A_38 = arith.constant 0 : i32
          %dma_start3A_39 = tpu.memref_slice %arg18[%mul3A_35, %dma_start3A_38] : memref<10000x128xf32, #tpu.memory_space<vmem_shared>> -> memref<80x128xf32, #tpu.memory_space<vmem_shared>>
          tpu.enqueue_dma source(%dma_start3A_39 : memref<80x128xf32, #tpu.memory_space<vmem_shared>>) target(%dma_start3A_37 : memref<80x128xf32, #tpu.memory_space<hbm>>) target_semaphore(%run_scoped3A : memref<!tpu.dma_semaphore, #tpu.memory_space<semaphore_mem>>)
          %dma_wait3A = arith.constant 0 : i32
          %dma_wait3A_40 = tpu.memref_slice %arg5[%arg0, %mul3A_35, %dma_wait3A] : memref<2x10000x128xf32, #tpu.memory_space<hbm>> -> memref<1x80x128xf32, #tpu.memory_space<hbm>>
          %dma_wait3A_41 = tpu.memref_squeeze %dma_wait3A_40 : memref<1x80x128xf32, #tpu.memory_space<hbm>> -> memref<80x128xf32, #tpu.memory_space<hbm>>
          %dma_wait3A_42 = arith.constant 0 : i32
          %dma_wait3A_43 = tpu.memref_slice %arg18[%mul3A_35, %dma_wait3A_42] : memref<10000x128xf32, #tpu.memory_space<vmem_shared>> -> memref<80x128xf32, #tpu.memory_space<vmem_shared>>
          tpu.wait_dma2 semaphore(%run_scoped3A : memref<!tpu.dma_semaphore, #tpu.memory_space<semaphore_mem>>) src(%dma_wait3A_43 : memref<80x128xf32, #tpu.memory_space<vmem_shared>>) dst(%dma_wait3A_41 : memref<80x128xf32, #tpu.memory_space<hbm>>)
          tpu.yield
        }) : () -> ()
      } else {
      }
    }
    %scan3A_23 = arith.constant 8 : i32
    return
  }
}

#map = affine_map<(d0, d1) -> (0, 0)>
#map1 = affine_map<(d0, d1) -> (0)>
#map2 = affine_map<(d0, d1) -> (0, 0, 0)>
module attributes {stable_mosaic.version = 14 : i64} {
  func.func @_sc_scatter(%arg0: i32, %arg1: i32, %arg2: memref<10000x128xf32, #tpu.memory_space<hbm>>, %arg3: memref<320000xi32, #tpu.memory_space<hbm>>, %arg4: memref<320000xi32, #tpu.memory_space<hbm>>, %arg5: memref<2x10000x128xf32, #tpu.memory_space<hbm>>, %arg6: memref<80xi32, #tpu.memory_space<vmem>>, %arg7: memref<80xi32, #tpu.memory_space<vmem>>, %arg8: memref<80xi32, #tpu.memory_space<vmem>>, %arg9: memref<80xi32, #tpu.memory_space<vmem>>, %arg10: memref<80xi32, #tpu.memory_space<vmem>>, %arg11: memref<80xi32, #tpu.memory_space<vmem>>, %arg12: memref<80xi32, #tpu.memory_space<vmem>>, %arg13: memref<80xi32, #tpu.memory_space<vmem>>, %arg14: memref<80x128xf32, #tpu.memory_space<vmem>>, %arg15: memref<80x128xf32, #tpu.memory_space<vmem>>, %arg16: memref<80x128xf32, #tpu.memory_space<vmem>>, %arg17: memref<80x128xf32, #tpu.memory_space<vmem>>, %arg18: memref<10000x128xf32, #tpu.memory_space<vmem_shared>>, %arg19: memref<!tpu.dma_semaphore, #tpu.memory_space<semaphore_mem>>, %arg20: memref<!tpu.dma_semaphore, #tpu.memory_space<semaphore_mem>>, %arg21: memref<!tpu.dma_semaphore, #tpu.memory_space<semaphore_mem>>, %arg22: memref<!tpu.dma_semaphore, #tpu.memory_space<semaphore_mem>>, %arg23: memref<!tpu.dma_semaphore, #tpu.memory_space<semaphore_mem>>, %arg24: memref<!tpu.dma_semaphore, #tpu.memory_space<semaphore_mem>>, %arg25: memref<!tpu.dma_semaphore, #tpu.memory_space<semaphore_mem>>, %arg26: memref<!tpu.dma_semaphore, #tpu.memory_space<semaphore_mem>>) attributes {dimension_semantics = [#tpu.dimension_semantics<core_parallel>, #tpu.dimension_semantics<subcore_parallel>], iteration_bounds = array<i64: 2, 16>, scalar_prefetch = 0 : i64, scratch_operands = 21 : i64, tpu.core_type = #tpu.core_type<sc_vector_subcore>, window_params = [{transform_indices = #map}, {transform_indices = #map1}, {transform_indices = #map1}, {transform_indices = #map2}]} {
    %mul3A = arith.constant 2 : i32
    %mul3A_0 = arith.muli %arg1, %mul3A : i32
    %add3A = arith.addi %mul3A_0, %arg0 : i32
    %broadcast_in_dim3A = arith.constant 0.000000e+00 : f32
    %broadcast_in_dim3A_1 = vector.broadcast %broadcast_in_dim3A : f32 to vector<16xf32>
    %scan3A = arith.constant 0 : i32
    %scan3A_2 = arith.constant 80 : i32
    %scan3A_3 = arith.addi %scan3A, %scan3A_2 : i32
    %scan3A_4 = arith.constant 1 : i32
    scf.for %scan3A_24 = %scan3A to %scan3A_3 step %scan3A_4  : i32 {
      %mul3A_25 = arith.constant 1 : i32
      %mul3A_26 = arith.muli %scan3A_24, %mul3A_25 : i32
      %add3A_27 = arith.constant 0 : i32
      %add3A_28 = arith.addi %add3A_27, %mul3A_26 : i32
      %swap3A = arith.index_cast %add3A_28 : i32 to index
      %swap3A_29 = arith.constant 0 : index
      %swap3A_30 = tpu.vector_load %arg14[%swap3A, %swap3A_29] {strides = array<i32>} : memref<80x128xf32, #tpu.memory_space<vmem>>, vector<1x16xf32>,
      %swap3A_31 = vector.shape_cast %swap3A_30 : vector<1x16xf32> to vector<16xf32>
      %swap3A_32 = vector.shape_cast %broadcast_in_dim3A_1 : vector<16xf32> to vector<1x16xf32>
      tpu.vector_store %arg14[%swap3A, %swap3A_29], %swap3A_32 {strides = array<i32>} : memref<80x128xf32, #tpu.memory_space<vmem>>, vector<1x16xf32>,
      %swap3A_33 = arith.index_cast %add3A_28 : i32 to index
      %swap3A_34 = arith.constant 16 : index
      %swap3A_35 = tpu.vector_load %arg14[%swap3A_33, %swap3A_34] {strides = array<i32>} : memref<80x128xf32, #tpu.memory_space<vmem>>, vector<1x16xf32>,
      %swap3A_36 = vector.shape_cast %swap3A_35 : vector<1x16xf32> to vector<16xf32>
      %swap3A_37 = vector.shape_cast %broadcast_in_dim3A_1 : vector<16xf32> to vector<1x16xf32>
      tpu.vector_store %arg14[%swap3A_33, %swap3A_34], %swap3A_37 {strides = array<i32>} : memref<80x128xf32, #tpu.memory_space<vmem>>, vector<1x16xf32>,
      %swap3A_38 = arith.index_cast %add3A_28 : i32 to index
      %swap3A_39 = arith.constant 32 : index
      %swap3A_40 = tpu.vector_load %arg14[%swap3A_38, %swap3A_39] {strides = array<i32>} : memref<80x128xf32, #tpu.memory_space<vmem>>, vector<1x16xf32>,
      %swap3A_41 = vector.shape_cast %swap3A_40 : vector<1x16xf32> to vector<16xf32>
      %swap3A_42 = vector.shape_cast %broadcast_in_dim3A_1 : vector<16xf32> to vector<1x16xf32>
      tpu.vector_store %arg14[%swap3A_38, %swap3A_39], %swap3A_42 {strides = array<i32>} : memref<80x128xf32, #tpu.memory_space<vmem>>, vector<1x16xf32>,
      %swap3A_43 = arith.index_cast %add3A_28 : i32 to index
      %swap3A_44 = arith.constant 48 : index
      %swap3A_45 = tpu.vector_load %arg14[%swap3A_43, %swap3A_44] {strides = array<i32>} : memref<80x128xf32, #tpu.memory_space<vmem>>, vector<1x16xf32>,
      %swap3A_46 = vector.shape_cast %swap3A_45 : vector<1x16xf32> to vector<16xf32>
      %swap3A_47 = vector.shape_cast %broadcast_in_dim3A_1 : vector<16xf32> to vector<1x16xf32>
      tpu.vector_store %arg14[%swap3A_43, %swap3A_44], %swap3A_47 {strides = array<i32>} : memref<80x128xf32, #tpu.memory_space<vmem>>, vector<1x16xf32>,
      %swap3A_48 = arith.index_cast %add3A_28 : i32 to index
      %swap3A_49 = arith.constant 64 : index
      %swap3A_50 = tpu.vector_load %arg14[%swap3A_48, %swap3A_49] {strides = array<i32>} : memref<80x128xf32, #tpu.memory_space<vmem>>, vector<1x16xf32>,
      %swap3A_51 = vector.shape_cast %swap3A_50 : vector<1x16xf32> to vector<16xf32>
      %swap3A_52 = vector.shape_cast %broadcast_in_dim3A_1 : vector<16xf32> to vector<1x16xf32>
      tpu.vector_store %arg14[%swap3A_48, %swap3A_49], %swap3A_52 {strides = array<i32>} : memref<80x128xf32, #tpu.memory_space<vmem>>, vector<1x16xf32>,
      %swap3A_53 = arith.index_cast %add3A_28 : i32 to index
      %swap3A_54 = arith.constant 80 : index
      %swap3A_55 = tpu.vector_load %arg14[%swap3A_53, %swap3A_54] {strides = array<i32>} : memref<80x128xf32, #tpu.memory_space<vmem>>, vector<1x16xf32>,
      %swap3A_56 = vector.shape_cast %swap3A_55 : vector<1x16xf32> to vector<16xf32>
      %swap3A_57 = vector.shape_cast %broadcast_in_dim3A_1 : vector<16xf32> to vector<1x16xf32>
      tpu.vector_store %arg14[%swap3A_53, %swap3A_54], %swap3A_57 {strides = array<i32>} : memref<80x128xf32, #tpu.memory_space<vmem>>, vector<1x16xf32>,
      %swap3A_58 = arith.index_cast %add3A_28 : i32 to index
      %swap3A_59 = arith.constant 96 : index
      %swap3A_60 = tpu.vector_load %arg14[%swap3A_58, %swap3A_59] {strides = array<i32>} : memref<80x128xf32, #tpu.memory_space<vmem>>, vector<1x16xf32>,
      %swap3A_61 = vector.shape_cast %swap3A_60 : vector<1x16xf32> to vector<16xf32>
      %swap3A_62 = vector.shape_cast %broadcast_in_dim3A_1 : vector<16xf32> to vector<1x16xf32>
      tpu.vector_store %arg14[%swap3A_58, %swap3A_59], %swap3A_62 {strides = array<i32>} : memref<80x128xf32, #tpu.memory_space<vmem>>, vector<1x16xf32>,
      %swap3A_63 = arith.index_cast %add3A_28 : i32 to index
      %swap3A_64 = arith.constant 112 : index
      %swap3A_65 = tpu.vector_load %arg14[%swap3A_63, %swap3A_64] {strides = array<i32>} : memref<80x128xf32, #tpu.memory_space<vmem>>, vector<1x16xf32>,
      %swap3A_66 = vector.shape_cast %swap3A_65 : vector<1x16xf32> to vector<16xf32>
      %swap3A_67 = vector.shape_cast %broadcast_in_dim3A_1 : vector<16xf32> to vector<1x16xf32>
      tpu.vector_store %arg14[%swap3A_63, %swap3A_64], %swap3A_67 {strides = array<i32>} : memref<80x128xf32, #tpu.memory_space<vmem>>, vector<1x16xf32>,
    }
    %scan3A_5 = arith.constant 80 : i32
    %scan3A_6 = arith.constant 0 : i32
    %scan3A_7 = arith.constant 8 : i32
    %scan3A_8 = arith.addi %scan3A_6, %scan3A_7 : i32
    %scan3A_9 = arith.constant 1 : i32
    scf.for %scan3A_24 = %scan3A_6 to %scan3A_8 step %scan3A_9  : i32 {
      %mul3A_25 = arith.constant 1 : i32
      %mul3A_26 = arith.muli %scan3A_24, %mul3A_25 : i32
      %add3A_27 = arith.constant 0 : i32
      %add3A_28 = arith.addi %add3A_27, %mul3A_26 : i32
      %mul3A_29 = arith.constant 16 : i32
      %mul3A_30 = arith.muli %mul3A_29, %add3A_28 : i32
      %add3A_31 = arith.addi %arg1, %mul3A_30 : i32
      %lt3A = arith.constant 125 : i32
      %lt3A_32 = arith.cmpi slt, %add3A_31, %lt3A : i32
      %convert_element_type3A = arith.extui %lt3A_32 : i1 to i32
      %cond3A = arith.constant 0 : i32
      %cond3A_33 = arith.cmpi ne, %convert_element_type3A, %cond3A : i32
      scf.if %cond3A_33 {
        %mul3A_34 = arith.constant 80 : i32
        %mul3A_35 = arith.muli %add3A_31, %mul3A_34 : i32
        "tpu.region"() ({
          %run_scoped3A = tpu.sem_alloc : memref<!tpu.dma_semaphore, #tpu.memory_space<semaphore_mem>>
          %dma_start3A = arith.constant 0 : i32
          %dma_start3A_36 = arith.constant 0 : i32
          %dma_start3A_37 = tpu.memref_slice %arg14[%dma_start3A, %dma_start3A_36] : memref<80x128xf32, #tpu.memory_space<vmem>> -> memref<80x128xf32, #tpu.memory_space<vmem>>
          %dma_start3A_38 = arith.constant 0 : i32
          %dma_start3A_39 = tpu.memref_slice %arg18[%mul3A_35, %dma_start3A_38] : memref<10000x128xf32, #tpu.memory_space<vmem_shared>> -> memref<80x128xf32, #tpu.memory_space<vmem_shared>>
          %dma_start3A_40 = arith.constant 0 : i32
          %dma_start3A_41 = tpu.memref_slice %arg18[%mul3A_35, %dma_start3A_40] : memref<10000x128xf32, #tpu.memory_space<vmem_shared>> -> memref<80x128xf32, #tpu.memory_space<vmem_shared>>
          %dma_start3A_42 = arith.constant 0 : i32
          %dma_start3A_43 = arith.constant 0 : i32
          %dma_start3A_44 = tpu.memref_slice %arg14[%dma_start3A_42, %dma_start3A_43] : memref<80x128xf32, #tpu.memory_space<vmem>> -> memref<80x128xf32, #tpu.memory_space<vmem>>
          tpu.enqueue_dma source(%dma_start3A_44 : memref<80x128xf32, #tpu.memory_space<vmem>>) target(%dma_start3A_41 : memref<80x128xf32, #tpu.memory_space<vmem_shared>>) target_semaphore(%run_scoped3A : memref<!tpu.dma_semaphore, #tpu.memory_space<semaphore_mem>>)
          %dma_wait3A = arith.constant 0 : i32
          %dma_wait3A_45 = arith.constant 0 : i32
          %dma_wait3A_46 = tpu.memref_slice %arg14[%dma_wait3A, %dma_wait3A_45] : memref<80x128xf32, #tpu.memory_space<vmem>> -> memref<80x128xf32, #tpu.memory_space<vmem>>
          %dma_wait3A_47 = arith.constant 0 : i32
          %dma_wait3A_48 = tpu.memref_slice %arg18[%mul3A_35, %dma_wait3A_47] : memref<10000x128xf32, #tpu.memory_space<vmem_shared>> -> memref<80x128xf32, #tpu.memory_space<vmem_shared>>
          %dma_wait3A_49 = arith.constant 0 : i32
          %dma_wait3A_50 = tpu.memref_slice %arg18[%mul3A_35, %dma_wait3A_49] : memref<10000x128xf32, #tpu.memory_space<vmem_shared>> -> memref<80x128xf32, #tpu.memory_space<vmem_shared>>
          %dma_wait3A_51 = arith.constant 0 : i32
          %dma_wait3A_52 = arith.constant 0 : i32
          %dma_wait3A_53 = tpu.memref_slice %arg14[%dma_wait3A_51, %dma_wait3A_52] : memref<80x128xf32, #tpu.memory_space<vmem>> -> memref<80x128xf32, #tpu.memory_space<vmem>>
          tpu.wait_dma2 semaphore(%run_scoped3A : memref<!tpu.dma_semaphore, #tpu.memory_space<semaphore_mem>>) src(%dma_wait3A_53 : memref<80x128xf32, #tpu.memory_space<vmem>>) dst(%dma_wait3A_50 : memref<80x128xf32, #tpu.memory_space<vmem_shared>>)
          tpu.yield
        }) : () -> ()
      } else {
      }
    }
    %scan3A_10 = arith.constant 8 : i32
    %barrier3A = arith.constant 0 : index
    tpu.barrier barrier_id(%barrier3A)
    %mul3A_11 = arith.constant 10000 : i32
    %mul3A_12 = arith.muli %add3A, %mul3A_11 : i32
    %scan3A_13 = arith.constant 0 : i32
    %scan3A_14 = arith.constant 33 : i32
    %scan3A_15 = arith.addi %scan3A_13, %scan3A_14 : i32
    %scan3A_16 = arith.constant 1 : i32
    scf.for %scan3A_24 = %scan3A_13 to %scan3A_15 step %scan3A_16  : i32 {
      %mul3A_25 = arith.constant 1 : i32
      %mul3A_26 = arith.muli %scan3A_24, %mul3A_25 : i32
      %add3A_27 = arith.constant 0 : i32
      %add3A_28 = arith.addi %add3A_27, %mul3A_26 : i32
      %mul3A_29 = arith.constant 4 : i32
      %mul3A_30 = arith.muli %add3A_28, %mul3A_29 : i32
      %add3A_31 = arith.constant 0 : i32
      %add3A_32 = arith.addi %mul3A_30, %add3A_31 : i32
      %lt3A = arith.constant 125 : i32
      %lt3A_33 = arith.cmpi slt, %add3A_32, %lt3A : i32
      %convert_element_type3A = arith.extui %lt3A_33 : i1 to i32
      %cond3A = arith.constant 0 : i32
      %cond3A_34 = arith.cmpi ne, %convert_element_type3A, %cond3A : i32
      scf.if %cond3A_34 {
        %mul3A_139 = arith.constant 80 : i32
        %mul3A_140 = arith.muli %add3A_32, %mul3A_139 : i32
        %add3A_141 = arith.addi %mul3A_12, %mul3A_140 : i32
        %dma_start3A = tpu.memref_slice %arg3[%add3A_141] : memref<320000xi32, #tpu.memory_space<hbm>> -> memref<80xi32, #tpu.memory_space<hbm>>
        %dma_start3A_142 = tpu.memref_slice %arg3[%add3A_141] : memref<320000xi32, #tpu.memory_space<hbm>> -> memref<80xi32, #tpu.memory_space<hbm>>
        tpu.enqueue_dma source(%dma_start3A_142 : memref<80xi32, #tpu.memory_space<hbm>>) target(%arg6 : memref<80xi32, #tpu.memory_space<vmem>>) target_semaphore(%arg19 : memref<!tpu.dma_semaphore, #tpu.memory_space<semaphore_mem>>)
        %dma_start3A_143 = tpu.memref_slice %arg4[%add3A_141] : memref<320000xi32, #tpu.memory_space<hbm>> -> memref<80xi32, #tpu.memory_space<hbm>>
        %dma_start3A_144 = tpu.memref_slice %arg4[%add3A_141] : memref<320000xi32, #tpu.memory_space<hbm>> -> memref<80xi32, #tpu.memory_space<hbm>>
        tpu.enqueue_dma source(%dma_start3A_144 : memref<80xi32, #tpu.memory_space<hbm>>) target(%arg10 : memref<80xi32, #tpu.memory_space<vmem>>) target_semaphore(%arg19 : memref<!tpu.dma_semaphore, #tpu.memory_space<semaphore_mem>>)
      } else {
      }
      %sub3A = arith.constant 1 : i32
      %sub3A_35 = arith.subi %add3A_32, %sub3A : i32
      %ge3A = arith.constant 0 : i32
      %ge3A_36 = arith.cmpi sge, %sub3A_35, %ge3A : i32
      %lt3A_37 = arith.constant 125 : i32
      %lt3A_38 = arith.cmpi slt, %sub3A_35, %lt3A_37 : i32
      %and3A = arith.andi %ge3A_36, %lt3A_38 : i1
      %convert_element_type3A_39 = arith.extui %and3A : i1 to i32
      %cond3A_40 = arith.constant 0 : i32
      %cond3A_41 = arith.cmpi ne, %convert_element_type3A_39, %cond3A_40 : i32
      scf.if %cond3A_41 {
        %mul3A_139 = arith.constant 80 : i32
        %mul3A_140 = arith.muli %sub3A_35, %mul3A_139 : i32
        %add3A_141 = arith.addi %mul3A_12, %mul3A_140 : i32
        %dma_wait3A = tpu.memref_slice %arg3[%add3A_141] : memref<320000xi32, #tpu.memory_space<hbm>> -> memref<80xi32, #tpu.memory_space<hbm>>
        %dma_wait3A_142 = tpu.memref_slice %arg3[%add3A_141] : memref<320000xi32, #tpu.memory_space<hbm>> -> memref<80xi32, #tpu.memory_space<hbm>>
        tpu.wait_dma2 semaphore(%arg22 : memref<!tpu.dma_semaphore, #tpu.memory_space<semaphore_mem>>) src(%dma_wait3A_142 : memref<80xi32, #tpu.memory_space<hbm>>) dst(%arg9 : memref<80xi32, #tpu.memory_space<vmem>>)
        %dma_wait3A_143 = tpu.memref_slice %arg4[%add3A_141] : memref<320000xi32, #tpu.memory_space<hbm>> -> memref<80xi32, #tpu.memory_space<hbm>>
        %dma_wait3A_144 = tpu.memref_slice %arg4[%add3A_141] : memref<320000xi32, #tpu.memory_space<hbm>> -> memref<80xi32, #tpu.memory_space<hbm>>
        tpu.wait_dma2 semaphore(%arg22 : memref<!tpu.dma_semaphore, #tpu.memory_space<semaphore_mem>>) src(%dma_wait3A_144 : memref<80xi32, #tpu.memory_space<hbm>>) dst(%arg13 : memref<80xi32, #tpu.memory_space<vmem>>)
        %dma_start3A = arith.constant 0 : i32
        %dma_start3A_145 = arith.constant 0 : i32
        %dma_start3A_146 = tpu.memref_slice %arg2[%dma_start3A, %dma_start3A_145] : memref<10000x128xf32, #tpu.memory_space<hbm>> -> memref<10000x128xf32, #tpu.memory_space<hbm>>
        tpu.enqueue_indirect_dma source(%dma_start3A_146 : memref<10000x128xf32, #tpu.memory_space<hbm>>) target(%arg17 : memref<80x128xf32, #tpu.memory_space<vmem>>) offsets(%arg9 : memref<80xi32, #tpu.memory_space<vmem>>) semaphore(%arg26 : memref<!tpu.dma_semaphore, #tpu.memory_space<semaphore_mem>>)
      } else {
      }
      %sub3A_42 = arith.constant 3 : i32
      %sub3A_43 = arith.subi %add3A_32, %sub3A_42 : i32
      %ge3A_44 = arith.constant 0 : i32
      %ge3A_45 = arith.cmpi sge, %sub3A_43, %ge3A_44 : i32
      %lt3A_46 = arith.constant 125 : i32
      %lt3A_47 = arith.cmpi slt, %sub3A_43, %lt3A_46 : i32
      %and3A_48 = arith.andi %ge3A_45, %lt3A_47 : i1
      %convert_element_type3A_49 = arith.extui %and3A_48 : i1 to i32
      %cond3A_50 = arith.constant 0 : i32
      %cond3A_51 = arith.cmpi ne, %convert_element_type3A_49, %cond3A_50 : i32
      scf.if %cond3A_51 {
        %dma_wait3A = arith.constant 0 : i32
        %dma_wait3A_139 = arith.constant 0 : i32
        %dma_wait3A_140 = tpu.memref_slice %arg2[%dma_wait3A, %dma_wait3A_139] : memref<10000x128xf32, #tpu.memory_space<hbm>> -> memref<10000x128xf32, #tpu.memory_space<hbm>>
        tpu.wait_indirect_dma semaphore(%arg24 : memref<!tpu.dma_semaphore, #tpu.memory_space<semaphore_mem>>) src(%dma_wait3A_140 : memref<10000x128xf32, #tpu.memory_space<hbm>>) dst(%arg15 : memref<80x128xf32, #tpu.memory_space<vmem>>)
        "tpu.region"() ({
          %run_scoped3A = tpu.sem_alloc : memref<!tpu.dma_semaphore, #tpu.memory_space<semaphore_mem>>
          %dma_start3A = arith.constant 0 : i32
          %dma_start3A_141 = arith.constant 0 : i32
          %dma_start3A_142 = tpu.memref_slice %arg18[%dma_start3A, %dma_start3A_141] : memref<10000x128xf32, #tpu.memory_space<vmem_shared>> -> memref<10000x128xf32, #tpu.memory_space<vmem_shared>>
          tpu.enqueue_indirect_dma source(%arg15 : memref<80x128xf32, #tpu.memory_space<vmem>>) target(%dma_start3A_142 : memref<10000x128xf32, #tpu.memory_space<vmem_shared>>) offsets(%arg11 : memref<80xi32, #tpu.memory_space<vmem>>) semaphore(%run_scoped3A : memref<!tpu.dma_semaphore, #tpu.memory_space<semaphore_mem>>) {add = true}
          %dma_wait3A_143 = arith.constant 0 : i32
          %dma_wait3A_144 = arith.constant 0 : i32
          %dma_wait3A_145 = tpu.memref_slice %arg18[%dma_wait3A_143, %dma_wait3A_144] : memref<10000x128xf32, #tpu.memory_space<vmem_shared>> -> memref<10000x128xf32, #tpu.memory_space<vmem_shared>>
          tpu.wait_indirect_dma semaphore(%run_scoped3A : memref<!tpu.dma_semaphore, #tpu.memory_space<semaphore_mem>>) src(%arg15 : memref<80x128xf32, #tpu.memory_space<vmem>>) dst(%dma_wait3A_145 : memref<10000x128xf32, #tpu.memory_space<vmem_shared>>)
          tpu.yield
        }) : () -> ()
      } else {
      }
      %mul3A_52 = arith.constant 4 : i32
      %mul3A_53 = arith.muli %add3A_28, %mul3A_52 : i32
      %add3A_54 = arith.constant 1 : i32
      %add3A_55 = arith.addi %mul3A_53, %add3A_54 : i32
      %lt3A_56 = arith.constant 125 : i32
      %lt3A_57 = arith.cmpi slt, %add3A_55, %lt3A_56 : i32
      %convert_element_type3A_58 = arith.extui %lt3A_57 : i1 to i32
      %cond3A_59 = arith.constant 0 : i32
      %cond3A_60 = arith.cmpi ne, %convert_element_type3A_58, %cond3A_59 : i32
      scf.if %cond3A_60 {
        %mul3A_139 = arith.constant 80 : i32
        %mul3A_140 = arith.muli %add3A_55, %mul3A_139 : i32
        %add3A_141 = arith.addi %mul3A_12, %mul3A_140 : i32
        %dma_start3A = tpu.memref_slice %arg3[%add3A_141] : memref<320000xi32, #tpu.memory_space<hbm>> -> memref<80xi32, #tpu.memory_space<hbm>>
        %dma_start3A_142 = tpu.memref_slice %arg3[%add3A_141] : memref<320000xi32, #tpu.memory_space<hbm>> -> memref<80xi32, #tpu.memory_space<hbm>>
        tpu.enqueue_dma source(%dma_start3A_142 : memref<80xi32, #tpu.memory_space<hbm>>) target(%arg7 : memref<80xi32, #tpu.memory_space<vmem>>) target_semaphore(%arg20 : memref<!tpu.dma_semaphore, #tpu.memory_space<semaphore_mem>>)
        %dma_start3A_143 = tpu.memref_slice %arg4[%add3A_141] : memref<320000xi32, #tpu.memory_space<hbm>> -> memref<80xi32, #tpu.memory_space<hbm>>
        %dma_start3A_144 = tpu.memref_slice %arg4[%add3A_141] : memref<320000xi32, #tpu.memory_space<hbm>> -> memref<80xi32, #tpu.memory_space<hbm>>
        tpu.enqueue_dma source(%dma_start3A_144 : memref<80xi32, #tpu.memory_space<hbm>>) target(%arg11 : memref<80xi32, #tpu.memory_space<vmem>>) target_semaphore(%arg20 : memref<!tpu.dma_semaphore, #tpu.memory_space<semaphore_mem>>)
      } else {
      }
      %sub3A_61 = arith.constant 1 : i32
      %sub3A_62 = arith.subi %add3A_55, %sub3A_61 : i32
      %ge3A_63 = arith.constant 0 : i32
      %ge3A_64 = arith.cmpi sge, %sub3A_62, %ge3A_63 : i32
      %lt3A_65 = arith.constant 125 : i32
      %lt3A_66 = arith.cmpi slt, %sub3A_62, %lt3A_65 : i32
      %and3A_67 = arith.andi %ge3A_64, %lt3A_66 : i1
      %convert_element_type3A_68 = arith.extui %and3A_67 : i1 to i32
      %cond3A_69 = arith.constant 0 : i32
      %cond3A_70 = arith.cmpi ne, %convert_element_type3A_68, %cond3A_69 : i32
      scf.if %cond3A_70 {
        %mul3A_139 = arith.constant 80 : i32
        %mul3A_140 = arith.muli %sub3A_62, %mul3A_139 : i32
        %add3A_141 = arith.addi %mul3A_12, %mul3A_140 : i32
        %dma_wait3A = tpu.memref_slice %arg3[%add3A_141] : memref<320000xi32, #tpu.memory_space<hbm>> -> memref<80xi32, #tpu.memory_space<hbm>>
        %dma_wait3A_142 = tpu.memref_slice %arg3[%add3A_141] : memref<320000xi32, #tpu.memory_space<hbm>> -> memref<80xi32, #tpu.memory_space<hbm>>
        tpu.wait_dma2 semaphore(%arg19 : memref<!tpu.dma_semaphore, #tpu.memory_space<semaphore_mem>>) src(%dma_wait3A_142 : memref<80xi32, #tpu.memory_space<hbm>>) dst(%arg6 : memref<80xi32, #tpu.memory_space<vmem>>)
        %dma_wait3A_143 = tpu.memref_slice %arg4[%add3A_141] : memref<320000xi32, #tpu.memory_space<hbm>> -> memref<80xi32, #tpu.memory_space<hbm>>
        %dma_wait3A_144 = tpu.memref_slice %arg4[%add3A_141] : memref<320000xi32, #tpu.memory_space<hbm>> -> memref<80xi32, #tpu.memory_space<hbm>>
        tpu.wait_dma2 semaphore(%arg19 : memref<!tpu.dma_semaphore, #tpu.memory_space<semaphore_mem>>) src(%dma_wait3A_144 : memref<80xi32, #tpu.memory_space<hbm>>) dst(%arg10 : memref<80xi32, #tpu.memory_space<vmem>>)
        %dma_start3A = arith.constant 0 : i32
        %dma_start3A_145 = arith.constant 0 : i32
        %dma_start3A_146 = tpu.memref_slice %arg2[%dma_start3A, %dma_start3A_145] : memref<10000x128xf32, #tpu.memory_space<hbm>> -> memref<10000x128xf32, #tpu.memory_space<hbm>>
        tpu.enqueue_indirect_dma source(%dma_start3A_146 : memref<10000x128xf32, #tpu.memory_space<hbm>>) target(%arg14 : memref<80x128xf32, #tpu.memory_space<vmem>>) offsets(%arg6 : memref<80xi32, #tpu.memory_space<vmem>>) semaphore(%arg23 : memref<!tpu.dma_semaphore, #tpu.memory_space<semaphore_mem>>)
      } else {
      }
      %sub3A_71 = arith.constant 3 : i32
      %sub3A_72 = arith.subi %add3A_55, %sub3A_71 : i32
      %ge3A_73 = arith.constant 0 : i32
      %ge3A_74 = arith.cmpi sge, %sub3A_72, %ge3A_73 : i32
      %lt3A_75 = arith.constant 125 : i32
      %lt3A_76 = arith.cmpi slt, %sub3A_72, %lt3A_75 : i32
      %and3A_77 = arith.andi %ge3A_74, %lt3A_76 : i1
      %convert_element_type3A_78 = arith.extui %and3A_77 : i1 to i32
      %cond3A_79 = arith.constant 0 : i32
      %cond3A_80 = arith.cmpi ne, %convert_element_type3A_78, %cond3A_79 : i32
      scf.if %cond3A_80 {
        %dma_wait3A = arith.constant 0 : i32
        %dma_wait3A_139 = arith.constant 0 : i32
        %dma_wait3A_140 = tpu.memref_slice %arg2[%dma_wait3A, %dma_wait3A_139] : memref<10000x128xf32, #tpu.memory_space<hbm>> -> memref<10000x128xf32, #tpu.memory_space<hbm>>
        tpu.wait_indirect_dma semaphore(%arg25 : memref<!tpu.dma_semaphore, #tpu.memory_space<semaphore_mem>>) src(%dma_wait3A_140 : memref<10000x128xf32, #tpu.memory_space<hbm>>) dst(%arg16 : memref<80x128xf32, #tpu.memory_space<vmem>>)
        "tpu.region"() ({
          %run_scoped3A = tpu.sem_alloc : memref<!tpu.dma_semaphore, #tpu.memory_space<semaphore_mem>>
          %dma_start3A = arith.constant 0 : i32
          %dma_start3A_141 = arith.constant 0 : i32
          %dma_start3A_142 = tpu.memref_slice %arg18[%dma_start3A, %dma_start3A_141] : memref<10000x128xf32, #tpu.memory_space<vmem_shared>> -> memref<10000x128xf32, #tpu.memory_space<vmem_shared>>
          tpu.enqueue_indirect_dma source(%arg16 : memref<80x128xf32, #tpu.memory_space<vmem>>) target(%dma_start3A_142 : memref<10000x128xf32, #tpu.memory_space<vmem_shared>>) offsets(%arg12 : memref<80xi32, #tpu.memory_space<vmem>>) semaphore(%run_scoped3A : memref<!tpu.dma_semaphore, #tpu.memory_space<semaphore_mem>>) {add = true}
          %dma_wait3A_143 = arith.constant 0 : i32
          %dma_wait3A_144 = arith.constant 0 : i32
          %dma_wait3A_145 = tpu.memref_slice %arg18[%dma_wait3A_143, %dma_wait3A_144] : memref<10000x128xf32, #tpu.memory_space<vmem_shared>> -> memref<10000x128xf32, #tpu.memory_space<vmem_shared>>
          tpu.wait_indirect_dma semaphore(%run_scoped3A : memref<!tpu.dma_semaphore, #tpu.memory_space<semaphore_mem>>) src(%arg16 : memref<80x128xf32, #tpu.memory_space<vmem>>) dst(%dma_wait3A_145 : memref<10000x128xf32, #tpu.memory_space<vmem_shared>>)
          tpu.yield
        }) : () -> ()
      } else {
      }
      %mul3A_81 = arith.constant 4 : i32
      %mul3A_82 = arith.muli %add3A_28, %mul3A_81 : i32
      %add3A_83 = arith.constant 2 : i32
      %add3A_84 = arith.addi %mul3A_82, %add3A_83 : i32
      %lt3A_85 = arith.constant 125 : i32
      %lt3A_86 = arith.cmpi slt, %add3A_84, %lt3A_85 : i32
      %convert_element_type3A_87 = arith.extui %lt3A_86 : i1 to i32
      %cond3A_88 = arith.constant 0 : i32
      %cond3A_89 = arith.cmpi ne, %convert_element_type3A_87, %cond3A_88 : i32
      scf.if %cond3A_89 {
        %mul3A_139 = arith.constant 80 : i32
        %mul3A_140 = arith.muli %add3A_84, %mul3A_139 : i32
        %add3A_141 = arith.addi %mul3A_12, %mul3A_140 : i32
        %dma_start3A = tpu.memref_slice %arg3[%add3A_141] : memref<320000xi32, #tpu.memory_space<hbm>> -> memref<80xi32, #tpu.memory_space<hbm>>
        %dma_start3A_142 = tpu.memref_slice %arg3[%add3A_141] : memref<320000xi32, #tpu.memory_space<hbm>> -> memref<80xi32, #tpu.memory_space<hbm>>
        tpu.enqueue_dma source(%dma_start3A_142 : memref<80xi32, #tpu.memory_space<hbm>>) target(%arg8 : memref<80xi32, #tpu.memory_space<vmem>>) target_semaphore(%arg21 : memref<!tpu.dma_semaphore, #tpu.memory_space<semaphore_mem>>)
        %dma_start3A_143 = tpu.memref_slice %arg4[%add3A_141] : memref<320000xi32, #tpu.memory_space<hbm>> -> memref<80xi32, #tpu.memory_space<hbm>>
        %dma_start3A_144 = tpu.memref_slice %arg4[%add3A_141] : memref<320000xi32, #tpu.memory_space<hbm>> -> memref<80xi32, #tpu.memory_space<hbm>>
        tpu.enqueue_dma source(%dma_start3A_144 : memref<80xi32, #tpu.memory_space<hbm>>) target(%arg12 : memref<80xi32, #tpu.memory_space<vmem>>) target_semaphore(%arg21 : memref<!tpu.dma_semaphore, #tpu.memory_space<semaphore_mem>>)
      } else {
      }
      %sub3A_90 = arith.constant 1 : i32
      %sub3A_91 = arith.subi %add3A_84, %sub3A_90 : i32
      %ge3A_92 = arith.constant 0 : i32
      %ge3A_93 = arith.cmpi sge, %sub3A_91, %ge3A_92 : i32
      %lt3A_94 = arith.constant 125 : i32
      %lt3A_95 = arith.cmpi slt, %sub3A_91, %lt3A_94 : i32
      %and3A_96 = arith.andi %ge3A_93, %lt3A_95 : i1
      %convert_element_type3A_97 = arith.extui %and3A_96 : i1 to i32
      %cond3A_98 = arith.constant 0 : i32
      %cond3A_99 = arith.cmpi ne, %convert_element_type3A_97, %cond3A_98 : i32
      scf.if %cond3A_99 {
        %mul3A_139 = arith.constant 80 : i32
        %mul3A_140 = arith.muli %sub3A_91, %mul3A_139 : i32
        %add3A_141 = arith.addi %mul3A_12, %mul3A_140 : i32
        %dma_wait3A = tpu.memref_slice %arg3[%add3A_141] : memref<320000xi32, #tpu.memory_space<hbm>> -> memref<80xi32, #tpu.memory_space<hbm>>
        %dma_wait3A_142 = tpu.memref_slice %arg3[%add3A_141] : memref<320000xi32, #tpu.memory_space<hbm>> -> memref<80xi32, #tpu.memory_space<hbm>>
        tpu.wait_dma2 semaphore(%arg20 : memref<!tpu.dma_semaphore, #tpu.memory_space<semaphore_mem>>) src(%dma_wait3A_142 : memref<80xi32, #tpu.memory_space<hbm>>) dst(%arg7 : memref<80xi32, #tpu.memory_space<vmem>>)
        %dma_wait3A_143 = tpu.memref_slice %arg4[%add3A_141] : memref<320000xi32, #tpu.memory_space<hbm>> -> memref<80xi32, #tpu.memory_space<hbm>>
        %dma_wait3A_144 = tpu.memref_slice %arg4[%add3A_141] : memref<320000xi32, #tpu.memory_space<hbm>> -> memref<80xi32, #tpu.memory_space<hbm>>
        tpu.wait_dma2 semaphore(%arg20 : memref<!tpu.dma_semaphore, #tpu.memory_space<semaphore_mem>>) src(%dma_wait3A_144 : memref<80xi32, #tpu.memory_space<hbm>>) dst(%arg11 : memref<80xi32, #tpu.memory_space<vmem>>)
        %dma_start3A = arith.constant 0 : i32
        %dma_start3A_145 = arith.constant 0 : i32
        %dma_start3A_146 = tpu.memref_slice %arg2[%dma_start3A, %dma_start3A_145] : memref<10000x128xf32, #tpu.memory_space<hbm>> -> memref<10000x128xf32, #tpu.memory_space<hbm>>
        tpu.enqueue_indirect_dma source(%dma_start3A_146 : memref<10000x128xf32, #tpu.memory_space<hbm>>) target(%arg15 : memref<80x128xf32, #tpu.memory_space<vmem>>) offsets(%arg7 : memref<80xi32, #tpu.memory_space<vmem>>) semaphore(%arg24 : memref<!tpu.dma_semaphore, #tpu.memory_space<semaphore_mem>>)
      } else {
      }
      %sub3A_100 = arith.constant 3 : i32
      %sub3A_101 = arith.subi %add3A_84, %sub3A_100 : i32
      %ge3A_102 = arith.constant 0 : i32
      %ge3A_103 = arith.cmpi sge, %sub3A_101, %ge3A_102 : i32
      %lt3A_104 = arith.constant 125 : i32
      %lt3A_105 = arith.cmpi slt, %sub3A_101, %lt3A_104 : i32
      %and3A_106 = arith.andi %ge3A_103, %lt3A_105 : i1
      %convert_element_type3A_107 = arith.extui %and3A_106 : i1 to i32
      %cond3A_108 = arith.constant 0 : i32
      %cond3A_109 = arith.cmpi ne, %convert_element_type3A_107, %cond3A_108 : i32
      scf.if %cond3A_109 {
        %dma_wait3A = arith.constant 0 : i32
        %dma_wait3A_139 = arith.constant 0 : i32
        %dma_wait3A_140 = tpu.memref_slice %arg2[%dma_wait3A, %dma_wait3A_139] : memref<10000x128xf32, #tpu.memory_space<hbm>> -> memref<10000x128xf32, #tpu.memory_space<hbm>>
        tpu.wait_indirect_dma semaphore(%arg26 : memref<!tpu.dma_semaphore, #tpu.memory_space<semaphore_mem>>) src(%dma_wait3A_140 : memref<10000x128xf32, #tpu.memory_space<hbm>>) dst(%arg17 : memref<80x128xf32, #tpu.memory_space<vmem>>)
        "tpu.region"() ({
          %run_scoped3A = tpu.sem_alloc : memref<!tpu.dma_semaphore, #tpu.memory_space<semaphore_mem>>
          %dma_start3A = arith.constant 0 : i32
          %dma_start3A_141 = arith.constant 0 : i32
          %dma_start3A_142 = tpu.memref_slice %arg18[%dma_start3A, %dma_start3A_141] : memref<10000x128xf32, #tpu.memory_space<vmem_shared>> -> memref<10000x128xf32, #tpu.memory_space<vmem_shared>>
          tpu.enqueue_indirect_dma source(%arg17 : memref<80x128xf32, #tpu.memory_space<vmem>>) target(%dma_start3A_142 : memref<10000x128xf32, #tpu.memory_space<vmem_shared>>) offsets(%arg13 : memref<80xi32, #tpu.memory_space<vmem>>) semaphore(%run_scoped3A : memref<!tpu.dma_semaphore, #tpu.memory_space<semaphore_mem>>) {add = true}
          %dma_wait3A_143 = arith.constant 0 : i32
          %dma_wait3A_144 = arith.constant 0 : i32
          %dma_wait3A_145 = tpu.memref_slice %arg18[%dma_wait3A_143, %dma_wait3A_144] : memref<10000x128xf32, #tpu.memory_space<vmem_shared>> -> memref<10000x128xf32, #tpu.memory_space<vmem_shared>>
          tpu.wait_indirect_dma semaphore(%run_scoped3A : memref<!tpu.dma_semaphore, #tpu.memory_space<semaphore_mem>>) src(%arg17 : memref<80x128xf32, #tpu.memory_space<vmem>>) dst(%dma_wait3A_145 : memref<10000x128xf32, #tpu.memory_space<vmem_shared>>)
          tpu.yield
        }) : () -> ()
      } else {
      }
      %mul3A_110 = arith.constant 4 : i32
      %mul3A_111 = arith.muli %add3A_28, %mul3A_110 : i32
      %add3A_112 = arith.constant 3 : i32
      %add3A_113 = arith.addi %mul3A_111, %add3A_112 : i32
      %lt3A_114 = arith.constant 125 : i32
      %lt3A_115 = arith.cmpi slt, %add3A_113, %lt3A_114 : i32
      %convert_element_type3A_116 = arith.extui %lt3A_115 : i1 to i32
      %cond3A_117 = arith.constant 0 : i32
      %cond3A_118 = arith.cmpi ne, %convert_element_type3A_116, %cond3A_117 : i32
      scf.if %cond3A_118 {
        %mul3A_139 = arith.constant 80 : i32
        %mul3A_140 = arith.muli %add3A_113, %mul3A_139 : i32
        %add3A_141 = arith.addi %mul3A_12, %mul3A_140 : i32
        %dma_start3A = tpu.memref_slice %arg3[%add3A_141] : memref<320000xi32, #tpu.memory_space<hbm>> -> memref<80xi32, #tpu.memory_space<hbm>>
        %dma_start3A_142 = tpu.memref_slice %arg3[%add3A_141] : memref<320000xi32, #tpu.memory_space<hbm>> -> memref<80xi32, #tpu.memory_space<hbm>>
        tpu.enqueue_dma source(%dma_start3A_142 : memref<80xi32, #tpu.memory_space<hbm>>) target(%arg9 : memref<80xi32, #tpu.memory_space<vmem>>) target_semaphore(%arg22 : memref<!tpu.dma_semaphore, #tpu.memory_space<semaphore_mem>>)
        %dma_start3A_143 = tpu.memref_slice %arg4[%add3A_141] : memref<320000xi32, #tpu.memory_space<hbm>> -> memref<80xi32, #tpu.memory_space<hbm>>
        %dma_start3A_144 = tpu.memref_slice %arg4[%add3A_141] : memref<320000xi32, #tpu.memory_space<hbm>> -> memref<80xi32, #tpu.memory_space<hbm>>
        tpu.enqueue_dma source(%dma_start3A_144 : memref<80xi32, #tpu.memory_space<hbm>>) target(%arg13 : memref<80xi32, #tpu.memory_space<vmem>>) target_semaphore(%arg22 : memref<!tpu.dma_semaphore, #tpu.memory_space<semaphore_mem>>)
      } else {
      }
      %sub3A_119 = arith.constant 1 : i32
      %sub3A_120 = arith.subi %add3A_113, %sub3A_119 : i32
      %ge3A_121 = arith.constant 0 : i32
      %ge3A_122 = arith.cmpi sge, %sub3A_120, %ge3A_121 : i32
      %lt3A_123 = arith.constant 125 : i32
      %lt3A_124 = arith.cmpi slt, %sub3A_120, %lt3A_123 : i32
      %and3A_125 = arith.andi %ge3A_122, %lt3A_124 : i1
      %convert_element_type3A_126 = arith.extui %and3A_125 : i1 to i32
      %cond3A_127 = arith.constant 0 : i32
      %cond3A_128 = arith.cmpi ne, %convert_element_type3A_126, %cond3A_127 : i32
      scf.if %cond3A_128 {
        %mul3A_139 = arith.constant 80 : i32
        %mul3A_140 = arith.muli %sub3A_120, %mul3A_139 : i32
        %add3A_141 = arith.addi %mul3A_12, %mul3A_140 : i32
        %dma_wait3A = tpu.memref_slice %arg3[%add3A_141] : memref<320000xi32, #tpu.memory_space<hbm>> -> memref<80xi32, #tpu.memory_space<hbm>>
        %dma_wait3A_142 = tpu.memref_slice %arg3[%add3A_141] : memref<320000xi32, #tpu.memory_space<hbm>> -> memref<80xi32, #tpu.memory_space<hbm>>
        tpu.wait_dma2 semaphore(%arg21 : memref<!tpu.dma_semaphore, #tpu.memory_space<semaphore_mem>>) src(%dma_wait3A_142 : memref<80xi32, #tpu.memory_space<hbm>>) dst(%arg8 : memref<80xi32, #tpu.memory_space<vmem>>)
        %dma_wait3A_143 = tpu.memref_slice %arg4[%add3A_141] : memref<320000xi32, #tpu.memory_space<hbm>> -> memref<80xi32, #tpu.memory_space<hbm>>
        %dma_wait3A_144 = tpu.memref_slice %arg4[%add3A_141] : memref<320000xi32, #tpu.memory_space<hbm>> -> memref<80xi32, #tpu.memory_space<hbm>>
        tpu.wait_dma2 semaphore(%arg21 : memref<!tpu.dma_semaphore, #tpu.memory_space<semaphore_mem>>) src(%dma_wait3A_144 : memref<80xi32, #tpu.memory_space<hbm>>) dst(%arg12 : memref<80xi32, #tpu.memory_space<vmem>>)
        %dma_start3A = arith.constant 0 : i32
        %dma_start3A_145 = arith.constant 0 : i32
        %dma_start3A_146 = tpu.memref_slice %arg2[%dma_start3A, %dma_start3A_145] : memref<10000x128xf32, #tpu.memory_space<hbm>> -> memref<10000x128xf32, #tpu.memory_space<hbm>>
        tpu.enqueue_indirect_dma source(%dma_start3A_146 : memref<10000x128xf32, #tpu.memory_space<hbm>>) target(%arg16 : memref<80x128xf32, #tpu.memory_space<vmem>>) offsets(%arg8 : memref<80xi32, #tpu.memory_space<vmem>>) semaphore(%arg25 : memref<!tpu.dma_semaphore, #tpu.memory_space<semaphore_mem>>)
      } else {
      }
      %sub3A_129 = arith.constant 3 : i32
      %sub3A_130 = arith.subi %add3A_113, %sub3A_129 : i32
      %ge3A_131 = arith.constant 0 : i32
      %ge3A_132 = arith.cmpi sge, %sub3A_130, %ge3A_131 : i32
      %lt3A_133 = arith.constant 125 : i32
      %lt3A_134 = arith.cmpi slt, %sub3A_130, %lt3A_133 : i32
      %and3A_135 = arith.andi %ge3A_132, %lt3A_134 : i1
      %convert_element_type3A_136 = arith.extui %and3A_135 : i1 to i32
      %cond3A_137 = arith.constant 0 : i32
      %cond3A_138 = arith.cmpi ne, %convert_element_type3A_136, %cond3A_137 : i32
      scf.if %cond3A_138 {
        %dma_wait3A = arith.constant 0 : i32
        %dma_wait3A_139 = arith.constant 0 : i32
        %dma_wait3A_140 = tpu.memref_slice %arg2[%dma_wait3A, %dma_wait3A_139] : memref<10000x128xf32, #tpu.memory_space<hbm>> -> memref<10000x128xf32, #tpu.memory_space<hbm>>
        tpu.wait_indirect_dma semaphore(%arg23 : memref<!tpu.dma_semaphore, #tpu.memory_space<semaphore_mem>>) src(%dma_wait3A_140 : memref<10000x128xf32, #tpu.memory_space<hbm>>) dst(%arg14 : memref<80x128xf32, #tpu.memory_space<vmem>>)
        "tpu.region"() ({
          %run_scoped3A = tpu.sem_alloc : memref<!tpu.dma_semaphore, #tpu.memory_space<semaphore_mem>>
          %dma_start3A = arith.constant 0 : i32
          %dma_start3A_141 = arith.constant 0 : i32
          %dma_start3A_142 = tpu.memref_slice %arg18[%dma_start3A, %dma_start3A_141] : memref<10000x128xf32, #tpu.memory_space<vmem_shared>> -> memref<10000x128xf32, #tpu.memory_space<vmem_shared>>
          tpu.enqueue_indirect_dma source(%arg14 : memref<80x128xf32, #tpu.memory_space<vmem>>) target(%dma_start3A_142 : memref<10000x128xf32, #tpu.memory_space<vmem_shared>>) offsets(%arg10 : memref<80xi32, #tpu.memory_space<vmem>>) semaphore(%run_scoped3A : memref<!tpu.dma_semaphore, #tpu.memory_space<semaphore_mem>>) {add = true}
          %dma_wait3A_143 = arith.constant 0 : i32
          %dma_wait3A_144 = arith.constant 0 : i32
          %dma_wait3A_145 = tpu.memref_slice %arg18[%dma_wait3A_143, %dma_wait3A_144] : memref<10000x128xf32, #tpu.memory_space<vmem_shared>> -> memref<10000x128xf32, #tpu.memory_space<vmem_shared>>
          tpu.wait_indirect_dma semaphore(%run_scoped3A : memref<!tpu.dma_semaphore, #tpu.memory_space<semaphore_mem>>) src(%arg14 : memref<80x128xf32, #tpu.memory_space<vmem>>) dst(%dma_wait3A_145 : memref<10000x128xf32, #tpu.memory_space<vmem_shared>>)
          tpu.yield
        }) : () -> ()
      } else {
      }
    }
    %scan3A_17 = arith.constant 33 : i32
    %barrier3A_18 = arith.constant 0 : index
    tpu.barrier barrier_id(%barrier3A_18)
    %scan3A_19 = arith.constant 0 : i32
    %scan3A_20 = arith.constant 8 : i32
    %scan3A_21 = arith.addi %scan3A_19, %scan3A_20 : i32
    %scan3A_22 = arith.constant 1 : i32
    scf.for %scan3A_24 = %scan3A_19 to %scan3A_21 step %scan3A_22  : i32 {
      %mul3A_25 = arith.constant 1 : i32
      %mul3A_26 = arith.muli %scan3A_24, %mul3A_25 : i32
      %add3A_27 = arith.constant 0 : i32
      %add3A_28 = arith.addi %add3A_27, %mul3A_26 : i32
      %mul3A_29 = arith.constant 16 : i32
      %mul3A_30 = arith.muli %mul3A_29, %add3A_28 : i32
      %add3A_31 = arith.addi %arg1, %mul3A_30 : i32
      %lt3A = arith.constant 125 : i32
      %lt3A_32 = arith.cmpi slt, %add3A_31, %lt3A : i32
      %convert_element_type3A = arith.extui %lt3A_32 : i1 to i32
      %cond3A = arith.constant 0 : i32
      %cond3A_33 = arith.cmpi ne, %convert_element_type3A, %cond3A : i32
      scf.if %cond3A_33 {
        %mul3A_34 = arith.constant 80 : i32
        %mul3A_35 = arith.muli %add3A_31, %mul3A_34 : i32
        "tpu.region"() ({
          %run_scoped3A = tpu.sem_alloc : memref<!tpu.dma_semaphore, #tpu.memory_space<semaphore_mem>>
          %dma_start3A = arith.constant 0 : i32
          %dma_start3A_36 = tpu.memref_slice %arg5[%arg0, %mul3A_35, %dma_start3A] : memref<2x10000x128xf32, #tpu.memory_space<hbm>> -> memref<1x80x128xf32, #tpu.memory_space<hbm>>
          %dma_start3A_37 = tpu.memref_squeeze %dma_start3A_36 : memref<1x80x128xf32, #tpu.memory_space<hbm>> -> memref<80x128xf32, #tpu.memory_space<hbm>>
          %dma_start3A_38 = arith.constant 0 : i32
          %dma_start3A_39 = tpu.memref_slice %arg18[%mul3A_35, %dma_start3A_38] : memref<10000x128xf32, #tpu.memory_space<vmem_shared>> -> memref<80x128xf32, #tpu.memory_space<vmem_shared>>
          tpu.enqueue_dma source(%dma_start3A_39 : memref<80x128xf32, #tpu.memory_space<vmem_shared>>) target(%dma_start3A_37 : memref<80x128xf32, #tpu.memory_space<hbm>>) target_semaphore(%run_scoped3A : memref<!tpu.dma_semaphore, #tpu.memory_space<semaphore_mem>>)
          %dma_wait3A = arith.constant 0 : i32
          %dma_wait3A_40 = tpu.memref_slice %arg5[%arg0, %mul3A_35, %dma_wait3A] : memref<2x10000x128xf32, #tpu.memory_space<hbm>> -> memref<1x80x128xf32, #tpu.memory_space<hbm>>
          %dma_wait3A_41 = tpu.memref_squeeze %dma_wait3A_40 : memref<1x80x128xf32, #tpu.memory_space<hbm>> -> memref<80x128xf32, #tpu.memory_space<hbm>>
          %dma_wait3A_42 = arith.constant 0 : i32
          %dma_wait3A_43 = tpu.memref_slice %arg18[%mul3A_35, %dma_wait3A_42] : memref<10000x128xf32, #tpu.memory_space<vmem_shared>> -> memref<80x128xf32, #tpu.memory_space<vmem_shared>>
          tpu.wait_dma2 semaphore(%run_scoped3A : memref<!tpu.dma_semaphore, #tpu.memory_space<semaphore_mem>>) src(%dma_wait3A_43 : memref<80x128xf32, #tpu.memory_space<vmem_shared>>) dst(%dma_wait3A_41 : memref<80x128xf32, #tpu.memory_space<hbm>>)
          tpu.yield
        }) : () -> ()
      } else {
      }
    }
    %scan3A_23 = arith.constant 8 : i32
    return
  }
}

#map = affine_map<(d0, d1) -> (0, 0)>
#map1 = affine_map<(d0, d1) -> (0)>
#map2 = affine_map<(d0, d1) -> (0, 0, 0)>
module attributes {stable_mosaic.version = 14 : i64} {
  func.func @_sc_scatter(%arg0: i32, %arg1: i32, %arg2: memref<10000x128xf32, #tpu.memory_space<hbm>>, %arg3: memref<320000xi32, #tpu.memory_space<hbm>>, %arg4: memref<320000xi32, #tpu.memory_space<hbm>>, %arg5: memref<2x10000x128xf32, #tpu.memory_space<hbm>>, %arg6: memref<80xi32, #tpu.memory_space<vmem>>, %arg7: memref<80xi32, #tpu.memory_space<vmem>>, %arg8: memref<80xi32, #tpu.memory_space<vmem>>, %arg9: memref<80xi32, #tpu.memory_space<vmem>>, %arg10: memref<80xi32, #tpu.memory_space<vmem>>, %arg11: memref<80xi32, #tpu.memory_space<vmem>>, %arg12: memref<80xi32, #tpu.memory_space<vmem>>, %arg13: memref<80xi32, #tpu.memory_space<vmem>>, %arg14: memref<80x128xf32, #tpu.memory_space<vmem>>, %arg15: memref<80x128xf32, #tpu.memory_space<vmem>>, %arg16: memref<80x128xf32, #tpu.memory_space<vmem>>, %arg17: memref<80x128xf32, #tpu.memory_space<vmem>>, %arg18: memref<10000x128xf32, #tpu.memory_space<vmem_shared>>, %arg19: memref<!tpu.dma_semaphore, #tpu.memory_space<semaphore_mem>>, %arg20: memref<!tpu.dma_semaphore, #tpu.memory_space<semaphore_mem>>, %arg21: memref<!tpu.dma_semaphore, #tpu.memory_space<semaphore_mem>>, %arg22: memref<!tpu.dma_semaphore, #tpu.memory_space<semaphore_mem>>, %arg23: memref<!tpu.dma_semaphore, #tpu.memory_space<semaphore_mem>>, %arg24: memref<!tpu.dma_semaphore, #tpu.memory_space<semaphore_mem>>, %arg25: memref<!tpu.dma_semaphore, #tpu.memory_space<semaphore_mem>>, %arg26: memref<!tpu.dma_semaphore, #tpu.memory_space<semaphore_mem>>) attributes {dimension_semantics = [#tpu.dimension_semantics<core_parallel>, #tpu.dimension_semantics<subcore_parallel>], iteration_bounds = array<i64: 2, 16>, scalar_prefetch = 0 : i64, scratch_operands = 21 : i64, tpu.core_type = #tpu.core_type<sc_vector_subcore>, window_params = [{transform_indices = #map}, {transform_indices = #map1}, {transform_indices = #map1}, {transform_indices = #map2}]} {
    %mul3A = arith.constant 2 : i32
    %mul3A_0 = arith.muli %arg1, %mul3A : i32
    %add3A = arith.addi %mul3A_0, %arg0 : i32
    %broadcast_in_dim3A = arith.constant 0.000000e+00 : f32
    %broadcast_in_dim3A_1 = vector.broadcast %broadcast_in_dim3A : f32 to vector<16xf32>
    %scan3A = arith.constant 0 : i32
    %scan3A_2 = arith.constant 80 : i32
    %scan3A_3 = arith.addi %scan3A, %scan3A_2 : i32
    %scan3A_4 = arith.constant 1 : i32
    scf.for %scan3A_24 = %scan3A to %scan3A_3 step %scan3A_4  : i32 {
      %mul3A_25 = arith.constant 1 : i32
      %mul3A_26 = arith.muli %scan3A_24, %mul3A_25 : i32
      %add3A_27 = arith.constant 0 : i32
      %add3A_28 = arith.addi %add3A_27, %mul3A_26 : i32
      %swap3A = arith.index_cast %add3A_28 : i32 to index
      %swap3A_29 = arith.constant 0 : index
      %swap3A_30 = tpu.vector_load %arg14[%swap3A, %swap3A_29] {strides = array<i32>} : memref<80x128xf32, #tpu.memory_space<vmem>>, vector<1x16xf32>,
      %swap3A_31 = vector.shape_cast %swap3A_30 : vector<1x16xf32> to vector<16xf32>
      %swap3A_32 = vector.shape_cast %broadcast_in_dim3A_1 : vector<16xf32> to vector<1x16xf32>
      tpu.vector_store %arg14[%swap3A, %swap3A_29], %swap3A_32 {strides = array<i32>} : memref<80x128xf32, #tpu.memory_space<vmem>>, vector<1x16xf32>,
      %swap3A_33 = arith.index_cast %add3A_28 : i32 to index
      %swap3A_34 = arith.constant 16 : index
      %swap3A_35 = tpu.vector_load %arg14[%swap3A_33, %swap3A_34] {strides = array<i32>} : memref<80x128xf32, #tpu.memory_space<vmem>>, vector<1x16xf32>,
      %swap3A_36 = vector.shape_cast %swap3A_35 : vector<1x16xf32> to vector<16xf32>
      %swap3A_37 = vector.shape_cast %broadcast_in_dim3A_1 : vector<16xf32> to vector<1x16xf32>
      tpu.vector_store %arg14[%swap3A_33, %swap3A_34], %swap3A_37 {strides = array<i32>} : memref<80x128xf32, #tpu.memory_space<vmem>>, vector<1x16xf32>,
      %swap3A_38 = arith.index_cast %add3A_28 : i32 to index
      %swap3A_39 = arith.constant 32 : index
      %swap3A_40 = tpu.vector_load %arg14[%swap3A_38, %swap3A_39] {strides = array<i32>} : memref<80x128xf32, #tpu.memory_space<vmem>>, vector<1x16xf32>,
      %swap3A_41 = vector.shape_cast %swap3A_40 : vector<1x16xf32> to vector<16xf32>
      %swap3A_42 = vector.shape_cast %broadcast_in_dim3A_1 : vector<16xf32> to vector<1x16xf32>
      tpu.vector_store %arg14[%swap3A_38, %swap3A_39], %swap3A_42 {strides = array<i32>} : memref<80x128xf32, #tpu.memory_space<vmem>>, vector<1x16xf32>,
      %swap3A_43 = arith.index_cast %add3A_28 : i32 to index
      %swap3A_44 = arith.constant 48 : index
      %swap3A_45 = tpu.vector_load %arg14[%swap3A_43, %swap3A_44] {strides = array<i32>} : memref<80x128xf32, #tpu.memory_space<vmem>>, vector<1x16xf32>,
      %swap3A_46 = vector.shape_cast %swap3A_45 : vector<1x16xf32> to vector<16xf32>
      %swap3A_47 = vector.shape_cast %broadcast_in_dim3A_1 : vector<16xf32> to vector<1x16xf32>
      tpu.vector_store %arg14[%swap3A_43, %swap3A_44], %swap3A_47 {strides = array<i32>} : memref<80x128xf32, #tpu.memory_space<vmem>>, vector<1x16xf32>,
      %swap3A_48 = arith.index_cast %add3A_28 : i32 to index
      %swap3A_49 = arith.constant 64 : index
      %swap3A_50 = tpu.vector_load %arg14[%swap3A_48, %swap3A_49] {strides = array<i32>} : memref<80x128xf32, #tpu.memory_space<vmem>>, vector<1x16xf32>,
      %swap3A_51 = vector.shape_cast %swap3A_50 : vector<1x16xf32> to vector<16xf32>
      %swap3A_52 = vector.shape_cast %broadcast_in_dim3A_1 : vector<16xf32> to vector<1x16xf32>
      tpu.vector_store %arg14[%swap3A_48, %swap3A_49], %swap3A_52 {strides = array<i32>} : memref<80x128xf32, #tpu.memory_space<vmem>>, vector<1x16xf32>,
      %swap3A_53 = arith.index_cast %add3A_28 : i32 to index
      %swap3A_54 = arith.constant 80 : index
      %swap3A_55 = tpu.vector_load %arg14[%swap3A_53, %swap3A_54] {strides = array<i32>} : memref<80x128xf32, #tpu.memory_space<vmem>>, vector<1x16xf32>,
      %swap3A_56 = vector.shape_cast %swap3A_55 : vector<1x16xf32> to vector<16xf32>
      %swap3A_57 = vector.shape_cast %broadcast_in_dim3A_1 : vector<16xf32> to vector<1x16xf32>
      tpu.vector_store %arg14[%swap3A_53, %swap3A_54], %swap3A_57 {strides = array<i32>} : memref<80x128xf32, #tpu.memory_space<vmem>>, vector<1x16xf32>,
      %swap3A_58 = arith.index_cast %add3A_28 : i32 to index
      %swap3A_59 = arith.constant 96 : index
      %swap3A_60 = tpu.vector_load %arg14[%swap3A_58, %swap3A_59] {strides = array<i32>} : memref<80x128xf32, #tpu.memory_space<vmem>>, vector<1x16xf32>,
      %swap3A_61 = vector.shape_cast %swap3A_60 : vector<1x16xf32> to vector<16xf32>
      %swap3A_62 = vector.shape_cast %broadcast_in_dim3A_1 : vector<16xf32> to vector<1x16xf32>
      tpu.vector_store %arg14[%swap3A_58, %swap3A_59], %swap3A_62 {strides = array<i32>} : memref<80x128xf32, #tpu.memory_space<vmem>>, vector<1x16xf32>,
      %swap3A_63 = arith.index_cast %add3A_28 : i32 to index
      %swap3A_64 = arith.constant 112 : index
      %swap3A_65 = tpu.vector_load %arg14[%swap3A_63, %swap3A_64] {strides = array<i32>} : memref<80x128xf32, #tpu.memory_space<vmem>>, vector<1x16xf32>,
      %swap3A_66 = vector.shape_cast %swap3A_65 : vector<1x16xf32> to vector<16xf32>
      %swap3A_67 = vector.shape_cast %broadcast_in_dim3A_1 : vector<16xf32> to vector<1x16xf32>
      tpu.vector_store %arg14[%swap3A_63, %swap3A_64], %swap3A_67 {strides = array<i32>} : memref<80x128xf32, #tpu.memory_space<vmem>>, vector<1x16xf32>,
    }
    %scan3A_5 = arith.constant 80 : i32
    %scan3A_6 = arith.constant 0 : i32
    %scan3A_7 = arith.constant 8 : i32
    %scan3A_8 = arith.addi %scan3A_6, %scan3A_7 : i32
    %scan3A_9 = arith.constant 1 : i32
    scf.for %scan3A_24 = %scan3A_6 to %scan3A_8 step %scan3A_9  : i32 {
      %mul3A_25 = arith.constant 1 : i32
      %mul3A_26 = arith.muli %scan3A_24, %mul3A_25 : i32
      %add3A_27 = arith.constant 0 : i32
      %add3A_28 = arith.addi %add3A_27, %mul3A_26 : i32
      %mul3A_29 = arith.constant 16 : i32
      %mul3A_30 = arith.muli %mul3A_29, %add3A_28 : i32
      %add3A_31 = arith.addi %arg1, %mul3A_30 : i32
      %lt3A = arith.constant 125 : i32
      %lt3A_32 = arith.cmpi slt, %add3A_31, %lt3A : i32
      %convert_element_type3A = arith.extui %lt3A_32 : i1 to i32
      %cond3A = arith.constant 0 : i32
      %cond3A_33 = arith.cmpi ne, %convert_element_type3A, %cond3A : i32
      scf.if %cond3A_33 {
        %mul3A_34 = arith.constant 80 : i32
        %mul3A_35 = arith.muli %add3A_31, %mul3A_34 : i32
        "tpu.region"() ({
          %run_scoped3A = tpu.sem_alloc : memref<!tpu.dma_semaphore, #tpu.memory_space<semaphore_mem>>
          %dma_start3A = arith.constant 0 : i32
          %dma_start3A_36 = arith.constant 0 : i32
          %dma_start3A_37 = tpu.memref_slice %arg14[%dma_start3A, %dma_start3A_36] : memref<80x128xf32, #tpu.memory_space<vmem>> -> memref<80x128xf32, #tpu.memory_space<vmem>>
          %dma_start3A_38 = arith.constant 0 : i32
          %dma_start3A_39 = tpu.memref_slice %arg18[%mul3A_35, %dma_start3A_38] : memref<10000x128xf32, #tpu.memory_space<vmem_shared>> -> memref<80x128xf32, #tpu.memory_space<vmem_shared>>
          %dma_start3A_40 = arith.constant 0 : i32
          %dma_start3A_41 = tpu.memref_slice %arg18[%mul3A_35, %dma_start3A_40] : memref<10000x128xf32, #tpu.memory_space<vmem_shared>> -> memref<80x128xf32, #tpu.memory_space<vmem_shared>>
          %dma_start3A_42 = arith.constant 0 : i32
          %dma_start3A_43 = arith.constant 0 : i32
          %dma_start3A_44 = tpu.memref_slice %arg14[%dma_start3A_42, %dma_start3A_43] : memref<80x128xf32, #tpu.memory_space<vmem>> -> memref<80x128xf32, #tpu.memory_space<vmem>>
          tpu.enqueue_dma source(%dma_start3A_44 : memref<80x128xf32, #tpu.memory_space<vmem>>) target(%dma_start3A_41 : memref<80x128xf32, #tpu.memory_space<vmem_shared>>) target_semaphore(%run_scoped3A : memref<!tpu.dma_semaphore, #tpu.memory_space<semaphore_mem>>)
          %dma_wait3A = arith.constant 0 : i32
          %dma_wait3A_45 = arith.constant 0 : i32
          %dma_wait3A_46 = tpu.memref_slice %arg14[%dma_wait3A, %dma_wait3A_45] : memref<80x128xf32, #tpu.memory_space<vmem>> -> memref<80x128xf32, #tpu.memory_space<vmem>>
          %dma_wait3A_47 = arith.constant 0 : i32
          %dma_wait3A_48 = tpu.memref_slice %arg18[%mul3A_35, %dma_wait3A_47] : memref<10000x128xf32, #tpu.memory_space<vmem_shared>> -> memref<80x128xf32, #tpu.memory_space<vmem_shared>>
          %dma_wait3A_49 = arith.constant 0 : i32
          %dma_wait3A_50 = tpu.memref_slice %arg18[%mul3A_35, %dma_wait3A_49] : memref<10000x128xf32, #tpu.memory_space<vmem_shared>> -> memref<80x128xf32, #tpu.memory_space<vmem_shared>>
          %dma_wait3A_51 = arith.constant 0 : i32
          %dma_wait3A_52 = arith.constant 0 : i32
          %dma_wait3A_53 = tpu.memref_slice %arg14[%dma_wait3A_51, %dma_wait3A_52] : memref<80x128xf32, #tpu.memory_space<vmem>> -> memref<80x128xf32, #tpu.memory_space<vmem>>
          tpu.wait_dma2 semaphore(%run_scoped3A : memref<!tpu.dma_semaphore, #tpu.memory_space<semaphore_mem>>) src(%dma_wait3A_53 : memref<80x128xf32, #tpu.memory_space<vmem>>) dst(%dma_wait3A_50 : memref<80x128xf32, #tpu.memory_space<vmem_shared>>)
          tpu.yield
        }) : () -> ()
      } else {
      }
    }
    %scan3A_10 = arith.constant 8 : i32
    %barrier3A = arith.constant 0 : index
    tpu.barrier barrier_id(%barrier3A)
    %mul3A_11 = arith.constant 10000 : i32
    %mul3A_12 = arith.muli %add3A, %mul3A_11 : i32
    %scan3A_13 = arith.constant 0 : i32
    %scan3A_14 = arith.constant 33 : i32
    %scan3A_15 = arith.addi %scan3A_13, %scan3A_14 : i32
    %scan3A_16 = arith.constant 1 : i32
    scf.for %scan3A_24 = %scan3A_13 to %scan3A_15 step %scan3A_16  : i32 {
      %mul3A_25 = arith.constant 1 : i32
      %mul3A_26 = arith.muli %scan3A_24, %mul3A_25 : i32
      %add3A_27 = arith.constant 0 : i32
      %add3A_28 = arith.addi %add3A_27, %mul3A_26 : i32
      %mul3A_29 = arith.constant 4 : i32
      %mul3A_30 = arith.muli %add3A_28, %mul3A_29 : i32
      %add3A_31 = arith.constant 0 : i32
      %add3A_32 = arith.addi %mul3A_30, %add3A_31 : i32
      %lt3A = arith.constant 125 : i32
      %lt3A_33 = arith.cmpi slt, %add3A_32, %lt3A : i32
      %convert_element_type3A = arith.extui %lt3A_33 : i1 to i32
      %cond3A = arith.constant 0 : i32
      %cond3A_34 = arith.cmpi ne, %convert_element_type3A, %cond3A : i32
      scf.if %cond3A_34 {
        %mul3A_139 = arith.constant 80 : i32
        %mul3A_140 = arith.muli %add3A_32, %mul3A_139 : i32
        %add3A_141 = arith.addi %mul3A_12, %mul3A_140 : i32
        %dma_start3A = tpu.memref_slice %arg3[%add3A_141] : memref<320000xi32, #tpu.memory_space<hbm>> -> memref<80xi32, #tpu.memory_space<hbm>>
        %dma_start3A_142 = tpu.memref_slice %arg3[%add3A_141] : memref<320000xi32, #tpu.memory_space<hbm>> -> memref<80xi32, #tpu.memory_space<hbm>>
        tpu.enqueue_dma source(%dma_start3A_142 : memref<80xi32, #tpu.memory_space<hbm>>) target(%arg6 : memref<80xi32, #tpu.memory_space<vmem>>) target_semaphore(%arg19 : memref<!tpu.dma_semaphore, #tpu.memory_space<semaphore_mem>>)
        %dma_start3A_143 = tpu.memref_slice %arg4[%add3A_141] : memref<320000xi32, #tpu.memory_space<hbm>> -> memref<80xi32, #tpu.memory_space<hbm>>
        %dma_start3A_144 = tpu.memref_slice %arg4[%add3A_141] : memref<320000xi32, #tpu.memory_space<hbm>> -> memref<80xi32, #tpu.memory_space<hbm>>
        tpu.enqueue_dma source(%dma_start3A_144 : memref<80xi32, #tpu.memory_space<hbm>>) target(%arg10 : memref<80xi32, #tpu.memory_space<vmem>>) target_semaphore(%arg19 : memref<!tpu.dma_semaphore, #tpu.memory_space<semaphore_mem>>)
      } else {
      }
      %sub3A = arith.constant 1 : i32
      %sub3A_35 = arith.subi %add3A_32, %sub3A : i32
      %ge3A = arith.constant 0 : i32
      %ge3A_36 = arith.cmpi sge, %sub3A_35, %ge3A : i32
      %lt3A_37 = arith.constant 125 : i32
      %lt3A_38 = arith.cmpi slt, %sub3A_35, %lt3A_37 : i32
      %and3A = arith.andi %ge3A_36, %lt3A_38 : i1
      %convert_element_type3A_39 = arith.extui %and3A : i1 to i32
      %cond3A_40 = arith.constant 0 : i32
      %cond3A_41 = arith.cmpi ne, %convert_element_type3A_39, %cond3A_40 : i32
      scf.if %cond3A_41 {
        %mul3A_139 = arith.constant 80 : i32
        %mul3A_140 = arith.muli %sub3A_35, %mul3A_139 : i32
        %add3A_141 = arith.addi %mul3A_12, %mul3A_140 : i32
        %dma_wait3A = tpu.memref_slice %arg3[%add3A_141] : memref<320000xi32, #tpu.memory_space<hbm>> -> memref<80xi32, #tpu.memory_space<hbm>>
        %dma_wait3A_142 = tpu.memref_slice %arg3[%add3A_141] : memref<320000xi32, #tpu.memory_space<hbm>> -> memref<80xi32, #tpu.memory_space<hbm>>
        tpu.wait_dma2 semaphore(%arg22 : memref<!tpu.dma_semaphore, #tpu.memory_space<semaphore_mem>>) src(%dma_wait3A_142 : memref<80xi32, #tpu.memory_space<hbm>>) dst(%arg9 : memref<80xi32, #tpu.memory_space<vmem>>)
        %dma_wait3A_143 = tpu.memref_slice %arg4[%add3A_141] : memref<320000xi32, #tpu.memory_space<hbm>> -> memref<80xi32, #tpu.memory_space<hbm>>
        %dma_wait3A_144 = tpu.memref_slice %arg4[%add3A_141] : memref<320000xi32, #tpu.memory_space<hbm>> -> memref<80xi32, #tpu.memory_space<hbm>>
        tpu.wait_dma2 semaphore(%arg22 : memref<!tpu.dma_semaphore, #tpu.memory_space<semaphore_mem>>) src(%dma_wait3A_144 : memref<80xi32, #tpu.memory_space<hbm>>) dst(%arg13 : memref<80xi32, #tpu.memory_space<vmem>>)
        %dma_start3A = arith.constant 0 : i32
        %dma_start3A_145 = arith.constant 0 : i32
        %dma_start3A_146 = tpu.memref_slice %arg2[%dma_start3A, %dma_start3A_145] : memref<10000x128xf32, #tpu.memory_space<hbm>> -> memref<10000x128xf32, #tpu.memory_space<hbm>>
        tpu.enqueue_indirect_dma source(%dma_start3A_146 : memref<10000x128xf32, #tpu.memory_space<hbm>>) target(%arg17 : memref<80x128xf32, #tpu.memory_space<vmem>>) offsets(%arg9 : memref<80xi32, #tpu.memory_space<vmem>>) semaphore(%arg26 : memref<!tpu.dma_semaphore, #tpu.memory_space<semaphore_mem>>)
      } else {
      }
      %sub3A_42 = arith.constant 3 : i32
      %sub3A_43 = arith.subi %add3A_32, %sub3A_42 : i32
      %ge3A_44 = arith.constant 0 : i32
      %ge3A_45 = arith.cmpi sge, %sub3A_43, %ge3A_44 : i32
      %lt3A_46 = arith.constant 125 : i32
      %lt3A_47 = arith.cmpi slt, %sub3A_43, %lt3A_46 : i32
      %and3A_48 = arith.andi %ge3A_45, %lt3A_47 : i1
      %convert_element_type3A_49 = arith.extui %and3A_48 : i1 to i32
      %cond3A_50 = arith.constant 0 : i32
      %cond3A_51 = arith.cmpi ne, %convert_element_type3A_49, %cond3A_50 : i32
      scf.if %cond3A_51 {
        %dma_wait3A = arith.constant 0 : i32
        %dma_wait3A_139 = arith.constant 0 : i32
        %dma_wait3A_140 = tpu.memref_slice %arg2[%dma_wait3A, %dma_wait3A_139] : memref<10000x128xf32, #tpu.memory_space<hbm>> -> memref<10000x128xf32, #tpu.memory_space<hbm>>
        tpu.wait_indirect_dma semaphore(%arg24 : memref<!tpu.dma_semaphore, #tpu.memory_space<semaphore_mem>>) src(%dma_wait3A_140 : memref<10000x128xf32, #tpu.memory_space<hbm>>) dst(%arg15 : memref<80x128xf32, #tpu.memory_space<vmem>>)
        "tpu.region"() ({
          %run_scoped3A = tpu.sem_alloc : memref<!tpu.dma_semaphore, #tpu.memory_space<semaphore_mem>>
          %dma_start3A = arith.constant 0 : i32
          %dma_start3A_141 = arith.constant 0 : i32
          %dma_start3A_142 = tpu.memref_slice %arg18[%dma_start3A, %dma_start3A_141] : memref<10000x128xf32, #tpu.memory_space<vmem_shared>> -> memref<10000x128xf32, #tpu.memory_space<vmem_shared>>
          tpu.enqueue_indirect_dma source(%arg15 : memref<80x128xf32, #tpu.memory_space<vmem>>) target(%dma_start3A_142 : memref<10000x128xf32, #tpu.memory_space<vmem_shared>>) offsets(%arg11 : memref<80xi32, #tpu.memory_space<vmem>>) semaphore(%run_scoped3A : memref<!tpu.dma_semaphore, #tpu.memory_space<semaphore_mem>>) {add = true}
          %dma_wait3A_143 = arith.constant 0 : i32
          %dma_wait3A_144 = arith.constant 0 : i32
          %dma_wait3A_145 = tpu.memref_slice %arg18[%dma_wait3A_143, %dma_wait3A_144] : memref<10000x128xf32, #tpu.memory_space<vmem_shared>> -> memref<10000x128xf32, #tpu.memory_space<vmem_shared>>
          tpu.wait_indirect_dma semaphore(%run_scoped3A : memref<!tpu.dma_semaphore, #tpu.memory_space<semaphore_mem>>) src(%arg15 : memref<80x128xf32, #tpu.memory_space<vmem>>) dst(%dma_wait3A_145 : memref<10000x128xf32, #tpu.memory_space<vmem_shared>>)
          tpu.yield
        }) : () -> ()
      } else {
      }
      %mul3A_52 = arith.constant 4 : i32
      %mul3A_53 = arith.muli %add3A_28, %mul3A_52 : i32
      %add3A_54 = arith.constant 1 : i32
      %add3A_55 = arith.addi %mul3A_53, %add3A_54 : i32
      %lt3A_56 = arith.constant 125 : i32
      %lt3A_57 = arith.cmpi slt, %add3A_55, %lt3A_56 : i32
      %convert_element_type3A_58 = arith.extui %lt3A_57 : i1 to i32
      %cond3A_59 = arith.constant 0 : i32
      %cond3A_60 = arith.cmpi ne, %convert_element_type3A_58, %cond3A_59 : i32
      scf.if %cond3A_60 {
        %mul3A_139 = arith.constant 80 : i32
        %mul3A_140 = arith.muli %add3A_55, %mul3A_139 : i32
        %add3A_141 = arith.addi %mul3A_12, %mul3A_140 : i32
        %dma_start3A = tpu.memref_slice %arg3[%add3A_141] : memref<320000xi32, #tpu.memory_space<hbm>> -> memref<80xi32, #tpu.memory_space<hbm>>
        %dma_start3A_142 = tpu.memref_slice %arg3[%add3A_141] : memref<320000xi32, #tpu.memory_space<hbm>> -> memref<80xi32, #tpu.memory_space<hbm>>
        tpu.enqueue_dma source(%dma_start3A_142 : memref<80xi32, #tpu.memory_space<hbm>>) target(%arg7 : memref<80xi32, #tpu.memory_space<vmem>>) target_semaphore(%arg20 : memref<!tpu.dma_semaphore, #tpu.memory_space<semaphore_mem>>)
        %dma_start3A_143 = tpu.memref_slice %arg4[%add3A_141] : memref<320000xi32, #tpu.memory_space<hbm>> -> memref<80xi32, #tpu.memory_space<hbm>>
        %dma_start3A_144 = tpu.memref_slice %arg4[%add3A_141] : memref<320000xi32, #tpu.memory_space<hbm>> -> memref<80xi32, #tpu.memory_space<hbm>>
        tpu.enqueue_dma source(%dma_start3A_144 : memref<80xi32, #tpu.memory_space<hbm>>) target(%arg11 : memref<80xi32, #tpu.memory_space<vmem>>) target_semaphore(%arg20 : memref<!tpu.dma_semaphore, #tpu.memory_space<semaphore_mem>>)
      } else {
      }
      %sub3A_61 = arith.constant 1 : i32
      %sub3A_62 = arith.subi %add3A_55, %sub3A_61 : i32
      %ge3A_63 = arith.constant 0 : i32
      %ge3A_64 = arith.cmpi sge, %sub3A_62, %ge3A_63 : i32
      %lt3A_65 = arith.constant 125 : i32
      %lt3A_66 = arith.cmpi slt, %sub3A_62, %lt3A_65 : i32
      %and3A_67 = arith.andi %ge3A_64, %lt3A_66 : i1
      %convert_element_type3A_68 = arith.extui %and3A_67 : i1 to i32
      %cond3A_69 = arith.constant 0 : i32
      %cond3A_70 = arith.cmpi ne, %convert_element_type3A_68, %cond3A_69 : i32
      scf.if %cond3A_70 {
        %mul3A_139 = arith.constant 80 : i32
        %mul3A_140 = arith.muli %sub3A_62, %mul3A_139 : i32
        %add3A_141 = arith.addi %mul3A_12, %mul3A_140 : i32
        %dma_wait3A = tpu.memref_slice %arg3[%add3A_141] : memref<320000xi32, #tpu.memory_space<hbm>> -> memref<80xi32, #tpu.memory_space<hbm>>
        %dma_wait3A_142 = tpu.memref_slice %arg3[%add3A_141] : memref<320000xi32, #tpu.memory_space<hbm>> -> memref<80xi32, #tpu.memory_space<hbm>>
        tpu.wait_dma2 semaphore(%arg19 : memref<!tpu.dma_semaphore, #tpu.memory_space<semaphore_mem>>) src(%dma_wait3A_142 : memref<80xi32, #tpu.memory_space<hbm>>) dst(%arg6 : memref<80xi32, #tpu.memory_space<vmem>>)
        %dma_wait3A_143 = tpu.memref_slice %arg4[%add3A_141] : memref<320000xi32, #tpu.memory_space<hbm>> -> memref<80xi32, #tpu.memory_space<hbm>>
        %dma_wait3A_144 = tpu.memref_slice %arg4[%add3A_141] : memref<320000xi32, #tpu.memory_space<hbm>> -> memref<80xi32, #tpu.memory_space<hbm>>
        tpu.wait_dma2 semaphore(%arg19 : memref<!tpu.dma_semaphore, #tpu.memory_space<semaphore_mem>>) src(%dma_wait3A_144 : memref<80xi32, #tpu.memory_space<hbm>>) dst(%arg10 : memref<80xi32, #tpu.memory_space<vmem>>)
        %dma_start3A = arith.constant 0 : i32
        %dma_start3A_145 = arith.constant 0 : i32
        %dma_start3A_146 = tpu.memref_slice %arg2[%dma_start3A, %dma_start3A_145] : memref<10000x128xf32, #tpu.memory_space<hbm>> -> memref<10000x128xf32, #tpu.memory_space<hbm>>
        tpu.enqueue_indirect_dma source(%dma_start3A_146 : memref<10000x128xf32, #tpu.memory_space<hbm>>) target(%arg14 : memref<80x128xf32, #tpu.memory_space<vmem>>) offsets(%arg6 : memref<80xi32, #tpu.memory_space<vmem>>) semaphore(%arg23 : memref<!tpu.dma_semaphore, #tpu.memory_space<semaphore_mem>>)
      } else {
      }
      %sub3A_71 = arith.constant 3 : i32
      %sub3A_72 = arith.subi %add3A_55, %sub3A_71 : i32
      %ge3A_73 = arith.constant 0 : i32
      %ge3A_74 = arith.cmpi sge, %sub3A_72, %ge3A_73 : i32
      %lt3A_75 = arith.constant 125 : i32
      %lt3A_76 = arith.cmpi slt, %sub3A_72, %lt3A_75 : i32
      %and3A_77 = arith.andi %ge3A_74, %lt3A_76 : i1
      %convert_element_type3A_78 = arith.extui %and3A_77 : i1 to i32
      %cond3A_79 = arith.constant 0 : i32
      %cond3A_80 = arith.cmpi ne, %convert_element_type3A_78, %cond3A_79 : i32
      scf.if %cond3A_80 {
        %dma_wait3A = arith.constant 0 : i32
        %dma_wait3A_139 = arith.constant 0 : i32
        %dma_wait3A_140 = tpu.memref_slice %arg2[%dma_wait3A, %dma_wait3A_139] : memref<10000x128xf32, #tpu.memory_space<hbm>> -> memref<10000x128xf32, #tpu.memory_space<hbm>>
        tpu.wait_indirect_dma semaphore(%arg25 : memref<!tpu.dma_semaphore, #tpu.memory_space<semaphore_mem>>) src(%dma_wait3A_140 : memref<10000x128xf32, #tpu.memory_space<hbm>>) dst(%arg16 : memref<80x128xf32, #tpu.memory_space<vmem>>)
        "tpu.region"() ({
          %run_scoped3A = tpu.sem_alloc : memref<!tpu.dma_semaphore, #tpu.memory_space<semaphore_mem>>
          %dma_start3A = arith.constant 0 : i32
          %dma_start3A_141 = arith.constant 0 : i32
          %dma_start3A_142 = tpu.memref_slice %arg18[%dma_start3A, %dma_start3A_141] : memref<10000x128xf32, #tpu.memory_space<vmem_shared>> -> memref<10000x128xf32, #tpu.memory_space<vmem_shared>>
          tpu.enqueue_indirect_dma source(%arg16 : memref<80x128xf32, #tpu.memory_space<vmem>>) target(%dma_start3A_142 : memref<10000x128xf32, #tpu.memory_space<vmem_shared>>) offsets(%arg12 : memref<80xi32, #tpu.memory_space<vmem>>) semaphore(%run_scoped3A : memref<!tpu.dma_semaphore, #tpu.memory_space<semaphore_mem>>) {add = true}
          %dma_wait3A_143 = arith.constant 0 : i32
          %dma_wait3A_144 = arith.constant 0 : i32
          %dma_wait3A_145 = tpu.memref_slice %arg18[%dma_wait3A_143, %dma_wait3A_144] : memref<10000x128xf32, #tpu.memory_space<vmem_shared>> -> memref<10000x128xf32, #tpu.memory_space<vmem_shared>>
          tpu.wait_indirect_dma semaphore(%run_scoped3A : memref<!tpu.dma_semaphore, #tpu.memory_space<semaphore_mem>>) src(%arg16 : memref<80x128xf32, #tpu.memory_space<vmem>>) dst(%dma_wait3A_145 : memref<10000x128xf32, #tpu.memory_space<vmem_shared>>)
          tpu.yield
        }) : () -> ()
      } else {
      }
      %mul3A_81 = arith.constant 4 : i32
      %mul3A_82 = arith.muli %add3A_28, %mul3A_81 : i32
      %add3A_83 = arith.constant 2 : i32
      %add3A_84 = arith.addi %mul3A_82, %add3A_83 : i32
      %lt3A_85 = arith.constant 125 : i32
      %lt3A_86 = arith.cmpi slt, %add3A_84, %lt3A_85 : i32
      %convert_element_type3A_87 = arith.extui %lt3A_86 : i1 to i32
      %cond3A_88 = arith.constant 0 : i32
      %cond3A_89 = arith.cmpi ne, %convert_element_type3A_87, %cond3A_88 : i32
      scf.if %cond3A_89 {
        %mul3A_139 = arith.constant 80 : i32
        %mul3A_140 = arith.muli %add3A_84, %mul3A_139 : i32
        %add3A_141 = arith.addi %mul3A_12, %mul3A_140 : i32
        %dma_start3A = tpu.memref_slice %arg3[%add3A_141] : memref<320000xi32, #tpu.memory_space<hbm>> -> memref<80xi32, #tpu.memory_space<hbm>>
        %dma_start3A_142 = tpu.memref_slice %arg3[%add3A_141] : memref<320000xi32, #tpu.memory_space<hbm>> -> memref<80xi32, #tpu.memory_space<hbm>>
        tpu.enqueue_dma source(%dma_start3A_142 : memref<80xi32, #tpu.memory_space<hbm>>) target(%arg8 : memref<80xi32, #tpu.memory_space<vmem>>) target_semaphore(%arg21 : memref<!tpu.dma_semaphore, #tpu.memory_space<semaphore_mem>>)
        %dma_start3A_143 = tpu.memref_slice %arg4[%add3A_141] : memref<320000xi32, #tpu.memory_space<hbm>> -> memref<80xi32, #tpu.memory_space<hbm>>
        %dma_start3A_144 = tpu.memref_slice %arg4[%add3A_141] : memref<320000xi32, #tpu.memory_space<hbm>> -> memref<80xi32, #tpu.memory_space<hbm>>
        tpu.enqueue_dma source(%dma_start3A_144 : memref<80xi32, #tpu.memory_space<hbm>>) target(%arg12 : memref<80xi32, #tpu.memory_space<vmem>>) target_semaphore(%arg21 : memref<!tpu.dma_semaphore, #tpu.memory_space<semaphore_mem>>)
      } else {
      }
      %sub3A_90 = arith.constant 1 : i32
      %sub3A_91 = arith.subi %add3A_84, %sub3A_90 : i32
      %ge3A_92 = arith.constant 0 : i32
      %ge3A_93 = arith.cmpi sge, %sub3A_91, %ge3A_92 : i32
      %lt3A_94 = arith.constant 125 : i32
      %lt3A_95 = arith.cmpi slt, %sub3A_91, %lt3A_94 : i32
      %and3A_96 = arith.andi %ge3A_93, %lt3A_95 : i1
      %convert_element_type3A_97 = arith.extui %and3A_96 : i1 to i32
      %cond3A_98 = arith.constant 0 : i32
      %cond3A_99 = arith.cmpi ne, %convert_element_type3A_97, %cond3A_98 : i32
      scf.if %cond3A_99 {
        %mul3A_139 = arith.constant 80 : i32
        %mul3A_140 = arith.muli %sub3A_91, %mul3A_139 : i32
        %add3A_141 = arith.addi %mul3A_12, %mul3A_140 : i32
        %dma_wait3A = tpu.memref_slice %arg3[%add3A_141] : memref<320000xi32, #tpu.memory_space<hbm>> -> memref<80xi32, #tpu.memory_space<hbm>>
        %dma_wait3A_142 = tpu.memref_slice %arg3[%add3A_141] : memref<320000xi32, #tpu.memory_space<hbm>> -> memref<80xi32, #tpu.memory_space<hbm>>
        tpu.wait_dma2 semaphore(%arg20 : memref<!tpu.dma_semaphore, #tpu.memory_space<semaphore_mem>>) src(%dma_wait3A_142 : memref<80xi32, #tpu.memory_space<hbm>>) dst(%arg7 : memref<80xi32, #tpu.memory_space<vmem>>)
        %dma_wait3A_143 = tpu.memref_slice %arg4[%add3A_141] : memref<320000xi32, #tpu.memory_space<hbm>> -> memref<80xi32, #tpu.memory_space<hbm>>
        %dma_wait3A_144 = tpu.memref_slice %arg4[%add3A_141] : memref<320000xi32, #tpu.memory_space<hbm>> -> memref<80xi32, #tpu.memory_space<hbm>>
        tpu.wait_dma2 semaphore(%arg20 : memref<!tpu.dma_semaphore, #tpu.memory_space<semaphore_mem>>) src(%dma_wait3A_144 : memref<80xi32, #tpu.memory_space<hbm>>) dst(%arg11 : memref<80xi32, #tpu.memory_space<vmem>>)
        %dma_start3A = arith.constant 0 : i32
        %dma_start3A_145 = arith.constant 0 : i32
        %dma_start3A_146 = tpu.memref_slice %arg2[%dma_start3A, %dma_start3A_145] : memref<10000x128xf32, #tpu.memory_space<hbm>> -> memref<10000x128xf32, #tpu.memory_space<hbm>>
        tpu.enqueue_indirect_dma source(%dma_start3A_146 : memref<10000x128xf32, #tpu.memory_space<hbm>>) target(%arg15 : memref<80x128xf32, #tpu.memory_space<vmem>>) offsets(%arg7 : memref<80xi32, #tpu.memory_space<vmem>>) semaphore(%arg24 : memref<!tpu.dma_semaphore, #tpu.memory_space<semaphore_mem>>)
      } else {
      }
      %sub3A_100 = arith.constant 3 : i32
      %sub3A_101 = arith.subi %add3A_84, %sub3A_100 : i32
      %ge3A_102 = arith.constant 0 : i32
      %ge3A_103 = arith.cmpi sge, %sub3A_101, %ge3A_102 : i32
      %lt3A_104 = arith.constant 125 : i32
      %lt3A_105 = arith.cmpi slt, %sub3A_101, %lt3A_104 : i32
      %and3A_106 = arith.andi %ge3A_103, %lt3A_105 : i1
      %convert_element_type3A_107 = arith.extui %and3A_106 : i1 to i32
      %cond3A_108 = arith.constant 0 : i32
      %cond3A_109 = arith.cmpi ne, %convert_element_type3A_107, %cond3A_108 : i32
      scf.if %cond3A_109 {
        %dma_wait3A = arith.constant 0 : i32
        %dma_wait3A_139 = arith.constant 0 : i32
        %dma_wait3A_140 = tpu.memref_slice %arg2[%dma_wait3A, %dma_wait3A_139] : memref<10000x128xf32, #tpu.memory_space<hbm>> -> memref<10000x128xf32, #tpu.memory_space<hbm>>
        tpu.wait_indirect_dma semaphore(%arg26 : memref<!tpu.dma_semaphore, #tpu.memory_space<semaphore_mem>>) src(%dma_wait3A_140 : memref<10000x128xf32, #tpu.memory_space<hbm>>) dst(%arg17 : memref<80x128xf32, #tpu.memory_space<vmem>>)
        "tpu.region"() ({
          %run_scoped3A = tpu.sem_alloc : memref<!tpu.dma_semaphore, #tpu.memory_space<semaphore_mem>>
          %dma_start3A = arith.constant 0 : i32
          %dma_start3A_141 = arith.constant 0 : i32
          %dma_start3A_142 = tpu.memref_slice %arg18[%dma_start3A, %dma_start3A_141] : memref<10000x128xf32, #tpu.memory_space<vmem_shared>> -> memref<10000x128xf32, #tpu.memory_space<vmem_shared>>
          tpu.enqueue_indirect_dma source(%arg17 : memref<80x128xf32, #tpu.memory_space<vmem>>) target(%dma_start3A_142 : memref<10000x128xf32, #tpu.memory_space<vmem_shared>>) offsets(%arg13 : memref<80xi32, #tpu.memory_space<vmem>>) semaphore(%run_scoped3A : memref<!tpu.dma_semaphore, #tpu.memory_space<semaphore_mem>>) {add = true}
          %dma_wait3A_143 = arith.constant 0 : i32
          %dma_wait3A_144 = arith.constant 0 : i32
          %dma_wait3A_145 = tpu.memref_slice %arg18[%dma_wait3A_143, %dma_wait3A_144] : memref<10000x128xf32, #tpu.memory_space<vmem_shared>> -> memref<10000x128xf32, #tpu.memory_space<vmem_shared>>
          tpu.wait_indirect_dma semaphore(%run_scoped3A : memref<!tpu.dma_semaphore, #tpu.memory_space<semaphore_mem>>) src(%arg17 : memref<80x128xf32, #tpu.memory_space<vmem>>) dst(%dma_wait3A_145 : memref<10000x128xf32, #tpu.memory_space<vmem_shared>>)
          tpu.yield
        }) : () -> ()
      } else {
      }
      %mul3A_110 = arith.constant 4 : i32
      %mul3A_111 = arith.muli %add3A_28, %mul3A_110 : i32
      %add3A_112 = arith.constant 3 : i32
      %add3A_113 = arith.addi %mul3A_111, %add3A_112 : i32
      %lt3A_114 = arith.constant 125 : i32
      %lt3A_115 = arith.cmpi slt, %add3A_113, %lt3A_114 : i32
      %convert_element_type3A_116 = arith.extui %lt3A_115 : i1 to i32
      %cond3A_117 = arith.constant 0 : i32
      %cond3A_118 = arith.cmpi ne, %convert_element_type3A_116, %cond3A_117 : i32
      scf.if %cond3A_118 {
        %mul3A_139 = arith.constant 80 : i32
        %mul3A_140 = arith.muli %add3A_113, %mul3A_139 : i32
        %add3A_141 = arith.addi %mul3A_12, %mul3A_140 : i32
        %dma_start3A = tpu.memref_slice %arg3[%add3A_141] : memref<320000xi32, #tpu.memory_space<hbm>> -> memref<80xi32, #tpu.memory_space<hbm>>
        %dma_start3A_142 = tpu.memref_slice %arg3[%add3A_141] : memref<320000xi32, #tpu.memory_space<hbm>> -> memref<80xi32, #tpu.memory_space<hbm>>
        tpu.enqueue_dma source(%dma_start3A_142 : memref<80xi32, #tpu.memory_space<hbm>>) target(%arg9 : memref<80xi32, #tpu.memory_space<vmem>>) target_semaphore(%arg22 : memref<!tpu.dma_semaphore, #tpu.memory_space<semaphore_mem>>)
        %dma_start3A_143 = tpu.memref_slice %arg4[%add3A_141] : memref<320000xi32, #tpu.memory_space<hbm>> -> memref<80xi32, #tpu.memory_space<hbm>>
        %dma_start3A_144 = tpu.memref_slice %arg4[%add3A_141] : memref<320000xi32, #tpu.memory_space<hbm>> -> memref<80xi32, #tpu.memory_space<hbm>>
        tpu.enqueue_dma source(%dma_start3A_144 : memref<80xi32, #tpu.memory_space<hbm>>) target(%arg13 : memref<80xi32, #tpu.memory_space<vmem>>) target_semaphore(%arg22 : memref<!tpu.dma_semaphore, #tpu.memory_space<semaphore_mem>>)
      } else {
      }
      %sub3A_119 = arith.constant 1 : i32
      %sub3A_120 = arith.subi %add3A_113, %sub3A_119 : i32
      %ge3A_121 = arith.constant 0 : i32
      %ge3A_122 = arith.cmpi sge, %sub3A_120, %ge3A_121 : i32
      %lt3A_123 = arith.constant 125 : i32
      %lt3A_124 = arith.cmpi slt, %sub3A_120, %lt3A_123 : i32
      %and3A_125 = arith.andi %ge3A_122, %lt3A_124 : i1
      %convert_element_type3A_126 = arith.extui %and3A_125 : i1 to i32
      %cond3A_127 = arith.constant 0 : i32
      %cond3A_128 = arith.cmpi ne, %convert_element_type3A_126, %cond3A_127 : i32
      scf.if %cond3A_128 {
        %mul3A_139 = arith.constant 80 : i32
        %mul3A_140 = arith.muli %sub3A_120, %mul3A_139 : i32
        %add3A_141 = arith.addi %mul3A_12, %mul3A_140 : i32
        %dma_wait3A = tpu.memref_slice %arg3[%add3A_141] : memref<320000xi32, #tpu.memory_space<hbm>> -> memref<80xi32, #tpu.memory_space<hbm>>
        %dma_wait3A_142 = tpu.memref_slice %arg3[%add3A_141] : memref<320000xi32, #tpu.memory_space<hbm>> -> memref<80xi32, #tpu.memory_space<hbm>>
        tpu.wait_dma2 semaphore(%arg21 : memref<!tpu.dma_semaphore, #tpu.memory_space<semaphore_mem>>) src(%dma_wait3A_142 : memref<80xi32, #tpu.memory_space<hbm>>) dst(%arg8 : memref<80xi32, #tpu.memory_space<vmem>>)
        %dma_wait3A_143 = tpu.memref_slice %arg4[%add3A_141] : memref<320000xi32, #tpu.memory_space<hbm>> -> memref<80xi32, #tpu.memory_space<hbm>>
        %dma_wait3A_144 = tpu.memref_slice %arg4[%add3A_141] : memref<320000xi32, #tpu.memory_space<hbm>> -> memref<80xi32, #tpu.memory_space<hbm>>
        tpu.wait_dma2 semaphore(%arg21 : memref<!tpu.dma_semaphore, #tpu.memory_space<semaphore_mem>>) src(%dma_wait3A_144 : memref<80xi32, #tpu.memory_space<hbm>>) dst(%arg12 : memref<80xi32, #tpu.memory_space<vmem>>)
        %dma_start3A = arith.constant 0 : i32
        %dma_start3A_145 = arith.constant 0 : i32
        %dma_start3A_146 = tpu.memref_slice %arg2[%dma_start3A, %dma_start3A_145] : memref<10000x128xf32, #tpu.memory_space<hbm>> -> memref<10000x128xf32, #tpu.memory_space<hbm>>
        tpu.enqueue_indirect_dma source(%dma_start3A_146 : memref<10000x128xf32, #tpu.memory_space<hbm>>) target(%arg16 : memref<80x128xf32, #tpu.memory_space<vmem>>) offsets(%arg8 : memref<80xi32, #tpu.memory_space<vmem>>) semaphore(%arg25 : memref<!tpu.dma_semaphore, #tpu.memory_space<semaphore_mem>>)
      } else {
      }
      %sub3A_129 = arith.constant 3 : i32
      %sub3A_130 = arith.subi %add3A_113, %sub3A_129 : i32
      %ge3A_131 = arith.constant 0 : i32
      %ge3A_132 = arith.cmpi sge, %sub3A_130, %ge3A_131 : i32
      %lt3A_133 = arith.constant 125 : i32
      %lt3A_134 = arith.cmpi slt, %sub3A_130, %lt3A_133 : i32
      %and3A_135 = arith.andi %ge3A_132, %lt3A_134 : i1
      %convert_element_type3A_136 = arith.extui %and3A_135 : i1 to i32
      %cond3A_137 = arith.constant 0 : i32
      %cond3A_138 = arith.cmpi ne, %convert_element_type3A_136, %cond3A_137 : i32
      scf.if %cond3A_138 {
        %dma_wait3A = arith.constant 0 : i32
        %dma_wait3A_139 = arith.constant 0 : i32
        %dma_wait3A_140 = tpu.memref_slice %arg2[%dma_wait3A, %dma_wait3A_139] : memref<10000x128xf32, #tpu.memory_space<hbm>> -> memref<10000x128xf32, #tpu.memory_space<hbm>>
        tpu.wait_indirect_dma semaphore(%arg23 : memref<!tpu.dma_semaphore, #tpu.memory_space<semaphore_mem>>) src(%dma_wait3A_140 : memref<10000x128xf32, #tpu.memory_space<hbm>>) dst(%arg14 : memref<80x128xf32, #tpu.memory_space<vmem>>)
        "tpu.region"() ({
          %run_scoped3A = tpu.sem_alloc : memref<!tpu.dma_semaphore, #tpu.memory_space<semaphore_mem>>
          %dma_start3A = arith.constant 0 : i32
          %dma_start3A_141 = arith.constant 0 : i32
          %dma_start3A_142 = tpu.memref_slice %arg18[%dma_start3A, %dma_start3A_141] : memref<10000x128xf32, #tpu.memory_space<vmem_shared>> -> memref<10000x128xf32, #tpu.memory_space<vmem_shared>>
          tpu.enqueue_indirect_dma source(%arg14 : memref<80x128xf32, #tpu.memory_space<vmem>>) target(%dma_start3A_142 : memref<10000x128xf32, #tpu.memory_space<vmem_shared>>) offsets(%arg10 : memref<80xi32, #tpu.memory_space<vmem>>) semaphore(%run_scoped3A : memref<!tpu.dma_semaphore, #tpu.memory_space<semaphore_mem>>) {add = true}
          %dma_wait3A_143 = arith.constant 0 : i32
          %dma_wait3A_144 = arith.constant 0 : i32
          %dma_wait3A_145 = tpu.memref_slice %arg18[%dma_wait3A_143, %dma_wait3A_144] : memref<10000x128xf32, #tpu.memory_space<vmem_shared>> -> memref<10000x128xf32, #tpu.memory_space<vmem_shared>>
          tpu.wait_indirect_dma semaphore(%run_scoped3A : memref<!tpu.dma_semaphore, #tpu.memory_space<semaphore_mem>>) src(%arg14 : memref<80x128xf32, #tpu.memory_space<vmem>>) dst(%dma_wait3A_145 : memref<10000x128xf32, #tpu.memory_space<vmem_shared>>)
          tpu.yield
        }) : () -> ()
      } else {
      }
    }
    %scan3A_17 = arith.constant 33 : i32
    %barrier3A_18 = arith.constant 0 : index
    tpu.barrier barrier_id(%barrier3A_18)
    %scan3A_19 = arith.constant 0 : i32
    %scan3A_20 = arith.constant 8 : i32
    %scan3A_21 = arith.addi %scan3A_19, %scan3A_20 : i32
    %scan3A_22 = arith.constant 1 : i32
    scf.for %scan3A_24 = %scan3A_19 to %scan3A_21 step %scan3A_22  : i32 {
      %mul3A_25 = arith.constant 1 : i32
      %mul3A_26 = arith.muli %scan3A_24, %mul3A_25 : i32
      %add3A_27 = arith.constant 0 : i32
      %add3A_28 = arith.addi %add3A_27, %mul3A_26 : i32
      %mul3A_29 = arith.constant 16 : i32
      %mul3A_30 = arith.muli %mul3A_29, %add3A_28 : i32
      %add3A_31 = arith.addi %arg1, %mul3A_30 : i32
      %lt3A = arith.constant 125 : i32
      %lt3A_32 = arith.cmpi slt, %add3A_31, %lt3A : i32
      %convert_element_type3A = arith.extui %lt3A_32 : i1 to i32
      %cond3A = arith.constant 0 : i32
      %cond3A_33 = arith.cmpi ne, %convert_element_type3A, %cond3A : i32
      scf.if %cond3A_33 {
        %mul3A_34 = arith.constant 80 : i32
        %mul3A_35 = arith.muli %add3A_31, %mul3A_34 : i32
        "tpu.region"() ({
          %run_scoped3A = tpu.sem_alloc : memref<!tpu.dma_semaphore, #tpu.memory_space<semaphore_mem>>
          %dma_start3A = arith.constant 0 : i32
          %dma_start3A_36 = tpu.memref_slice %arg5[%arg0, %mul3A_35, %dma_start3A] : memref<2x10000x128xf32, #tpu.memory_space<hbm>> -> memref<1x80x128xf32, #tpu.memory_space<hbm>>
          %dma_start3A_37 = tpu.memref_squeeze %dma_start3A_36 : memref<1x80x128xf32, #tpu.memory_space<hbm>> -> memref<80x128xf32, #tpu.memory_space<hbm>>
          %dma_start3A_38 = arith.constant 0 : i32
          %dma_start3A_39 = tpu.memref_slice %arg18[%mul3A_35, %dma_start3A_38] : memref<10000x128xf32, #tpu.memory_space<vmem_shared>> -> memref<80x128xf32, #tpu.memory_space<vmem_shared>>
          tpu.enqueue_dma source(%dma_start3A_39 : memref<80x128xf32, #tpu.memory_space<vmem_shared>>) target(%dma_start3A_37 : memref<80x128xf32, #tpu.memory_space<hbm>>) target_semaphore(%run_scoped3A : memref<!tpu.dma_semaphore, #tpu.memory_space<semaphore_mem>>)
          %dma_wait3A = arith.constant 0 : i32
          %dma_wait3A_40 = tpu.memref_slice %arg5[%arg0, %mul3A_35, %dma_wait3A] : memref<2x10000x128xf32, #tpu.memory_space<hbm>> -> memref<1x80x128xf32, #tpu.memory_space<hbm>>
          %dma_wait3A_41 = tpu.memref_squeeze %dma_wait3A_40 : memref<1x80x128xf32, #tpu.memory_space<hbm>> -> memref<80x128xf32, #tpu.memory_space<hbm>>
          %dma_wait3A_42 = arith.constant 0 : i32
          %dma_wait3A_43 = tpu.memref_slice %arg18[%mul3A_35, %dma_wait3A_42] : memref<10000x128xf32, #tpu.memory_space<vmem_shared>> -> memref<80x128xf32, #tpu.memory_space<vmem_shared>>
          tpu.wait_dma2 semaphore(%run_scoped3A : memref<!tpu.dma_semaphore, #tpu.memory_space<semaphore_mem>>) src(%dma_wait3A_43 : memref<80x128xf32, #tpu.memory_space<vmem_shared>>) dst(%dma_wait3A_41 : memref<80x128xf32, #tpu.memory_space<hbm>>)
          tpu.yield
        }) : () -> ()
      } else {
      }
    }
    %scan3A_23 = arith.constant 8 : i32
    return
  }
}

#map = affine_map<(d0, d1) -> (0)>
#map1 = affine_map<(d0, d1) -> (0, 0, 0)>
module attributes {stable_mosaic.version = 14 : i64} {
  func.func @_sc_degree(%arg0: i32, %arg1: i32, %arg2: memref<320000xi32, #tpu.memory_space<hbm>>, %arg3: memref<2x10000x16xf32, #tpu.memory_space<hbm>>, %arg4: memref<80xi32, #tpu.memory_space<vmem>>, %arg5: memref<80xi32, #tpu.memory_space<vmem>>, %arg6: memref<80xi32, #tpu.memory_space<vmem>>, %arg7: memref<80xi32, #tpu.memory_space<vmem>>, %arg8: memref<80x16xf32, #tpu.memory_space<vmem>>, %arg9: memref<80x16xf32, #tpu.memory_space<vmem>>, %arg10: memref<10000x16xf32, #tpu.memory_space<vmem_shared>>, %arg11: memref<!tpu.dma_semaphore, #tpu.memory_space<semaphore_mem>>, %arg12: memref<!tpu.dma_semaphore, #tpu.memory_space<semaphore_mem>>, %arg13: memref<!tpu.dma_semaphore, #tpu.memory_space<semaphore_mem>>, %arg14: memref<!tpu.dma_semaphore, #tpu.memory_space<semaphore_mem>>) attributes {dimension_semantics = [#tpu.dimension_semantics<core_parallel>, #tpu.dimension_semantics<subcore_parallel>], iteration_bounds = array<i64: 2, 16>, scalar_prefetch = 0 : i64, scratch_operands = 11 : i64, tpu.core_type = #tpu.core_type<sc_vector_subcore>, window_params = [{transform_indices = #map}, {transform_indices = #map1}]} {
    %mul3A = arith.constant 2 : i32
    %mul3A_0 = arith.muli %arg1, %mul3A : i32
    %add3A = arith.addi %mul3A_0, %arg0 : i32
    %broadcast_in_dim3A = arith.constant 0.000000e+00 : f32
    %broadcast_in_dim3A_1 = vector.broadcast %broadcast_in_dim3A : f32 to vector<16xf32>
    %broadcast_in_dim3A_2 = arith.constant 1.000000e+00 : f32
    %broadcast_in_dim3A_3 = vector.broadcast %broadcast_in_dim3A_2 : f32 to vector<16xf32>
    %scan3A = arith.constant 0 : i32
    %scan3A_4 = arith.constant 80 : i32
    %scan3A_5 = arith.addi %scan3A, %scan3A_4 : i32
    %scan3A_6 = arith.constant 1 : i32
    scf.for %scan3A_31 = %scan3A to %scan3A_5 step %scan3A_6  : i32 {
      %mul3A_32 = arith.constant 1 : i32
      %mul3A_33 = arith.muli %scan3A_31, %mul3A_32 : i32
      %add3A_34 = arith.constant 0 : i32
      %add3A_35 = arith.addi %add3A_34, %mul3A_33 : i32
      %swap3A = arith.index_cast %add3A_35 : i32 to index
      %swap3A_36 = arith.constant 0 : index
      %swap3A_37 = tpu.vector_load %arg8[%swap3A, %swap3A_36] {strides = array<i32>} : memref<80x16xf32, #tpu.memory_space<vmem>>, vector<1x16xf32>,
      %swap3A_38 = vector.shape_cast %swap3A_37 : vector<1x16xf32> to vector<16xf32>
      %swap3A_39 = vector.shape_cast %broadcast_in_dim3A_3 : vector<16xf32> to vector<1x16xf32>
      tpu.vector_store %arg8[%swap3A, %swap3A_36], %swap3A_39 {strides = array<i32>} : memref<80x16xf32, #tpu.memory_space<vmem>>, vector<1x16xf32>,
    }
    %scan3A_7 = arith.constant 80 : i32
    %scan3A_8 = arith.constant 0 : i32
    %scan3A_9 = arith.constant 80 : i32
    %scan3A_10 = arith.addi %scan3A_8, %scan3A_9 : i32
    %scan3A_11 = arith.constant 1 : i32
    scf.for %scan3A_31 = %scan3A_8 to %scan3A_10 step %scan3A_11  : i32 {
      %mul3A_32 = arith.constant 1 : i32
      %mul3A_33 = arith.muli %scan3A_31, %mul3A_32 : i32
      %add3A_34 = arith.constant 0 : i32
      %add3A_35 = arith.addi %add3A_34, %mul3A_33 : i32
      %swap3A = arith.index_cast %add3A_35 : i32 to index
      %swap3A_36 = arith.constant 0 : index
      %swap3A_37 = tpu.vector_load %arg9[%swap3A, %swap3A_36] {strides = array<i32>} : memref<80x16xf32, #tpu.memory_space<vmem>>, vector<1x16xf32>,
      %swap3A_38 = vector.shape_cast %swap3A_37 : vector<1x16xf32> to vector<16xf32>
      %swap3A_39 = vector.shape_cast %broadcast_in_dim3A_1 : vector<16xf32> to vector<1x16xf32>
      tpu.vector_store %arg9[%swap3A, %swap3A_36], %swap3A_39 {strides = array<i32>} : memref<80x16xf32, #tpu.memory_space<vmem>>, vector<1x16xf32>,
    }
    %scan3A_12 = arith.constant 80 : i32
    %scan3A_13 = arith.constant 0 : i32
    %scan3A_14 = arith.constant 8 : i32
    %scan3A_15 = arith.addi %scan3A_13, %scan3A_14 : i32
    %scan3A_16 = arith.constant 1 : i32
    scf.for %scan3A_31 = %scan3A_13 to %scan3A_15 step %scan3A_16  : i32 {
      %mul3A_32 = arith.constant 1 : i32
      %mul3A_33 = arith.muli %scan3A_31, %mul3A_32 : i32
      %add3A_34 = arith.constant 0 : i32
      %add3A_35 = arith.addi %add3A_34, %mul3A_33 : i32
      %mul3A_36 = arith.constant 16 : i32
      %mul3A_37 = arith.muli %mul3A_36, %add3A_35 : i32
      %add3A_38 = arith.addi %arg1, %mul3A_37 : i32
      %lt3A = arith.constant 125 : i32
      %lt3A_39 = arith.cmpi slt, %add3A_38, %lt3A : i32
      %convert_element_type3A = arith.extui %lt3A_39 : i1 to i32
      %cond3A = arith.constant 0 : i32
      %cond3A_40 = arith.cmpi ne, %convert_element_type3A, %cond3A : i32
      scf.if %cond3A_40 {
        %mul3A_41 = arith.constant 80 : i32
        %mul3A_42 = arith.muli %add3A_38, %mul3A_41 : i32
        "tpu.region"() ({
          %run_scoped3A = tpu.sem_alloc : memref<!tpu.dma_semaphore, #tpu.memory_space<semaphore_mem>>
          %dma_start3A = arith.constant 0 : i32
          %dma_start3A_43 = tpu.memref_slice %arg10[%mul3A_42, %dma_start3A] : memref<10000x16xf32, #tpu.memory_space<vmem_shared>> -> memref<80x16xf32, #tpu.memory_space<vmem_shared>>
          %dma_start3A_44 = arith.constant 0 : i32
          %dma_start3A_45 = tpu.memref_slice %arg10[%mul3A_42, %dma_start3A_44] : memref<10000x16xf32, #tpu.memory_space<vmem_shared>> -> memref<80x16xf32, #tpu.memory_space<vmem_shared>>
          tpu.enqueue_dma source(%arg9 : memref<80x16xf32, #tpu.memory_space<vmem>>) target(%dma_start3A_45 : memref<80x16xf32, #tpu.memory_space<vmem_shared>>) target_semaphore(%run_scoped3A : memref<!tpu.dma_semaphore, #tpu.memory_space<semaphore_mem>>)
          %dma_wait3A = arith.constant 0 : i32
          %dma_wait3A_46 = tpu.memref_slice %arg10[%mul3A_42, %dma_wait3A] : memref<10000x16xf32, #tpu.memory_space<vmem_shared>> -> memref<80x16xf32, #tpu.memory_space<vmem_shared>>
          %dma_wait3A_47 = arith.constant 0 : i32
          %dma_wait3A_48 = tpu.memref_slice %arg10[%mul3A_42, %dma_wait3A_47] : memref<10000x16xf32, #tpu.memory_space<vmem_shared>> -> memref<80x16xf32, #tpu.memory_space<vmem_shared>>
          tpu.wait_dma2 semaphore(%run_scoped3A : memref<!tpu.dma_semaphore, #tpu.memory_space<semaphore_mem>>) src(%arg9 : memref<80x16xf32, #tpu.memory_space<vmem>>) dst(%dma_wait3A_48 : memref<80x16xf32, #tpu.memory_space<vmem_shared>>)
          tpu.yield
        }) : () -> ()
      } else {
      }
    }
    %scan3A_17 = arith.constant 8 : i32
    %barrier3A = arith.constant 0 : index
    tpu.barrier barrier_id(%barrier3A)
    %mul3A_18 = arith.constant 10000 : i32
    %mul3A_19 = arith.muli %add3A, %mul3A_18 : i32
    %scan3A_20 = arith.constant 0 : i32
    %scan3A_21 = arith.constant 33 : i32
    %scan3A_22 = arith.addi %scan3A_20, %scan3A_21 : i32
    %scan3A_23 = arith.constant 1 : i32
    scf.for %scan3A_31 = %scan3A_20 to %scan3A_22 step %scan3A_23  : i32 {
      %mul3A_32 = arith.constant 1 : i32
      %mul3A_33 = arith.muli %scan3A_31, %mul3A_32 : i32
      %add3A_34 = arith.constant 0 : i32
      %add3A_35 = arith.addi %add3A_34, %mul3A_33 : i32
      %mul3A_36 = arith.constant 4 : i32
      %mul3A_37 = arith.muli %add3A_35, %mul3A_36 : i32
      %add3A_38 = arith.constant 0 : i32
      %add3A_39 = arith.addi %mul3A_37, %add3A_38 : i32
      %lt3A = arith.constant 125 : i32
      %lt3A_40 = arith.cmpi slt, %add3A_39, %lt3A : i32
      %convert_element_type3A = arith.extui %lt3A_40 : i1 to i32
      %cond3A = arith.constant 0 : i32
      %cond3A_41 = arith.cmpi ne, %convert_element_type3A, %cond3A : i32
      scf.if %cond3A_41 {
        %mul3A_106 = arith.constant 80 : i32
        %mul3A_107 = arith.muli %add3A_39, %mul3A_106 : i32
        %add3A_108 = arith.addi %mul3A_19, %mul3A_107 : i32
        %dma_start3A = tpu.memref_slice %arg2[%add3A_108] : memref<320000xi32, #tpu.memory_space<hbm>> -> memref<80xi32, #tpu.memory_space<hbm>>
        %dma_start3A_109 = tpu.memref_slice %arg2[%add3A_108] : memref<320000xi32, #tpu.memory_space<hbm>> -> memref<80xi32, #tpu.memory_space<hbm>>
        tpu.enqueue_dma source(%dma_start3A_109 : memref<80xi32, #tpu.memory_space<hbm>>) target(%arg4 : memref<80xi32, #tpu.memory_space<vmem>>) target_semaphore(%arg11 : memref<!tpu.dma_semaphore, #tpu.memory_space<semaphore_mem>>)
      } else {
      }
      %sub3A = arith.constant 1 : i32
      %sub3A_42 = arith.subi %add3A_39, %sub3A : i32
      %ge3A = arith.constant 0 : i32
      %ge3A_43 = arith.cmpi sge, %sub3A_42, %ge3A : i32
      %lt3A_44 = arith.constant 125 : i32
      %lt3A_45 = arith.cmpi slt, %sub3A_42, %lt3A_44 : i32
      %and3A = arith.andi %ge3A_43, %lt3A_45 : i1
      %convert_element_type3A_46 = arith.extui %and3A : i1 to i32
      %cond3A_47 = arith.constant 0 : i32
      %cond3A_48 = arith.cmpi ne, %convert_element_type3A_46, %cond3A_47 : i32
      scf.if %cond3A_48 {
        %mul3A_106 = arith.constant 80 : i32
        %mul3A_107 = arith.muli %sub3A_42, %mul3A_106 : i32
        %add3A_108 = arith.addi %mul3A_19, %mul3A_107 : i32
        %dma_wait3A = tpu.memref_slice %arg2[%add3A_108] : memref<320000xi32, #tpu.memory_space<hbm>> -> memref<80xi32, #tpu.memory_space<hbm>>
        %dma_wait3A_109 = tpu.memref_slice %arg2[%add3A_108] : memref<320000xi32, #tpu.memory_space<hbm>> -> memref<80xi32, #tpu.memory_space<hbm>>
        tpu.wait_dma2 semaphore(%arg14 : memref<!tpu.dma_semaphore, #tpu.memory_space<semaphore_mem>>) src(%dma_wait3A_109 : memref<80xi32, #tpu.memory_space<hbm>>) dst(%arg7 : memref<80xi32, #tpu.memory_space<vmem>>)
        "tpu.region"() ({
          %run_scoped3A = tpu.sem_alloc : memref<!tpu.dma_semaphore, #tpu.memory_space<semaphore_mem>>
          %dma_start3A = arith.constant 0 : i32
          %dma_start3A_110 = arith.constant 0 : i32
          %dma_start3A_111 = tpu.memref_slice %arg10[%dma_start3A, %dma_start3A_110] : memref<10000x16xf32, #tpu.memory_space<vmem_shared>> -> memref<10000x16xf32, #tpu.memory_space<vmem_shared>>
          tpu.enqueue_indirect_dma source(%arg8 : memref<80x16xf32, #tpu.memory_space<vmem>>) target(%dma_start3A_111 : memref<10000x16xf32, #tpu.memory_space<vmem_shared>>) offsets(%arg7 : memref<80xi32, #tpu.memory_space<vmem>>) semaphore(%run_scoped3A : memref<!tpu.dma_semaphore, #tpu.memory_space<semaphore_mem>>) {add = true}
          %dma_wait3A_112 = arith.constant 0 : i32
          %dma_wait3A_113 = arith.constant 0 : i32
          %dma_wait3A_114 = tpu.memref_slice %arg10[%dma_wait3A_112, %dma_wait3A_113] : memref<10000x16xf32, #tpu.memory_space<vmem_shared>> -> memref<10000x16xf32, #tpu.memory_space<vmem_shared>>
          tpu.wait_indirect_dma semaphore(%run_scoped3A : memref<!tpu.dma_semaphore, #tpu.memory_space<semaphore_mem>>) src(%arg8 : memref<80x16xf32, #tpu.memory_space<vmem>>) dst(%dma_wait3A_114 : memref<10000x16xf32, #tpu.memory_space<vmem_shared>>)
          tpu.yield
        }) : () -> ()
      } else {
      }
      %mul3A_49 = arith.constant 4 : i32
      %mul3A_50 = arith.muli %add3A_35, %mul3A_49 : i32
      %add3A_51 = arith.constant 1 : i32
      %add3A_52 = arith.addi %mul3A_50, %add3A_51 : i32
      %lt3A_53 = arith.constant 125 : i32
      %lt3A_54 = arith.cmpi slt, %add3A_52, %lt3A_53 : i32
      %convert_element_type3A_55 = arith.extui %lt3A_54 : i1 to i32
      %cond3A_56 = arith.constant 0 : i32
      %cond3A_57 = arith.cmpi ne, %convert_element_type3A_55, %cond3A_56 : i32
      scf.if %cond3A_57 {
        %mul3A_106 = arith.constant 80 : i32
        %mul3A_107 = arith.muli %add3A_52, %mul3A_106 : i32
        %add3A_108 = arith.addi %mul3A_19, %mul3A_107 : i32
        %dma_start3A = tpu.memref_slice %arg2[%add3A_108] : memref<320000xi32, #tpu.memory_space<hbm>> -> memref<80xi32, #tpu.memory_space<hbm>>
        %dma_start3A_109 = tpu.memref_slice %arg2[%add3A_108] : memref<320000xi32, #tpu.memory_space<hbm>> -> memref<80xi32, #tpu.memory_space<hbm>>
        tpu.enqueue_dma source(%dma_start3A_109 : memref<80xi32, #tpu.memory_space<hbm>>) target(%arg5 : memref<80xi32, #tpu.memory_space<vmem>>) target_semaphore(%arg12 : memref<!tpu.dma_semaphore, #tpu.memory_space<semaphore_mem>>)
      } else {
      }
      %sub3A_58 = arith.constant 1 : i32
      %sub3A_59 = arith.subi %add3A_52, %sub3A_58 : i32
      %ge3A_60 = arith.constant 0 : i32
      %ge3A_61 = arith.cmpi sge, %sub3A_59, %ge3A_60 : i32
      %lt3A_62 = arith.constant 125 : i32
      %lt3A_63 = arith.cmpi slt, %sub3A_59, %lt3A_62 : i32
      %and3A_64 = arith.andi %ge3A_61, %lt3A_63 : i1
      %convert_element_type3A_65 = arith.extui %and3A_64 : i1 to i32
      %cond3A_66 = arith.constant 0 : i32
      %cond3A_67 = arith.cmpi ne, %convert_element_type3A_65, %cond3A_66 : i32
      scf.if %cond3A_67 {
        %mul3A_106 = arith.constant 80 : i32
        %mul3A_107 = arith.muli %sub3A_59, %mul3A_106 : i32
        %add3A_108 = arith.addi %mul3A_19, %mul3A_107 : i32
        %dma_wait3A = tpu.memref_slice %arg2[%add3A_108] : memref<320000xi32, #tpu.memory_space<hbm>> -> memref<80xi32, #tpu.memory_space<hbm>>
        %dma_wait3A_109 = tpu.memref_slice %arg2[%add3A_108] : memref<320000xi32, #tpu.memory_space<hbm>> -> memref<80xi32, #tpu.memory_space<hbm>>
        tpu.wait_dma2 semaphore(%arg11 : memref<!tpu.dma_semaphore, #tpu.memory_space<semaphore_mem>>) src(%dma_wait3A_109 : memref<80xi32, #tpu.memory_space<hbm>>) dst(%arg4 : memref<80xi32, #tpu.memory_space<vmem>>)
        "tpu.region"() ({
          %run_scoped3A = tpu.sem_alloc : memref<!tpu.dma_semaphore, #tpu.memory_space<semaphore_mem>>
          %dma_start3A = arith.constant 0 : i32
          %dma_start3A_110 = arith.constant 0 : i32
          %dma_start3A_111 = tpu.memref_slice %arg10[%dma_start3A, %dma_start3A_110] : memref<10000x16xf32, #tpu.memory_space<vmem_shared>> -> memref<10000x16xf32, #tpu.memory_space<vmem_shared>>
          tpu.enqueue_indirect_dma source(%arg8 : memref<80x16xf32, #tpu.memory_space<vmem>>) target(%dma_start3A_111 : memref<10000x16xf32, #tpu.memory_space<vmem_shared>>) offsets(%arg4 : memref<80xi32, #tpu.memory_space<vmem>>) semaphore(%run_scoped3A : memref<!tpu.dma_semaphore, #tpu.memory_space<semaphore_mem>>) {add = true}
          %dma_wait3A_112 = arith.constant 0 : i32
          %dma_wait3A_113 = arith.constant 0 : i32
          %dma_wait3A_114 = tpu.memref_slice %arg10[%dma_wait3A_112, %dma_wait3A_113] : memref<10000x16xf32, #tpu.memory_space<vmem_shared>> -> memref<10000x16xf32, #tpu.memory_space<vmem_shared>>
          tpu.wait_indirect_dma semaphore(%run_scoped3A : memref<!tpu.dma_semaphore, #tpu.memory_space<semaphore_mem>>) src(%arg8 : memref<80x16xf32, #tpu.memory_space<vmem>>) dst(%dma_wait3A_114 : memref<10000x16xf32, #tpu.memory_space<vmem_shared>>)
          tpu.yield
        }) : () -> ()
      } else {
      }
      %mul3A_68 = arith.constant 4 : i32
      %mul3A_69 = arith.muli %add3A_35, %mul3A_68 : i32
      %add3A_70 = arith.constant 2 : i32
      %add3A_71 = arith.addi %mul3A_69, %add3A_70 : i32
      %lt3A_72 = arith.constant 125 : i32
      %lt3A_73 = arith.cmpi slt, %add3A_71, %lt3A_72 : i32
      %convert_element_type3A_74 = arith.extui %lt3A_73 : i1 to i32
      %cond3A_75 = arith.constant 0 : i32
      %cond3A_76 = arith.cmpi ne, %convert_element_type3A_74, %cond3A_75 : i32
      scf.if %cond3A_76 {
        %mul3A_106 = arith.constant 80 : i32
        %mul3A_107 = arith.muli %add3A_71, %mul3A_106 : i32
        %add3A_108 = arith.addi %mul3A_19, %mul3A_107 : i32
        %dma_start3A = tpu.memref_slice %arg2[%add3A_108] : memref<320000xi32, #tpu.memory_space<hbm>> -> memref<80xi32, #tpu.memory_space<hbm>>
        %dma_start3A_109 = tpu.memref_slice %arg2[%add3A_108] : memref<320000xi32, #tpu.memory_space<hbm>> -> memref<80xi32, #tpu.memory_space<hbm>>
        tpu.enqueue_dma source(%dma_start3A_109 : memref<80xi32, #tpu.memory_space<hbm>>) target(%arg6 : memref<80xi32, #tpu.memory_space<vmem>>) target_semaphore(%arg13 : memref<!tpu.dma_semaphore, #tpu.memory_space<semaphore_mem>>)
      } else {
      }
      %sub3A_77 = arith.constant 1 : i32
      %sub3A_78 = arith.subi %add3A_71, %sub3A_77 : i32
      %ge3A_79 = arith.constant 0 : i32
      %ge3A_80 = arith.cmpi sge, %sub3A_78, %ge3A_79 : i32
      %lt3A_81 = arith.constant 125 : i32
      %lt3A_82 = arith.cmpi slt, %sub3A_78, %lt3A_81 : i32
      %and3A_83 = arith.andi %ge3A_80, %lt3A_82 : i1
      %convert_element_type3A_84 = arith.extui %and3A_83 : i1 to i32
      %cond3A_85 = arith.constant 0 : i32
      %cond3A_86 = arith.cmpi ne, %convert_element_type3A_84, %cond3A_85 : i32
      scf.if %cond3A_86 {
        %mul3A_106 = arith.constant 80 : i32
        %mul3A_107 = arith.muli %sub3A_78, %mul3A_106 : i32
        %add3A_108 = arith.addi %mul3A_19, %mul3A_107 : i32
        %dma_wait3A = tpu.memref_slice %arg2[%add3A_108] : memref<320000xi32, #tpu.memory_space<hbm>> -> memref<80xi32, #tpu.memory_space<hbm>>
        %dma_wait3A_109 = tpu.memref_slice %arg2[%add3A_108] : memref<320000xi32, #tpu.memory_space<hbm>> -> memref<80xi32, #tpu.memory_space<hbm>>
        tpu.wait_dma2 semaphore(%arg12 : memref<!tpu.dma_semaphore, #tpu.memory_space<semaphore_mem>>) src(%dma_wait3A_109 : memref<80xi32, #tpu.memory_space<hbm>>) dst(%arg5 : memref<80xi32, #tpu.memory_space<vmem>>)
        "tpu.region"() ({
          %run_scoped3A = tpu.sem_alloc : memref<!tpu.dma_semaphore, #tpu.memory_space<semaphore_mem>>
          %dma_start3A = arith.constant 0 : i32
          %dma_start3A_110 = arith.constant 0 : i32
          %dma_start3A_111 = tpu.memref_slice %arg10[%dma_start3A, %dma_start3A_110] : memref<10000x16xf32, #tpu.memory_space<vmem_shared>> -> memref<10000x16xf32, #tpu.memory_space<vmem_shared>>
          tpu.enqueue_indirect_dma source(%arg8 : memref<80x16xf32, #tpu.memory_space<vmem>>) target(%dma_start3A_111 : memref<10000x16xf32, #tpu.memory_space<vmem_shared>>) offsets(%arg5 : memref<80xi32, #tpu.memory_space<vmem>>) semaphore(%run_scoped3A : memref<!tpu.dma_semaphore, #tpu.memory_space<semaphore_mem>>) {add = true}
          %dma_wait3A_112 = arith.constant 0 : i32
          %dma_wait3A_113 = arith.constant 0 : i32
          %dma_wait3A_114 = tpu.memref_slice %arg10[%dma_wait3A_112, %dma_wait3A_113] : memref<10000x16xf32, #tpu.memory_space<vmem_shared>> -> memref<10000x16xf32, #tpu.memory_space<vmem_shared>>
          tpu.wait_indirect_dma semaphore(%run_scoped3A : memref<!tpu.dma_semaphore, #tpu.memory_space<semaphore_mem>>) src(%arg8 : memref<80x16xf32, #tpu.memory_space<vmem>>) dst(%dma_wait3A_114 : memref<10000x16xf32, #tpu.memory_space<vmem_shared>>)
          tpu.yield
        }) : () -> ()
      } else {
      }
      %mul3A_87 = arith.constant 4 : i32
      %mul3A_88 = arith.muli %add3A_35, %mul3A_87 : i32
      %add3A_89 = arith.constant 3 : i32
      %add3A_90 = arith.addi %mul3A_88, %add3A_89 : i32
      %lt3A_91 = arith.constant 125 : i32
      %lt3A_92 = arith.cmpi slt, %add3A_90, %lt3A_91 : i32
      %convert_element_type3A_93 = arith.extui %lt3A_92 : i1 to i32
      %cond3A_94 = arith.constant 0 : i32
      %cond3A_95 = arith.cmpi ne, %convert_element_type3A_93, %cond3A_94 : i32
      scf.if %cond3A_95 {
        %mul3A_106 = arith.constant 80 : i32
        %mul3A_107 = arith.muli %add3A_90, %mul3A_106 : i32
        %add3A_108 = arith.addi %mul3A_19, %mul3A_107 : i32
        %dma_start3A = tpu.memref_slice %arg2[%add3A_108] : memref<320000xi32, #tpu.memory_space<hbm>> -> memref<80xi32, #tpu.memory_space<hbm>>
        %dma_start3A_109 = tpu.memref_slice %arg2[%add3A_108] : memref<320000xi32, #tpu.memory_space<hbm>> -> memref<80xi32, #tpu.memory_space<hbm>>
        tpu.enqueue_dma source(%dma_start3A_109 : memref<80xi32, #tpu.memory_space<hbm>>) target(%arg7 : memref<80xi32, #tpu.memory_space<vmem>>) target_semaphore(%arg14 : memref<!tpu.dma_semaphore, #tpu.memory_space<semaphore_mem>>)
      } else {
      }
      %sub3A_96 = arith.constant 1 : i32
      %sub3A_97 = arith.subi %add3A_90, %sub3A_96 : i32
      %ge3A_98 = arith.constant 0 : i32
      %ge3A_99 = arith.cmpi sge, %sub3A_97, %ge3A_98 : i32
      %lt3A_100 = arith.constant 125 : i32
      %lt3A_101 = arith.cmpi slt, %sub3A_97, %lt3A_100 : i32
      %and3A_102 = arith.andi %ge3A_99, %lt3A_101 : i1
      %convert_element_type3A_103 = arith.extui %and3A_102 : i1 to i32
      %cond3A_104 = arith.constant 0 : i32
      %cond3A_105 = arith.cmpi ne, %convert_element_type3A_103, %cond3A_104 : i32
      scf.if %cond3A_105 {
        %mul3A_106 = arith.constant 80 : i32
        %mul3A_107 = arith.muli %sub3A_97, %mul3A_106 : i32
        %add3A_108 = arith.addi %mul3A_19, %mul3A_107 : i32
        %dma_wait3A = tpu.memref_slice %arg2[%add3A_108] : memref<320000xi32, #tpu.memory_space<hbm>> -> memref<80xi32, #tpu.memory_space<hbm>>
        %dma_wait3A_109 = tpu.memref_slice %arg2[%add3A_108] : memref<320000xi32, #tpu.memory_space<hbm>> -> memref<80xi32, #tpu.memory_space<hbm>>
        tpu.wait_dma2 semaphore(%arg13 : memref<!tpu.dma_semaphore, #tpu.memory_space<semaphore_mem>>) src(%dma_wait3A_109 : memref<80xi32, #tpu.memory_space<hbm>>) dst(%arg6 : memref<80xi32, #tpu.memory_space<vmem>>)
        "tpu.region"() ({
          %run_scoped3A = tpu.sem_alloc : memref<!tpu.dma_semaphore, #tpu.memory_space<semaphore_mem>>
          %dma_start3A = arith.constant 0 : i32
          %dma_start3A_110 = arith.constant 0 : i32
          %dma_start3A_111 = tpu.memref_slice %arg10[%dma_start3A, %dma_start3A_110] : memref<10000x16xf32, #tpu.memory_space<vmem_shared>> -> memref<10000x16xf32, #tpu.memory_space<vmem_shared>>
          tpu.enqueue_indirect_dma source(%arg8 : memref<80x16xf32, #tpu.memory_space<vmem>>) target(%dma_start3A_111 : memref<10000x16xf32, #tpu.memory_space<vmem_shared>>) offsets(%arg6 : memref<80xi32, #tpu.memory_space<vmem>>) semaphore(%run_scoped3A : memref<!tpu.dma_semaphore, #tpu.memory_space<semaphore_mem>>) {add = true}
          %dma_wait3A_112 = arith.constant 0 : i32
          %dma_wait3A_113 = arith.constant 0 : i32
          %dma_wait3A_114 = tpu.memref_slice %arg10[%dma_wait3A_112, %dma_wait3A_113] : memref<10000x16xf32, #tpu.memory_space<vmem_shared>> -> memref<10000x16xf32, #tpu.memory_space<vmem_shared>>
          tpu.wait_indirect_dma semaphore(%run_scoped3A : memref<!tpu.dma_semaphore, #tpu.memory_space<semaphore_mem>>) src(%arg8 : memref<80x16xf32, #tpu.memory_space<vmem>>) dst(%dma_wait3A_114 : memref<10000x16xf32, #tpu.memory_space<vmem_shared>>)
          tpu.yield
        }) : () -> ()
      } else {
      }
    }
    %scan3A_24 = arith.constant 33 : i32
    %barrier3A_25 = arith.constant 0 : index
    tpu.barrier barrier_id(%barrier3A_25)
    %scan3A_26 = arith.constant 0 : i32
    %scan3A_27 = arith.constant 8 : i32
    %scan3A_28 = arith.addi %scan3A_26, %scan3A_27 : i32
    %scan3A_29 = arith.constant 1 : i32
    scf.for %scan3A_31 = %scan3A_26 to %scan3A_28 step %scan3A_29  : i32 {
      %mul3A_32 = arith.constant 1 : i32
      %mul3A_33 = arith.muli %scan3A_31, %mul3A_32 : i32
      %add3A_34 = arith.constant 0 : i32
      %add3A_35 = arith.addi %add3A_34, %mul3A_33 : i32
      %mul3A_36 = arith.constant 16 : i32
      %mul3A_37 = arith.muli %mul3A_36, %add3A_35 : i32
      %add3A_38 = arith.addi %arg1, %mul3A_37 : i32
      %lt3A = arith.constant 125 : i32
      %lt3A_39 = arith.cmpi slt, %add3A_38, %lt3A : i32
      %convert_element_type3A = arith.extui %lt3A_39 : i1 to i32
      %cond3A = arith.constant 0 : i32
      %cond3A_40 = arith.cmpi ne, %convert_element_type3A, %cond3A : i32
      scf.if %cond3A_40 {
        %mul3A_41 = arith.constant 80 : i32
        %mul3A_42 = arith.muli %add3A_38, %mul3A_41 : i32
        "tpu.region"() ({
          %run_scoped3A = tpu.sem_alloc : memref<!tpu.dma_semaphore, #tpu.memory_space<semaphore_mem>>
          %dma_start3A = arith.constant 0 : i32
          %dma_start3A_43 = tpu.memref_slice %arg3[%arg0, %mul3A_42, %dma_start3A] : memref<2x10000x16xf32, #tpu.memory_space<hbm>> -> memref<1x80x16xf32, #tpu.memory_space<hbm>>
          %dma_start3A_44 = tpu.memref_squeeze %dma_start3A_43 : memref<1x80x16xf32, #tpu.memory_space<hbm>> -> memref<80x16xf32, #tpu.memory_space<hbm>>
          %dma_start3A_45 = arith.constant 0 : i32
          %dma_start3A_46 = tpu.memref_slice %arg10[%mul3A_42, %dma_start3A_45] : memref<10000x16xf32, #tpu.memory_space<vmem_shared>> -> memref<80x16xf32, #tpu.memory_space<vmem_shared>>
          tpu.enqueue_dma source(%dma_start3A_46 : memref<80x16xf32, #tpu.memory_space<vmem_shared>>) target(%dma_start3A_44 : memref<80x16xf32, #tpu.memory_space<hbm>>) target_semaphore(%run_scoped3A : memref<!tpu.dma_semaphore, #tpu.memory_space<semaphore_mem>>)
          %dma_wait3A = arith.constant 0 : i32
          %dma_wait3A_47 = tpu.memref_slice %arg3[%arg0, %mul3A_42, %dma_wait3A] : memref<2x10000x16xf32, #tpu.memory_space<hbm>> -> memref<1x80x16xf32, #tpu.memory_space<hbm>>
          %dma_wait3A_48 = tpu.memref_squeeze %dma_wait3A_47 : memref<1x80x16xf32, #tpu.memory_space<hbm>> -> memref<80x16xf32, #tpu.memory_space<hbm>>
          %dma_wait3A_49 = arith.constant 0 : i32
          %dma_wait3A_50 = tpu.memref_slice %arg10[%mul3A_42, %dma_wait3A_49] : memref<10000x16xf32, #tpu.memory_space<vmem_shared>> -> memref<80x16xf32, #tpu.memory_space<vmem_shared>>
          tpu.wait_dma2 semaphore(%run_scoped3A : memref<!tpu.dma_semaphore, #tpu.memory_space<semaphore_mem>>) src(%dma_wait3A_50 : memref<80x16xf32, #tpu.memory_space<vmem_shared>>) dst(%dma_wait3A_48 : memref<80x16xf32, #tpu.memory_space<hbm>>)
          tpu.yield
        }) : () -> ()
      } else {
      }
    }
    %scan3A_30 = arith.constant 8 : i32
    return
  }
}

module attributes {stable_mosaic.version = 14 : i64} {
  func.func @_tc_layer_body(%arg0: i32, %arg1: memref<2x1000x128xf32, #tpu.memory_space<vmem>>, %arg2: memref<1000x128xf32, #tpu.memory_space<vmem>>, %arg3: memref<1000x1xf32, #tpu.memory_space<vmem>>, %arg4: memref<1x128xf32, #tpu.memory_space<vmem>>, %arg5: memref<128x128xf32, #tpu.memory_space<vmem>>, %arg6: memref<1000x128xf32, #tpu.memory_space<vmem>>) attributes {dimension_semantics = [#tpu.dimension_semantics<arbitrary>], iteration_bounds = array<i64: 10>, scalar_prefetch = 0 : i64, scratch_operands = 0 : i64, tpu.core_type = #tpu.core_type<tc>, window_params = [{transform_indices = @transform_0, window_bounds = array<i64: 2, 1000, 128>}, {transform_indices = @transform_1, window_bounds = array<i64: 1000, 128>}, {transform_indices = @transform_2, window_bounds = array<i64: 1000, 1>}, {pipeline_mode = #tpu.pipeline_mode<synchronous>, transform_indices = @transform_3, window_bounds = array<i64: 1, 128>}, {pipeline_mode = #tpu.pipeline_mode<synchronous>, transform_indices = @transform_4, window_bounds = array<i64: 128, 128>}, {transform_indices = @transform_5, window_bounds = array<i64: 1000, 128>}]} {
    %get3A = arith.constant 0 : index
    %get3A_0 = arith.constant 0 : index
    %get3A_1 = arith.constant 0 : index
    %get3A_2 = vector.load %arg1[%get3A, %get3A_0, %get3A_1] : memref<2x1000x128xf32, #tpu.memory_space<vmem>>, vector<1x1000x128xf32>
    %get3A_3 = vector.shape_cast %get3A_2 : vector<1x1000x128xf32> to vector<1000x128xf32>
    %get3A_4 = arith.constant 1 : index
    %get3A_5 = arith.constant 0 : index
    %get3A_6 = arith.constant 0 : index
    %get3A_7 = vector.load %arg1[%get3A_4, %get3A_5, %get3A_6] : memref<2x1000x128xf32, #tpu.memory_space<vmem>>, vector<1x1000x128xf32>
    %get3A_8 = vector.shape_cast %get3A_7 : vector<1x1000x128xf32> to vector<1000x128xf32>
    %add3A = arith.addf %get3A_3, %get3A_8 : vector<1000x128xf32>
    %get3A_9 = arith.constant 0 : index
    %get3A_10 = arith.constant 0 : index
    %get3A_11 = vector.load %arg3[%get3A_9, %get3A_10] : memref<1000x1xf32, #tpu.memory_space<vmem>>, vector<1000x1xf32>
    %get3A_12 = arith.constant 0 : index
    %get3A_13 = arith.constant 0 : index
    %get3A_14 = vector.load %arg2[%get3A_12, %get3A_13] : memref<1000x128xf32, #tpu.memory_space<vmem>>, vector<1000x128xf32>
    %add3A_15 = arith.addf %add3A, %get3A_14 : vector<1000x128xf32>
    %mul3A = vector.broadcast %get3A_11 : vector<1000x1xf32> to vector<1000x128xf32>
    %mul3A_16 = arith.mulf %mul3A, %add3A_15 : vector<1000x128xf32>
    %get3A_17 = arith.constant 0 : index
    %get3A_18 = arith.constant 0 : index
    %get3A_19 = vector.load %arg4[%get3A_17, %get3A_18] : memref<1x128xf32, #tpu.memory_space<vmem>>, vector<1x128xf32>
    %add3A_20 = vector.broadcast %get3A_19 : vector<1x128xf32> to vector<1000x128xf32>
    %add3A_21 = arith.addf %mul3A_16, %add3A_20 : vector<1000x128xf32>
    %max3A = arith.constant 0.000000e+00 : f32
    %max3A_22 = vector.broadcast %max3A : f32 to vector<1000x128xf32>
    %max3A_23 = arith.maximumf %add3A_21, %max3A_22 : vector<1000x128xf32>
    %get3A_24 = arith.constant 0 : index
    %get3A_25 = arith.constant 0 : index
    %get3A_26 = vector.load %arg3[%get3A_24, %get3A_25] : memref<1000x1xf32, #tpu.memory_space<vmem>>, vector<1000x1xf32>
    %get3A_27 = arith.constant 0 : index
    %get3A_28 = arith.constant 0 : index
    %get3A_29 = vector.load %arg5[%get3A_27, %get3A_28] : memref<128x128xf32, #tpu.memory_space<vmem>>, vector<128x128xf32>
    %dot_general3A = arith.constant dense<0.000000e+00> : vector<1000x128xf32>
    %dot_general3A_30 = tpu.matmul %max3A_23, %get3A_29, %dot_general3A {dimension_numbers = #tpu.dot_dimension_numbers<[1], [0], [0], [1], [0, 0, 1, 1], [], []>, transpose_lhs_hint = false} : vector<1000x128xf32>, vector<128x128xf32>, vector<1000x128xf32> -> vector<1000x128xf32>
    %mul3A_31 = vector.broadcast %get3A_26 : vector<1000x1xf32> to vector<1000x128xf32>
    %mul3A_32 = arith.mulf %mul3A_31, %dot_general3A_30 : vector<1000x128xf32>
    %swap3A = arith.constant 0 : index
    %swap3A_33 = arith.constant 0 : index
    %swap3A_34 = vector.load %arg6[%swap3A, %swap3A_33] : memref<1000x128xf32, #tpu.memory_space<vmem>>, vector<1000x128xf32>
    tpu.vector_store %arg6[%swap3A, %swap3A_33], %mul3A_32 {strides = array<i32>} : memref<1000x128xf32, #tpu.memory_space<vmem>>, vector<1000x128xf32>,
    return
  }
  func.func @transform_0(%arg0: i32) -> (i32, i32, i32) {
    %c0_i32 = arith.constant 0 : i32
    %c0_i32_0 = arith.constant 0 : i32
    %c0_i32_1 = arith.constant 0 : i32
    return %c0_i32, %arg0, %c0_i32_0 : i32, i32, i32
  }
  func.func @transform_1(%arg0: i32) -> (i32, i32) {
    %c0_i32 = arith.constant 0 : i32
    %c0_i32_0 = arith.constant 0 : i32
    return %arg0, %c0_i32 : i32, i32
  }
  func.func @transform_2(%arg0: i32) -> (i32, i32) {
    %c0_i32 = arith.constant 0 : i32
    %c0_i32_0 = arith.constant 0 : i32
    return %arg0, %c0_i32 : i32, i32
  }
  func.func @transform_3(%arg0: i32) -> (i32, i32) {
    %c0_i32 = arith.constant 0 : i32
    %c0_i32_0 = arith.constant 0 : i32
    %c0_i32_1 = arith.constant 0 : i32
    return %c0_i32, %c0_i32_0 : i32, i32
  }
  func.func @transform_4(%arg0: i32) -> (i32, i32) {
    %c0_i32 = arith.constant 0 : i32
    %c0_i32_0 = arith.constant 0 : i32
    %c0_i32_1 = arith.constant 0 : i32
    return %c0_i32, %c0_i32_0 : i32, i32
  }
  func.func @transform_5(%arg0: i32) -> (i32, i32) {
    %c0_i32 = arith.constant 0 : i32
    %c0_i32_0 = arith.constant 0 : i32
    return %arg0, %c0_i32 : i32, i32
  }
}

module attributes {stable_mosaic.version = 14 : i64} {
  func.func @_tc1_body(%arg0: i32, %arg1: memref<2x1000x16xf32, #tpu.memory_space<vmem>>, %arg2: memref<1000x128xf32, #tpu.memory_space<vmem>>, %arg3: memref<128x128xf32, #tpu.memory_space<vmem>>, %arg4: memref<1000x128xf32, #tpu.memory_space<vmem>>, %arg5: memref<1000x1xf32, #tpu.memory_space<vmem>>) attributes {dimension_semantics = [#tpu.dimension_semantics<arbitrary>], iteration_bounds = array<i64: 10>, scalar_prefetch = 0 : i64, scratch_operands = 0 : i64, tpu.core_type = #tpu.core_type<tc>, window_params = [{transform_indices = @transform_0, window_bounds = array<i64: 2, 1000, 16>}, {transform_indices = @transform_1, window_bounds = array<i64: 1000, 128>}, {pipeline_mode = #tpu.pipeline_mode<synchronous>, transform_indices = @transform_2, window_bounds = array<i64: 128, 128>}, {transform_indices = @transform_3, window_bounds = array<i64: 1000, 128>}, {transform_indices = @transform_4, window_bounds = array<i64: 1000, 1>}]} {
    %get3A = arith.constant 0 : index
    %get3A_0 = arith.constant 0 : index
    %get3A_1 = arith.constant 0 : index
    %get3A_2 = vector.load %arg1[%get3A, %get3A_0, %get3A_1] : memref<2x1000x16xf32, #tpu.memory_space<vmem>>, vector<1x1000x1xf32>
    %get3A_3 = vector.shape_cast %get3A_2 : vector<1x1000x1xf32> to vector<1000xf32>
    %add3A = arith.constant 1.000000e+00 : f32
    %add3A_4 = vector.broadcast %add3A : f32 to vector<1000xf32>
    %add3A_5 = arith.addf %add3A_4, %get3A_3 : vector<1000xf32>
    %get3A_6 = arith.constant 1 : index
    %get3A_7 = arith.constant 0 : index
    %get3A_8 = arith.constant 0 : index
    %get3A_9 = vector.load %arg1[%get3A_6, %get3A_7, %get3A_8] : memref<2x1000x16xf32, #tpu.memory_space<vmem>>, vector<1x1000x1xf32>
    %get3A_10 = vector.shape_cast %get3A_9 : vector<1x1000x1xf32> to vector<1000xf32>
    %add3A_11 = arith.addf %add3A_5, %get3A_10 : vector<1000xf32>
    %rsqrt3A = math.rsqrt %add3A_11 : vector<1000xf32>
    %broadcast_in_dim3A = vector.shape_cast %rsqrt3A : vector<1000xf32> to vector<1000x1xf32>
    %get3A_12 = arith.constant 0 : index
    %get3A_13 = arith.constant 0 : index
    %get3A_14 = vector.load %arg2[%get3A_12, %get3A_13] : memref<1000x128xf32, #tpu.memory_space<vmem>>, vector<1000x128xf32>
    %get3A_15 = arith.constant 0 : index
    %get3A_16 = arith.constant 0 : index
    %get3A_17 = vector.load %arg3[%get3A_15, %get3A_16] : memref<128x128xf32, #tpu.memory_space<vmem>>, vector<128x128xf32>
    %dot_general3A = arith.constant dense<0.000000e+00> : vector<1000x128xf32>
    %dot_general3A_18 = tpu.matmul %get3A_14, %get3A_17, %dot_general3A {dimension_numbers = #tpu.dot_dimension_numbers<[1], [0], [0], [1], [0, 0, 1, 1], [], []>, transpose_lhs_hint = false} : vector<1000x128xf32>, vector<128x128xf32>, vector<1000x128xf32> -> vector<1000x128xf32>
    %mul3A = vector.broadcast %broadcast_in_dim3A : vector<1000x1xf32> to vector<1000x128xf32>
    %mul3A_19 = arith.mulf %mul3A, %dot_general3A_18 : vector<1000x128xf32>
    %swap3A = arith.constant 0 : index
    %swap3A_20 = arith.constant 0 : index
    %swap3A_21 = vector.load %arg4[%swap3A, %swap3A_20] : memref<1000x128xf32, #tpu.memory_space<vmem>>, vector<1000x128xf32>
    tpu.vector_store %arg4[%swap3A, %swap3A_20], %mul3A_19 {strides = array<i32>} : memref<1000x128xf32, #tpu.memory_space<vmem>>, vector<1000x128xf32>,
    %swap3A_22 = arith.constant 0 : index
    %swap3A_23 = arith.constant 0 : index
    %swap3A_24 = vector.load %arg5[%swap3A_22, %swap3A_23] : memref<1000x1xf32, #tpu.memory_space<vmem>>, vector<1000x1xf32>
    tpu.vector_store %arg5[%swap3A_22, %swap3A_23], %broadcast_in_dim3A {strides = array<i32>} : memref<1000x1xf32, #tpu.memory_space<vmem>>, vector<1000x1xf32>,
    return
  }
  func.func @transform_0(%arg0: i32) -> (i32, i32, i32) {
    %c0_i32 = arith.constant 0 : i32
    %c0_i32_0 = arith.constant 0 : i32
    %c0_i32_1 = arith.constant 0 : i32
    return %c0_i32, %arg0, %c0_i32_0 : i32, i32, i32
  }
  func.func @transform_1(%arg0: i32) -> (i32, i32) {
    %c0_i32 = arith.constant 0 : i32
    %c0_i32_0 = arith.constant 0 : i32
    return %arg0, %c0_i32 : i32, i32
  }
  func.func @transform_2(%arg0: i32) -> (i32, i32) {
    %c0_i32 = arith.constant 0 : i32
    %c0_i32_0 = arith.constant 0 : i32
    %c0_i32_1 = arith.constant 0 : i32
    return %c0_i32, %c0_i32_0 : i32, i32
  }
  func.func @transform_3(%arg0: i32) -> (i32, i32) {
    %c0_i32 = arith.constant 0 : i32
    %c0_i32_0 = arith.constant 0 : i32
    return %arg0, %c0_i32 : i32, i32
  }
  func.func @transform_4(%arg0: i32) -> (i32, i32) {
    %c0_i32 = arith.constant 0 : i32
    %c0_i32_0 = arith.constant 0 : i32
    return %arg0, %c0_i32 : i32, i32
  }
}

module attributes {stable_mosaic.version = 14 : i64} {
  func.func @_tc_head_body(%arg0: i32, %arg1: memref<2x1000x128xf32, #tpu.memory_space<vmem>>, %arg2: memref<1000x128xf32, #tpu.memory_space<vmem>>, %arg3: memref<1000x1xf32, #tpu.memory_space<vmem>>, %arg4: memref<1x128xf32, #tpu.memory_space<vmem>>, %arg5: memref<1x1x1000xi32, #tpu.memory_space<vmem>>, %arg6: memref<128x64xf32, #tpu.memory_space<vmem>>, %arg7: memref<1x64xf32, #tpu.memory_space<vmem>>, %arg8: memref<64x1xf32, #tpu.memory_space<vmem>>, %arg9: memref<1x1xf32, #tpu.memory_space<vmem>>, %arg10: memref<16x1xf32, #tpu.memory_space<vmem>>, %arg11: memref<16x128xf32, #tpu.memory_space<vmem>>, %arg12: memref<16x128xf32, #tpu.memory_space<vmem>>) attributes {dimension_semantics = [#tpu.dimension_semantics<arbitrary>], iteration_bounds = array<i64: 10>, scalar_prefetch = 0 : i64, scratch_operands = 2 : i64, tpu.core_type = #tpu.core_type<tc>, window_params = [{transform_indices = @transform_0, window_bounds = array<i64: 2, 1000, 128>}, {transform_indices = @transform_1, window_bounds = array<i64: 1000, 128>}, {transform_indices = @transform_2, window_bounds = array<i64: 1000, 1>}, {pipeline_mode = #tpu.pipeline_mode<synchronous>, transform_indices = @transform_3, window_bounds = array<i64: 1, 128>}, {transform_indices = @transform_4, window_bounds = array<i64: 1, 1, 1000>}, {pipeline_mode = #tpu.pipeline_mode<synchronous>, transform_indices = @transform_5, window_bounds = array<i64: 128, 64>}, {pipeline_mode = #tpu.pipeline_mode<synchronous>, transform_indices = @transform_6, window_bounds = array<i64: 1, 64>}, {pipeline_mode = #tpu.pipeline_mode<synchronous>, transform_indices = @transform_7, window_bounds = array<i64: 64, 1>}, {pipeline_mode = #tpu.pipeline_mode<synchronous>, transform_indices = @transform_8, window_bounds = array<i64: 1, 1>}, {pipeline_mode = #tpu.pipeline_mode<synchronous>, transform_indices = @transform_9, window_bounds = array<i64: 16, 1>}]} {
    %eq3A = arith.constant 0 : i32
    %eq3A_0 = arith.cmpi eq, %arg0, %eq3A : i32
    %convert_element_type3A = arith.extui %eq3A_0 : i1 to i32
    %cond3A = arith.constant 0 : i32
    %cond3A_1 = arith.cmpi ne, %convert_element_type3A, %cond3A : i32
    scf.if %cond3A_1 {
      %broadcast_in_dim3A_57 = arith.constant 0.000000e+00 : f32
      %broadcast_in_dim3A_58 = vector.broadcast %broadcast_in_dim3A_57 : f32 to vector<16x128xf32>
      %swap3A_59 = arith.constant 0 : index
      %swap3A_60 = arith.constant 0 : index
      %swap3A_61 = vector.load %arg11[%swap3A_59, %swap3A_60] : memref<16x128xf32, #tpu.memory_space<vmem>>, vector<16x128xf32>
      tpu.vector_store %arg11[%swap3A_59, %swap3A_60], %broadcast_in_dim3A_58 {strides = array<i32>} : memref<16x128xf32, #tpu.memory_space<vmem>>, vector<16x128xf32>,
      %broadcast_in_dim3A_62 = arith.constant 0.000000e+00 : f32
      %broadcast_in_dim3A_63 = vector.broadcast %broadcast_in_dim3A_62 : f32 to vector<16x128xf32>
      %swap3A_64 = arith.constant 0 : index
      %swap3A_65 = arith.constant 0 : index
      %swap3A_66 = vector.load %arg12[%swap3A_64, %swap3A_65] : memref<16x128xf32, #tpu.memory_space<vmem>>, vector<16x128xf32>
      tpu.vector_store %arg12[%swap3A_64, %swap3A_65], %broadcast_in_dim3A_63 {strides = array<i32>} : memref<16x128xf32, #tpu.memory_space<vmem>>, vector<16x128xf32>,
    } else {
    }
    %get3A = arith.constant 0 : index
    %get3A_2 = arith.constant 0 : index
    %get3A_3 = arith.constant 0 : index
    %get3A_4 = vector.load %arg1[%get3A, %get3A_2, %get3A_3] : memref<2x1000x128xf32, #tpu.memory_space<vmem>>, vector<1x1000x128xf32>
    %get3A_5 = vector.shape_cast %get3A_4 : vector<1x1000x128xf32> to vector<1000x128xf32>
    %get3A_6 = arith.constant 1 : index
    %get3A_7 = arith.constant 0 : index
    %get3A_8 = arith.constant 0 : index
    %get3A_9 = vector.load %arg1[%get3A_6, %get3A_7, %get3A_8] : memref<2x1000x128xf32, #tpu.memory_space<vmem>>, vector<1x1000x128xf32>
    %get3A_10 = vector.shape_cast %get3A_9 : vector<1x1000x128xf32> to vector<1000x128xf32>
    %add3A = arith.addf %get3A_5, %get3A_10 : vector<1000x128xf32>
    %get3A_11 = arith.constant 0 : index
    %get3A_12 = arith.constant 0 : index
    %get3A_13 = vector.load %arg3[%get3A_11, %get3A_12] : memref<1000x1xf32, #tpu.memory_space<vmem>>, vector<1000x1xf32>
    %get3A_14 = arith.constant 0 : index
    %get3A_15 = arith.constant 0 : index
    %get3A_16 = vector.load %arg2[%get3A_14, %get3A_15] : memref<1000x128xf32, #tpu.memory_space<vmem>>, vector<1000x128xf32>
    %add3A_17 = arith.addf %add3A, %get3A_16 : vector<1000x128xf32>
    %mul3A = vector.broadcast %get3A_13 : vector<1000x1xf32> to vector<1000x128xf32>
    %mul3A_18 = arith.mulf %mul3A, %add3A_17 : vector<1000x128xf32>
    %get3A_19 = arith.constant 0 : index
    %get3A_20 = arith.constant 0 : index
    %get3A_21 = vector.load %arg4[%get3A_19, %get3A_20] : memref<1x128xf32, #tpu.memory_space<vmem>>, vector<1x128xf32>
    %add3A_22 = vector.broadcast %get3A_21 : vector<1x128xf32> to vector<1000x128xf32>
    %add3A_23 = arith.addf %mul3A_18, %add3A_22 : vector<1000x128xf32>
    %max3A = arith.constant 0.000000e+00 : f32
    %max3A_24 = vector.broadcast %max3A : f32 to vector<1000x128xf32>
    %max3A_25 = arith.maximumf %add3A_23, %max3A_24 : vector<1000x128xf32>
    %get3A_26 = arith.constant 0 : index
    %get3A_27 = arith.constant 0 : index
    %get3A_28 = arith.constant 0 : index
    %get3A_29 = vector.load %arg5[%get3A_26, %get3A_27, %get3A_28] : memref<1x1x1000xi32, #tpu.memory_space<vmem>>, vector<1x1x1000xi32>
    %get3A_30 = vector.shape_cast %get3A_29 : vector<1x1x1000xi32> to vector<1000xi32>
    %iota3A = tpu.iota {dimensions = array<i32: 0>} : vector<16x1000xi32>
    %broadcast_in_dim3A = vector.shape_cast %get3A_30 : vector<1000xi32> to vector<1x1000xi32>
    %eq3A_31 = vector.broadcast %broadcast_in_dim3A : vector<1x1000xi32> to vector<16x1000xi32>
    %eq3A_32 = arith.cmpi eq, %iota3A, %eq3A_31 : vector<16x1000xi32>
    %convert_element_type3A_33 = arith.extui %eq3A_32 : vector<16x1000xi1> to vector<16x1000xi32>
    %convert_element_type3A_34 = arith.sitofp %convert_element_type3A_33 : vector<16x1000xi32> to vector<16x1000xf32>
    %get3A_35 = arith.constant 0 : index
    %get3A_36 = arith.constant 0 : index
    %get3A_37 = vector.load %arg11[%get3A_35, %get3A_36] : memref<16x128xf32, #tpu.memory_space<vmem>>, vector<16x128xf32>
    %dot_general3A = arith.constant dense<0.000000e+00> : vector<16x128xf32>
    %dot_general3A_38 = tpu.matmul %convert_element_type3A_34, %max3A_25, %dot_general3A {dimension_numbers = #tpu.dot_dimension_numbers<[1], [0], [0], [1], [0, 0, 1, 1], [], []>, transpose_lhs_hint = false} : vector<16x1000xf32>, vector<1000x128xf32>, vector<16x128xf32> -> vector<16x128xf32>
    %add3A_39 = arith.addf %get3A_37, %dot_general3A_38 : vector<16x128xf32>
    %swap3A = arith.constant 0 : index
    %swap3A_40 = arith.constant 0 : index
    %swap3A_41 = vector.load %arg11[%swap3A, %swap3A_40] : memref<16x128xf32, #tpu.memory_space<vmem>>, vector<16x128xf32>
    tpu.vector_store %arg11[%swap3A, %swap3A_40], %add3A_39 {strides = array<i32>} : memref<16x128xf32, #tpu.memory_space<vmem>>, vector<16x128xf32>,
    %get3A_42 = arith.constant 0 : index
    %get3A_43 = arith.constant 0 : index
    %get3A_44 = vector.load %arg12[%get3A_42, %get3A_43] : memref<16x128xf32, #tpu.memory_space<vmem>>, vector<16x128xf32>
    %reduce_sum3A = arith.constant dense<0.000000e+00> : vector<16xf32>
    %reduce_sum3A_45 = vector.multi_reduction <add>, %convert_element_type3A_34, %reduce_sum3A [1] : vector<16x1000xf32> to vector<16xf32>
    %broadcast_in_dim3A_46 = vector.shape_cast %reduce_sum3A_45 : vector<16xf32> to vector<16x1xf32>
    %add3A_47 = vector.broadcast %broadcast_in_dim3A_46 : vector<16x1xf32> to vector<16x128xf32>
    %add3A_48 = arith.addf %get3A_44, %add3A_47 : vector<16x128xf32>
    %swap3A_49 = arith.constant 0 : index
    %swap3A_50 = arith.constant 0 : index
    %swap3A_51 = vector.load %arg12[%swap3A_49, %swap3A_50] : memref<16x128xf32, #tpu.memory_space<vmem>>, vector<16x128xf32>
    tpu.vector_store %arg12[%swap3A_49, %swap3A_50], %add3A_48 {strides = array<i32>} : memref<16x128xf32, #tpu.memory_space<vmem>>, vector<16x128xf32>,
    %eq3A_52 = arith.constant 9 : i32
    %eq3A_53 = arith.cmpi eq, %arg0, %eq3A_52 : i32
    %convert_element_type3A_54 = arith.extui %eq3A_53 : i1 to i32
    %cond3A_55 = arith.constant 0 : i32
    %cond3A_56 = arith.cmpi ne, %convert_element_type3A_54, %cond3A_55 : i32
    scf.if %cond3A_56 {
      %get3A_57 = arith.constant 0 : index
      %get3A_58 = arith.constant 0 : index
      %get3A_59 = vector.load %arg11[%get3A_57, %get3A_58] : memref<16x128xf32, #tpu.memory_space<vmem>>, vector<16x128xf32>
      %get3A_60 = arith.constant 0 : index
      %get3A_61 = arith.constant 0 : index
      %get3A_62 = vector.load %arg12[%get3A_60, %get3A_61] : memref<16x128xf32, #tpu.memory_space<vmem>>, vector<16x128xf32>
      %max3A_63 = arith.constant 1.000000e+00 : f32
      %max3A_64 = vector.broadcast %max3A_63 : f32 to vector<16x128xf32>
      %max3A_65 = arith.maximumf %get3A_62, %max3A_64 : vector<16x128xf32>
      %div3A = arith.divf %get3A_59, %max3A_65 : vector<16x128xf32>
      %get3A_66 = arith.constant 0 : index
      %get3A_67 = arith.constant 0 : index
      %get3A_68 = vector.load %arg6[%get3A_66, %get3A_67] : memref<128x64xf32, #tpu.memory_space<vmem>>, vector<128x64xf32>
      %dot_general3A_69 = arith.constant dense<0.000000e+00> : vector<16x64xf32>
      %dot_general3A_70 = tpu.matmul %div3A, %get3A_68, %dot_general3A_69 {dimension_numbers = #tpu.dot_dimension_numbers<[1], [0], [0], [1], [0, 0, 1, 1], [], []>, transpose_lhs_hint = false} : vector<16x128xf32>, vector<128x64xf32>, vector<16x64xf32> -> vector<16x64xf32>
      %get3A_71 = arith.constant 0 : index
      %get3A_72 = arith.constant 0 : index
      %get3A_73 = vector.load %arg7[%get3A_71, %get3A_72] : memref<1x64xf32, #tpu.memory_space<vmem>>, vector<1x64xf32>
      %add3A_74 = vector.broadcast %get3A_73 : vector<1x64xf32> to vector<16x64xf32>
      %add3A_75 = arith.addf %dot_general3A_70, %add3A_74 : vector<16x64xf32>
      %max3A_76 = arith.constant 0.000000e+00 : f32
      %max3A_77 = vector.broadcast %max3A_76 : f32 to vector<16x64xf32>
      %max3A_78 = arith.maximumf %add3A_75, %max3A_77 : vector<16x64xf32>
      %get3A_79 = arith.constant 0 : index
      %get3A_80 = arith.constant 0 : index
      %get3A_81 = vector.load %arg8[%get3A_79, %get3A_80] : memref<64x1xf32, #tpu.memory_space<vmem>>, vector<64x1xf32>
      %dot_general3A_82 = arith.constant dense<0.000000e+00> : vector<16x1xf32>
      %dot_general3A_83 = tpu.matmul %max3A_78, %get3A_81, %dot_general3A_82 {dimension_numbers = #tpu.dot_dimension_numbers<[1], [0], [0], [1], [0, 0, 1, 1], [], []>, transpose_lhs_hint = false} : vector<16x64xf32>, vector<64x1xf32>, vector<16x1xf32> -> vector<16x1xf32>
      %get3A_84 = arith.constant 0 : index
      %get3A_85 = arith.constant 0 : index
      %get3A_86 = vector.load %arg9[%get3A_84, %get3A_85] : memref<1x1xf32, #tpu.memory_space<vmem>>, vector<1x1xf32>
      %add3A_87 = vector.broadcast %get3A_86 : vector<1x1xf32> to vector<16x1xf32>
      %add3A_88 = arith.addf %dot_general3A_83, %add3A_87 : vector<16x1xf32>
      %swap3A_89 = arith.constant 0 : index
      %swap3A_90 = arith.constant 0 : index
      %swap3A_91 = vector.load %arg10[%swap3A_89, %swap3A_90] : memref<16x1xf32, #tpu.memory_space<vmem>>, vector<16x1xf32>
      tpu.vector_store %arg10[%swap3A_89, %swap3A_90], %add3A_88 {strides = array<i32>} : memref<16x1xf32, #tpu.memory_space<vmem>>, vector<16x1xf32>,
    } else {
    }
    return
  }
  func.func @transform_0(%arg0: i32) -> (i32, i32, i32) {
    %c0_i32 = arith.constant 0 : i32
    %c0_i32_0 = arith.constant 0 : i32
    %c0_i32_1 = arith.constant 0 : i32
    return %c0_i32, %arg0, %c0_i32_0 : i32, i32, i32
  }
  func.func @transform_1(%arg0: i32) -> (i32, i32) {
    %c0_i32 = arith.constant 0 : i32
    %c0_i32_0 = arith.constant 0 : i32
    return %arg0, %c0_i32 : i32, i32
  }
  func.func @transform_2(%arg0: i32) -> (i32, i32) {
    %c0_i32 = arith.constant 0 : i32
    %c0_i32_0 = arith.constant 0 : i32
    return %arg0, %c0_i32 : i32, i32
  }
  func.func @transform_3(%arg0: i32) -> (i32, i32) {
    %c0_i32 = arith.constant 0 : i32
    %c0_i32_0 = arith.constant 0 : i32
    %c0_i32_1 = arith.constant 0 : i32
    return %c0_i32, %c0_i32_0 : i32, i32
  }
  func.func @transform_4(%arg0: i32) -> (i32, i32, i32) {
    %c0_i32 = arith.constant 0 : i32
    %c0_i32_0 = arith.constant 0 : i32
    %c0_i32_1 = arith.constant 0 : i32
    return %arg0, %c0_i32, %c0_i32_0 : i32, i32, i32
  }
  func.func @transform_5(%arg0: i32) -> (i32, i32) {
    %c0_i32 = arith.constant 0 : i32
    %c0_i32_0 = arith.constant 0 : i32
    %c0_i32_1 = arith.constant 0 : i32
    return %c0_i32, %c0_i32_0 : i32, i32
  }
  func.func @transform_6(%arg0: i32) -> (i32, i32) {
    %c0_i32 = arith.constant 0 : i32
    %c0_i32_0 = arith.constant 0 : i32
    %c0_i32_1 = arith.constant 0 : i32
    return %c0_i32, %c0_i32_0 : i32, i32
  }
  func.func @transform_7(%arg0: i32) -> (i32, i32) {
    %c0_i32 = arith.constant 0 : i32
    %c0_i32_0 = arith.constant 0 : i32
    %c0_i32_1 = arith.constant 0 : i32
    return %c0_i32, %c0_i32_0 : i32, i32
  }
  func.func @transform_8(%arg0: i32) -> (i32, i32) {
    %c0_i32 = arith.constant 0 : i32
    %c0_i32_0 = arith.constant 0 : i32
    %c0_i32_1 = arith.constant 0 : i32
    return %c0_i32, %c0_i32_0 : i32, i32
  }
  func.func @transform_9(%arg0: i32) -> (i32, i32) {
    %c0_i32 = arith.constant 0 : i32
    %c0_i32_0 = arith.constant 0 : i32
    %c0_i32_1 = arith.constant 0 : i32
    return %c0_i32, %c0_i32_0 : i32, i32
  }
}

</mosaic_0001>

<sc_bundles>
// kernel: kernel.10.cloned.1.call-start
scs
__scs_entry_jumppad:
0x0: {  	(pc) =	sbr.rel $0x88, $3  }
0x1: {  	(tag) =	ssettag $0x0;
	lr =	simm.s32 $0x1  }
0x2: {  	[smem:$0x3F94] =	sst lr;
	_ =	strace $0xD0000000  }
0x3: {  	_ = 	snop  }
0x4: {  	_ = 	snop  }
0x5: {  	_ = 	snop  }
0x6: {  	_ = 	snop  }
0x7: {  	_ = 	snop  }
__scs_overlays_trampoline_lowered:
0x8: {  	[smem:$0x3FA3] =	sst s0  }
0x9: {  	[smem:$0x3FA4] =	sst s1  }
0xa: {  	[smem:$0x3FA5] =	sst s2  }
0xb: {  	[smem:$0x3FA6] =	sst s3  }
0xc: {  	[smem:$0x3FA7] =	sst s4  }
0xd: {  	[smem:$0x3FA8] =	sst s5  }
0xe: {  	[smem:$0x3FA9] =	sst s6  }
0xf: {  	[smem:$0x3FAA] =	sst s7  }
0x10: {  	[smem:$0x3FAB] =	sst s8  }
0x11: {  	[smem:$0x3FAC] =	sst s9;
	s0 =	simm.s32 @!p0 $0x0  }
0x12: {  	s1 =	sld [smem:$0x3F92];
	s0 =	simm.s32 @p0 $0x1  }
0x13: {  	[smem:$0x3FAD] =	sst s0;
	s0 =	simm.s32 @!p1 $0x0  }
0x14: {  	s2 =	sld [smem:$0x3F91];
	s0 =	simm.s32 @p1 $0x1  }
0x15: {  	[smem:$0x3FAE] =	sst s0;
	s0 =	simm.s32 @!p2 $0x0  }
0x16: {  	s3 =	sld [smem:$0x3FDB];
	s0 =	simm.s32 @p2 $0x1  }
0x17: {  	s4 =	simm.s32 $0x1BF5;
	[smem:$0x3FB0] =	sst s0  }
0x18: {  	s0 =	sld [smem:$0x3F93];
	_ =	swait.ge [sflag:s4], $0x0  }
0x19: {  	s7 =	sld [smem:$0x3F94]  }
0x1a: {  	s8 =	sadd.s32 $0xFFFFE003, lr  }
0x1b: {  	s9 =	sadd.s32 $0xFFFFFEF7, lr;
	s5 =	simm.s32 $0xFFFFFFFF;
	p2 =	slt.u32 s8, $0xFFFFF086  }
0x1c: {  	p1 =	slt.u32 s9, $0xF7A;
	s5 =	simm.s32 @!p2 $0x0  }
0x1d: {  	s5 =	simm.s32 @p1 $0x1;
	p0 =	seq.s32 s7, s2  }
0x1e: {  	s7 =	smul.u32 @!p0 $0xF7A, s2;
	p2 =	seq.s32 @!p0 s5, $0x0  }
0x1f: {  	s9 =	smul.u32 $0xF7A, s1;
	s8 =	simm.s32 @!p0 $0x1BF5;
	p2 =	por !p2, p0  }
0x20: {  	[sflag:s8] =	ssyncset.s32 @!p0 $0xFFFFF086;
	s6 =	sadd.s32 @!p0 s3, s7;
	s7 =	simm.s32 @!p0 $0x108  }
0x21: {  	s3 =	sadd.s32 s3, s9;
	s6 =	sadd.s32 @!p0 $0x88, s6;
	s7 =	simm.s32 @p2 $0x1082  }
0x22: {  	[simem:s7], [sflag:s8] =	dma.local @!p0 [hbm:s6], $0xF7A  }
0x23: {  	s9 =	sor.u32 $0xD0000000, s2;
	s6 =	simm.s32 $0x108;
	_ =	swait.ge @!p0 [sflag:s8], $0x0  }
0x24: {  	s3 =	sadd.s32 $0x88, s3;
	s6 =	simm.s32 @!p1 $0x1082;
	[sflag:s4] =	ssyncset.s32 $0xFFFFF086  }
0x25: {  	[simem:s6], [sflag:s4] =	dma.local [hbm:s3], $0xF7A  }
0x26: {  	[smem:$0x3F94] =	sst s1;
	(tag) =	ssettag s2;
	_ =	strace s9  }
0x27: {  	s1 =	sld [smem:$0x3FA4]  }
0x28: {  	s2 =	sld [smem:$0x3FA5]  }
0x29: {  	s4 =	sld [smem:$0x3FA7]  }
0x2a: {  	p0 =	seq.s32 s5, $0x0;
	s5 =	sld [smem:$0x3FA8]  }
0x2b: {  	s6 =	sld [smem:$0x3FA9]  }
0x2c: {  	s7 =	sld [smem:$0x3FAA]  }
0x2d: {  	s3 =	simm.s32 $0x108;
	s8 =	sld [smem:$0x3FAB]  }
0x2e: {  	s3 =	simm.s32 @!p0 $0x1082;
	s9 =	sld [smem:$0x3FAC]  }
0x2f: {  	lr =	sadd.s32 s0, s3;
	s0 =	sld [smem:$0x3FA3]  }
0x30: {  	s3 =	sld [smem:$0x3FA6]  }
0x31: {  	[smem:$0x3FAF] =	sst s10  }
0x32: {  	s10 =	sld [smem:$0x3FAD];
	_ =	sdelay $0x3  }
0x33: {  	p0 =	seq.s32 s10, $0x1;
	s10 =	sld [smem:$0x3FAF];
	_ =	sdelay $0x3  }
0x34: {  	[smem:$0x3FAF] =	sst s10  }
0x35: {  	s10 =	sld [smem:$0x3FAE];
	_ =	sdelay $0x3  }
0x36: {  	p1 =	seq.s32 s10, $0x1;
	s10 =	sld [smem:$0x3FAF];
	_ =	sdelay $0x3  }
0x37: {  	[smem:$0x3FAF] =	sst s10  }
0x38: {  	s10 =	sld [smem:$0x3FB0]  }
0x39: {  	_ = 	snop;
	(pc) =	sbr.ind lr, $3  }
0x3a: {  	_ = 	snop  }
0x3b: {  	_ = 	snop  }
0x3c: {  	p2 =	seq.s32 s10, $0x1;
	s10 =	sld [smem:$0x3FAF]  }
0x3d: {  	_ =	shalt  }
0x3e: {  	_ =	shalt  }
0x3f: {  	_ =	shalt  }
0x40: {  	_ =	shalt  }
0x41: {  	_ =	shalt  }
0x42: {  	_ =	shalt  }
0x43: {  	_ =	shalt  }
0x44: {  	_ =	shalt  }
0x45: {  	_ =	shalt  }
0x46: {  	_ =	shalt  }
0x47: {  	_ =	shalt  }
0x48: {  	_ =	shalt  }
0x49: {  	_ =	shalt  }
0x4a: {  	_ =	shalt  }
0x4b: {  	_ =	shalt  }
0x4c: {  	_ =	shalt  }
0x4d: {  	_ =	shalt  }
0x4e: {  	_ =	shalt  }
0x4f: {  	_ =	shalt  }
0x50: {  	_ =	shalt  }
0x51: {  	_ =	shalt  }
0x52: {  	_ =	shalt  }
0x53: {  	_ =	shalt  }
0x54: {  	_ =	shalt  }
0x55: {  	_ =	shalt  }
0x56: {  	_ =	shalt  }
0x57: {  	_ =	shalt  }
0x58: {  	_ =	shalt  }
0x59: {  	_ =	shalt  }
0x5a: {  	_ =	shalt  }
0x5b: {  	_ =	shalt  }
0x5c: {  	_ =	shalt  }
0x5d: {  	_ =	shalt  }
0x5e: {  	_ =	shalt  }
0x5f: {  	_ =	shalt  }
0x60: {  	_ =	shalt  }
0x61: {  	_ =	shalt  }
0x62: {  	_ =	shalt  }
0x63: {  	_ =	shalt  }
0x64: {  	_ =	shalt  }
0x65: {  	_ =	shalt  }
0x66: {  	_ =	shalt  }
0x67: {  	_ =	shalt  }
0x68: {  	_ =	shalt  }
0x69: {  	_ =	shalt  }
0x6a: {  	_ =	shalt  }
0x6b: {  	_ =	shalt  }
0x6c: {  	_ =	shalt  }
0x6d: {  	_ =	shalt  }
0x6e: {  	_ =	shalt  }
0x6f: {  	_ =	shalt  }
0x70: {  	_ =	shalt  }
0x71: {  	_ =	shalt  }
0x72: {  	_ =	shalt  }
0x73: {  	_ =	shalt  }
0x74: {  	_ =	shalt  }
0x75: {  	_ =	shalt  }
0x76: {  	_ =	shalt  }
0x77: {  	_ =	shalt  }
0x78: {  	_ =	shalt  }
0x79: {  	_ =	shalt  }
0x7a: {  	_ =	shalt  }
0x7b: {  	_ =	shalt  }
0x7c: {  	_ =	shalt  }
0x7d: {  	_ =	shalt  }
0x7e: {  	_ =	shalt  }
0x7f: {  	_ =	shalt  }
0x80: {  	_ =	shalt  }
0x81: {  	_ =	shalt  }
0x82: {  	_ =	shalt  }
0x83: {  	_ =	shalt  }
0x84: {  	_ =	shalt  }
0x85: {  	_ =	shalt  }
0x86: {  	_ =	shalt  }
0x87: {  	_ =	shalt  }
.Lfunc_end0:
.L_simem_size_0:
called_computation_lowered:
.L_overlay_start_0:
0x88: {  	s2 =	sld [smem:$0x3FD9]  }
0x89: {  	s3 =	sld [smem:$0x3FFE];
	_ =	sdelay $0x1  }
0x8a: {  	s1 =	srdreg.scid  }
0x8b: {  	s0 =	sand.u32 $0x1, s1  }
0x8c: {  	s16 =	sshll.u32 s0, $0xA;
	s2 =	sadd.s32 s3, s2  }
0x8d: {  	s2 =	sadd.s32 s2, s16  }
0x8e: {  	[smem:$0x3FBB] =	sst s2  }
0x8f: {  	_ = 	snop  }
0x90: {  	(tm) =	ssettm $0x1  }
0x91: {  	s17 =	sld [smem:$0x3FFB];
	_ =	sdelay $0x3  }
0x92: {  	_ =	strace s17  }
0x93: {  	s2 =	sld [smem:$0x3FFC];
	_ =	sdelay $0x3  }
0x94: {  	_ =	strace s2  }
0x95: {  	s2 =	sld [smem:$0x3FFD];
	_ =	sdelay $0x3  }
0x96: {  	_ =	strace s2  }
0x97: {  	_ =	strace $0x8FFFFFFF  }
0x98: {  	s18 =	sld [smem:$0x3FDB];
	_ =	sdelay $0x1  }
0x99: {  	s19 =	simm.s32 $_scs_section_size  }
0x9a: {  	s4 =	simm.s32 $_size__tile_overlayer_lowered;
	s5 =	simm.s32 $_tile_overlayer_lowered  }
0x9b: {  	s22 =	simm.s32 $0x1BFF;
	s21 =	sshll.u32 s5, $0x1;
	s2 =	sadd.s32 s19, s18  }
0x9c: {  	s6 =	simm.s32 $0x0;
	s20 =	sshll.u32 s4, $0x1;
	s4 =	sadd.s32 s21, s2  }
0x9d: {  	[timem:s6], [sflag:s22] =	dma.local [hbm:s4], s20  }
0x9e: {  	_ =	swait.ge [sflag:s22], s20  }
0x9f: {  	s3 =	ssub.s32 $0x0, s20;
	[sflag:s22] =	ssyncset.done $0x0  }
0xa0: {  	[sflag:s22] =	ssyncadd.s32 s3;
	_ =	sdelay $0x1  }
0xa1: {  	s23 =	simm.s32 $0x1B8B  }
0xa2: {  	_ =	swait.ge [sflag:s23], $0x1  }
0xa3: {  	[sflag:s23] =	ssyncset.done $0x0  }
0xa4: {  	s25 =	simm.s32 $0x1B8E;
	s24 =	sld [smem:$0x3FFE];
	[sflag:s23] =	ssyncadd.s32 $0xFFFFFFFF  }
0xa5: {  	s26 =	simm.s32 $execute0_lowered;
	[smem:$0x3FD2] =	sst s25  }
0xa6: {  	s4 =	sshll.u32 s26, $0x1;
	_ =	strace $0x80000046;
	[dreg:$0x1] =	wrdreg $0xFFFFFFFF  }
0xa7: {  	s28 =	simm.s32 $_size_execute0_lowered;
	s2 =	sadd.s32 s2, s4;
	[dreg:$0x0] =	wrdreg $0x0  }
0xa8: {  	s4 =	sshll.u32 s28, $0x1;
	[dreg:$0x2] =	wrdreg s2  }
0xa9: {  	[dreg:$0x3] =	wrdreg s4  }
0xaa: {  	[dreg:$0x4] =	wrdreg $0xC0  }
0xab: {  	_ =	task [dreg:s6], $0x5FFFF  }
0xac: {  	[dreg:$0x1] =	wrdreg $0xFFFFFFFF  }
0xad: {  	[dreg:$0x0] =	wrdreg $0x60  }
0xae: {  	[dreg:$0x2] =	wrdreg s24  }
0xaf: {  	[dreg:$0x3] =	wrdreg $0x52000  }
0xb0: {  	[dreg:$0x4] =	wrdreg $0x9  }
0xb1: {  	_ =	task.clear_ibuf [dreg:s6], $0x5FFFF;
	_ =	strace $0x90000046  }
0xb2: {  	s29 =	simm.s32 $0x9;
	_ =	strace $0x80000048  }
0xb3: {  	_ =	swait.ge [sflag:s29], $0x1  }
0xb4: {  	[sflag:s29] =	ssyncadd.s32 $0xFFFFFFFF  }
0xb5: {  	_ =	strace $0x90000048  }
0xb6: {  	_ =	sfence  }
0xb7: {  	s30 =	sld [smem:$0x0];
	_ =	sdelay $0x2  }
0xb8: {  	s31 =	sshll.u32 s1, $0xD;
	s1 =	sshrl.u32 s1, $0x2  }
0xb9: {  	s3 =	sand.u32 $0x4000, s31;
	s1 =	sadd.s32 s1, s30  }
0xba: {  	s0 =	sor.u32 s3, s0;
	s1 =	sshll.u32 s1, $0x11  }
0xbb: {  	s0 =	sor.u32 s1, s0  }
0xbc: {  	s0 =	sadd.s32 $0x8F2B, s0  }
0xbd: {  	[sflag:s0] =	ssyncadd.remote.s32 $0x1  }
0xbe: {  	_ =	sfence.sel $0xFFFF  }
0xbf: {  	[dreg:$0x0] =	wrdreg $0xFFFFFFFF;
	(pc) =	sbr.abs _section_cstart, $3  }
0xc0: {  	[dreg:$0x1] =	wrdreg $0xFFFFFFFF  }
0xc1: {  	_ =	task.clear_ibuf [dreg:s6], $0x2FFFF;
	_ =	strace $0x9FFFFFFF  }
0xc2: {  	(tm) =	ssettm $0x7FFFFFFF  }
0xc3: {  	_ =	shalt  }
tec
execute0_lowered:
.L_overlay_start_1:
0x0: {  	(tag) =	ssettag $0x1  }
0x1: {  	s0 =	srdreg.scid;
	s24 =	stileid.u32  }
0x2: {  	s0 =	sand.u32 $0x1, s0;
	s7 =	smul.u32 $0xA000, s24  }
0x3: {  	s8 =	sor.u32 $0x10, s24;
	s2 =	smul.u32 $0x138800, s0  }
0x4: {  	s10 =	sor.u32 $0x20, s24;
	s9 =	smul.u32 $0xA000, s8  }
0x5: {  	s12 =	sor.u32 $0x30, s24;
	s11 =	smul.u32 $0xA000, s10  }
0x6: {  	s14 =	sor.u32 $0x40, s24;
	s13 =	smul.u32 $0xA000, s12  }
0x7: {  	s16 =	sor.u32 $0x50, s24;
	s15 =	smul.u32 $0xA000, s14  }
0x8: {  	s6 =	rddreg [dreg:$0x0];
	s19 =	sor.u32 $0x60, s24;
	s18 =	smul.u32 $0xA000, s16  }
0x9: {  	s3 =	rddreg [dreg:$0x1];
	s4 =	simm.s32 $0x0;
	s21 =	smul.u32 $0xA000, s19  }
0xa: {  	s28 =	simm.s32 $0x5;
	s29 =	simm.s32 $0x1;
	s22 =	smul.u32 $0x2800, s10  }
0xb: {  	s30 =	simm.s32 $0x50;
	s31 =	simm.s32 $0x200;
	s12 =	smul.u32 $0x2800, s12  }
0xc: {  	s1 =	sshll.u32 s24, $0x1;
	[smem:$0x7FF] =	sst s4;
	s16 =	smul.u32 $0x2800, s16  }
0xd: {  	s5 =	sadd.s32 $0xCC00, s6;
	s6 =	sadd.s32 $0x16A00, s6;
	s23 =	smul.u32 $0x2800, s19  }
0xe: {  	s1 =	sor.u32 s0, s1;
	s17 =	ssub.s32 $0x2, s0;
	s0 =	smul.u32 $0x2710, s0  }
0xf: {  	_ =	strace $0x80000047;
	s1 =	smul.u32 $0x2710, s1;
	s20 =	sshrl.u32 s17, $0x1  }
0x10: {  	s7 =	sshrl.u32 s7, $0x2;
	s17 =	ssub.s32 s17, s20;
	s20 =	smul.u32 $0x2800, s24  }
0x11: {  	s26 =	sshrl.u32 s9, $0x2;
	s25 =	sadd.s32 s7, s3;
	s10 =	sshrl.u32 s11, $0x2  }
0x12: {  	s11 =	sshrl.u32 s13, $0x2;
	s13 =	smul.u32 $0x2800, s14;
	s14 =	sshrl.u32 s15, $0x2  }
0x13: {  	s15 =	sor.u32 $0x70, s24;
	s22 =	sadd.s32 s2, s22;
	s12 =	sadd.s32 s2, s12  }
0x14: {  	s17 =	smax.u32 s17, $0x1;
	s9 =	sadd.s32 s26, s3;
	s7 =	smul.u32 $0x2800, s15  }
0x15: {  	s12 =	sshrl.u32 s12, $0x3;
	p0 =	sgt.u32 s15, $0x7C;
	[dreg:$0x3] =	wrdreg s17  }
0x16: {  	s17 =	smul.u32 $0x2800, s8;
	[dreg:$0x4] =	wrdreg s9;
	s9 =	sadd.s32 s10, s3  }
0x17: {  	s10 =	sadd.s32 s11, s3;
	s26 =	sadd.s32 s2, s20;
	s11 =	sadd.s32 s2, s13  }
0x18: {  	s13 =	sadd.s32 s2, s16;
	s16 =	sadd.s32 s2, s23;
	s23 =	smul.u32 $0xA000, s15  }
0x19: {  	s19 =	sshrl.u32 s26, $0x3;
	s11 =	sshrl.u32 s11, $0x3;
	s17 =	sadd.s32 s2, s17  }
0x1a: {  	s2 =	sadd.s32 s2, s7;
	s8 =	sadd.s32 s6, s19;
	s19 =	sshrl.u32 s22, $0x3  }
0x1b: {  	s22 =	sadd.s32 s6, s12;
	s26 =	sadd.s32 s6, s11;
	[dreg:$0x5] =	wrdreg s8  }
0x1c: {  	s23 =	sshrl.u32 s23, $0x2;
	s11 =	simm.s32 $0x80;
	[dreg:$0x8] =	wrdreg s22  }
0x1d: {  	s17 =	sshrl.u32 s17, $0x3;
	s20 =	sadd.s32 s6, s19;
	[dreg:$0x9] =	wrdreg s26  }
0x1e: {  	s8 =	sshrl.u32 s13, $0x3;
	s13 =	sshrl.u32 s16, $0x3;
	s2 =	sshrl.u32 s2, $0x3  }
0x1f: {  	s19 =	sadd.s32 s14, s3;
	s22 =	sshrl.u32 s21, $0x2;
	s14 =	simm.s32 $0x0  }
0x20: {  	s17 =	sadd.s32 s6, s17;
	[dreg:$0x7] =	wrdreg s20;
	s12 =	sadd.s32 s6, s8  }
0x21: {  	s16 =	sadd.s32 s6, s13;
	s2 =	sadd.s32 s6, s2;
	[dreg:$0x6] =	wrdreg s17  }
0x22: {  	s20 =	sshrl.u32 s18, $0x2;
	[dreg:$0xa] =	wrdreg s12;
	s17 =	smul.u32 $0x4E20, s24  }
0x23: {  	s21 =	sadd.s32 s22, s3;
	s22 =	sadd.s32 s23, s3;
	[dreg:$0xb] =	wrdreg s16  }
0x24: {  	s13 =	simm.s32 $0x3;
	[dreg:$0xc] =	wrdreg s2;
	s0 =	sadd.s32 s0, s17  }
0x25: {  	s20 =	sadd.s32 s20, s3;
	s12 =	simm.s32 $0x180;
	s2 =	sadd.s32 $0x50, s0  }
.Ltmp0:
0x26: {  	s24 =	sadd.s32 $0xA0, s0;
	s0 =	sshrl.u32 s0, $0x3;
	(pc) =	sbr.rel .LBB2_1-.Ltmp0, $4  }
0x27: {  	s2 =	sshrl.u32 s2, $0x3;
	s6 =	sshrl.u32 s24, $0x3;
	s0 =	sadd.s32 s0, s5  }
0x28: {  	s2 =	sadd.s32 s2, s5;
	s26 =	sadd.s32 s6, s5;
	[dreg:$0xf] =	wrdreg s0  }
0x29: {  	s0 =	simm.s32 $0x100;
	s6 =	simm.s32 $0x2;
	[dreg:$0xd] =	wrdreg s2  }
0x2a: {  	v0 =	vimm.f32 $1.000000000e+00;
	v1 =	vimm.f32 $0.0e+00;
	[dreg:$0xe] =	wrdreg s26;
	s26 =	simm.s32 $0x2A00;
	s2 =	simm.s32 $0x6  }
.LBB2_15:
0x2b: {  	s7 =	stileid.u32  }
0x2c: {  	[bflag:$0x0] =	sbarrier.arrive $0xFFFF;
	s7 =	sshll.u32 s7, $0x6  }
0x2d: {  	s15 =	sshrl.u32 s8, $0x3;
	s17 =	rddreg [dreg:$0x5];
	s7 =	sor.u32 $0x1C05, s7  }
0x2e: {  	[hbm:s17], [sflag:s7] =	dma.local [spmem:s15], $0x500  }
0x2f: {  	_ =	swait.ge [sflag:s28], $0x500  }
0x30: {  	[sflag:s28] =	ssyncset.done $0x0;
	s18 =	rddreg [dreg:$0x4]  }
0x31: {  	s24 =	rddreg [dreg:$0x6];
	[sflag:s28] =	ssyncadd.s32 $0xFFFFFB00;
	s23 =	sshrl.u32 s18, $0x3  }
0x32: {  	[hbm:s24], [sflag:s7] =	dma.local [spmem:s23], $0x500  }
0x33: {  	_ =	swait.ge [sflag:s28], $0x500  }
0x34: {  	s25 =	smov.u32 s8;
	[sflag:s28] =	ssyncset.done $0x0  }
0x35: {  	s8 =	sshrl.u32 s9, $0x3;
	s16 =	rddreg [dreg:$0x7];
	[sflag:s28] =	ssyncadd.s32 $0xFFFFFB00  }
0x36: {  	[hbm:s16], [sflag:s7] =	dma.local [spmem:s8], $0x500  }
0x37: {  	_ =	swait.ge [sflag:s28], $0x500  }
0x38: {  	[sflag:s28] =	ssyncset.done $0x0  }
0x39: {  	s17 =	sshrl.u32 s10, $0x3;
	s18 =	rddreg [dreg:$0x8];
	[sflag:s28] =	ssyncadd.s32 $0xFFFFFB00  }
0x3a: {  	[hbm:s18], [sflag:s7] =	dma.local [spmem:s17], $0x500  }
0x3b: {  	_ =	swait.ge [sflag:s28], $0x500  }
0x3c: {  	[sflag:s28] =	ssyncset.done $0x0  }
0x3d: {  	s23 =	sshrl.u32 s19, $0x3;
	s24 =	rddreg [dreg:$0x9];
	[sflag:s28] =	ssyncadd.s32 $0xFFFFFB00  }
0x3e: {  	[hbm:s24], [sflag:s7] =	dma.local [spmem:s23], $0x500  }
0x3f: {  	_ =	swait.ge [sflag:s28], $0x500  }
0x40: {  	[sflag:s28] =	ssyncset.done $0x0  }
0x41: {  	s16 =	sshrl.u32 s20, $0x3;
	s17 =	rddreg [dreg:$0xa];
	[sflag:s28] =	ssyncadd.s32 $0xFFFFFB00  }
0x42: {  	[hbm:s17], [sflag:s7] =	dma.local [spmem:s16], $0x500  }
0x43: {  	_ =	swait.ge [sflag:s28], $0x500  }
0x44: {  	[sflag:s28] =	ssyncset.done $0x0  }
0x45: {  	s18 =	sshrl.u32 s21, $0x3;
	s23 =	rddreg [dreg:$0xb];
	[sflag:s28] =	ssyncadd.s32 $0xFFFFFB00  }
0x46: {  	[hbm:s23], [sflag:s7] =	dma.local [spmem:s18], $0x500  }
0x47: {  	_ =	swait.ge [sflag:s28], $0x500  }
0x48: {  	[sflag:s28] =	ssyncset.done $0x0  }
0x49: {  	s15 =	sshrl.u32 @!p0 s22, $0x3;
	s8 =	rddreg [dreg:$0xc];
	[sflag:s28] =	ssyncadd.s32 $0xFFFFFB00  }
0x4a: {  	[hbm:s8], [sflag:s7] =	dma.local @!p0 [spmem:s15], $0x500  }
0x4b: {  	s7 =	simm.s32 @!p0 $0x5  }
0x4c: {  	_ =	swait.ge @!p0 [sflag:s7], $0x500  }
0x4d: {  	s14 =	sadd.s32 $0x1, s14;
	s24 =	rddreg [dreg:$0x3]  }
0x4e: {  	p1 =	sne.s32 s14, s24  }
.Ltmp1:
0x4f: {  	_ = 	snop;
	(pc) =	sbr.rel @!p1 .LBB2_16-.Ltmp1, $3  }
0x50: {  	_ =	sdelay $0x1  }
0x51: {  	[sflag:s7] =	ssyncset.done @!p0 $0x0  }
0x52: {  	[sflag:s7] =	ssyncadd.s32 @!p0 $0xFFFFFB00  }
.LBB2_1:
0x53: {  	s15 =	simm.s32 $0x0  }
.LBB2_2:
0x54: {  	p1 =	sne.s32 s15, $0x9E00  }
.Ltmp2:
0x55: {  	_ = 	snop;
	(pc) =	sbr.rel @p1 .LBB2_2-.Ltmp2, $3  }
0x56: {  	_ =	sdelay $0x1  }
0x57: {  	s16 =	sshra.s32 s15, $0x2  }
0x58: {  	s15 =	sadd.s32 $0x200, s15;
	[tilespmem:s16+$0x200] =	vst v0  }
0x59: {  	s15 =	simm.s32 $0x200;
	s16 =	simm.s32 $0x0  }
.LBB2_4:
0x5a: {  	p1 =	sne.s32 s15, $0x9E00;
	[tilespmem:s16+$0x2A00] =	vst v1;
	s16 =	smov.u32 s15;
	s15 =	sadd.s32 $0x200, s15  }
.Ltmp3:
0x5b: {  	(pc) =	sbr.rel @p1 .LBB2_4-.Ltmp3, $2  }
0x5c: {  	_ =	sdelay $0x2  }
0x5d: {  	s16 =	sshra.s32 s16, $0x2  }
0x5e: {  	[tilespmem:s16+$0x2A00] =	vst v1  }
0x5f: {  	[spmem:s25] =	stream.linear.scatter [tilespmem:s26], [sflag:$0x5], $0x2800, $0x38;
	[tilespmem:$0x7910] =	vst v63  }
0x60: {  	_ =	swait.ge [sflag:s28], $0x2800  }
0x61: {  	[sflag:s28] =	ssyncset.done $0x0  }
0x62: {  	s7 =	rddreg [dreg:$0x4];
	[sflag:s28] =	ssyncadd.s32 $0xFFFFD800  }
0x63: {  	[spmem:s7] =	stream.linear.scatter [tilespmem:s26], [sflag:$0x5], $0x2800, $0x38;
	[tilespmem:$0x7910] =	vst v63  }
0x64: {  	_ =	swait.ge [sflag:s28], $0x2800  }
0x65: {  	[sflag:s28] =	ssyncset.done $0x0  }
0x66: {  	[sflag:s28] =	ssyncadd.s32 $0xFFFFD800  }
0x67: {  	[spmem:s9] =	stream.linear.scatter [tilespmem:s26], [sflag:$0x5], $0x2800, $0x38;
	[tilespmem:$0x7910] =	vst v63  }
0x68: {  	_ =	swait.ge [sflag:s28], $0x2800  }
0x69: {  	[sflag:s28] =	ssyncset.done $0x0  }
0x6a: {  	[sflag:s28] =	ssyncadd.s32 $0xFFFFD800  }
0x6b: {  	[spmem:s10] =	stream.linear.scatter [tilespmem:s26], [sflag:$0x5], $0x2800, $0x38;
	[tilespmem:$0x7910] =	vst v63  }
0x6c: {  	_ =	swait.ge [sflag:s28], $0x2800  }
0x6d: {  	[sflag:s28] =	ssyncset.done $0x0  }
0x6e: {  	[sflag:s28] =	ssyncadd.s32 $0xFFFFD800  }
0x6f: {  	[spmem:s19] =	stream.linear.scatter [tilespmem:s26], [sflag:$0x5], $0x2800, $0x38;
	[tilespmem:$0x7910] =	vst v63  }
0x70: {  	_ =	swait.ge [sflag:s28], $0x2800  }
0x71: {  	[sflag:s28] =	ssyncset.done $0x0  }
0x72: {  	[sflag:s28] =	ssyncadd.s32 $0xFFFFD800  }
0x73: {  	[spmem:s20] =	stream.linear.scatter [tilespmem:s26], [sflag:$0x5], $0x2800, $0x38;
	[tilespmem:$0x7910] =	vst v63  }
0x74: {  	_ =	swait.ge [sflag:s28], $0x2800  }
0x75: {  	[sflag:s28] =	ssyncset.done $0x0  }
0x76: {  	[sflag:s28] =	ssyncadd.s32 $0xFFFFD800  }
0x77: {  	[spmem:s21] =	stream.linear.scatter [tilespmem:s26], [sflag:$0x5], $0x2800, $0x38;
	[tilespmem:$0x7910] =	vst v63  }
0x78: {  	_ =	swait.ge [sflag:s28], $0x2800  }
0x79: {  	[sflag:s28] =	ssyncset.done $0x0  }
0x7a: {  	s15 =	simm.s32 @!p0 $0x2A00;
	[sflag:s28] =	ssyncadd.s32 $0xFFFFD800  }
0x7b: {  	[spmem:s22] =	stream.linear.scatter @!p0 [tilespmem:s15], [sflag:$0x5], $0x2800, $0x38;
	[tilespmem:$0x7910] =	vst v63  }
0x7c: {  	s15 =	simm.s32 @!p0 $0x5  }
0x7d: {  	_ =	swait.ge @!p0 [sflag:s15], $0x2800  }
0x7e: {  	[sflag:s15] =	ssyncset.done @!p0 $0x0  }
.Ltmp4:
0x7f: {  	[sflag:s15] =	ssyncadd.s32 @!p0 $0xFFFFD800;
	(pc) =	sbr.rel .LBB2_6-.Ltmp4, $4  }
0x80: {  	[bflag:$0x0] =	sbarrier.arrive $0xFFFF  }
0x81: {  	s8 =	smov.u32 s25;
	s25 =	rddreg [dreg:$0xf]  }
0x82: {  	s24 =	rddreg [dreg:$0xe]  }
0x83: {  	s16 =	simm.s32 $0xFFFFFFFF;
	s15 =	simm.s32 $0x0;
	s23 =	rddreg [dreg:$0xd]  }
.LBB2_13:
0x84: {  	_ =	swait.ge [sflag:s13], $0x50  }
0x85: {  	[sflag:s13] =	ssyncset.done $0x0  }
0x86: {  	[sflag:s13] =	ssyncadd.s32 $0xFFFFFFB0  }
0x87: {  	[spmem:s3] =	stream.indirect.scatter.add.f32 [tilespmem:s31], [sflag:$0x5], $0x10, s0, s30, $0xb8;
	[tilespmem:$0x7910] =	vst v63  }
0x88: {  	_ =	swait.ge [sflag:s28], $0x500  }
0x89: {  	[sflag:s28] =	ssyncset.done $0x0  }
0x8a: {  	[sflag:s28] =	ssyncadd.s32 $0xFFFFFB00  }
.LBB2_14:
0x8b: {  	s16 =	sadd.s32 $0x4, s16  }
0x8c: {  	p1 =	sne.s32 s16, $0x7F  }
.Ltmp5:
0x8d: {  	_ = 	snop;
	(pc) =	sbr.rel @!p1 .LBB2_15-.Ltmp5, $3  }
0x8e: {  	_ =	sdelay $0x1  }
0x8f: {  	s15 =	sadd.s32 $0x1, s15  }
0x90: {  	s23 =	sadd.s32 $0x28, s23;
	s24 =	sadd.s32 $0x28, s24;
	s25 =	sadd.s32 $0x28, s25  }
.LBB2_6:
0x91: {  	[tilespmem:s4], [sflag:$0x1] =	stream.linear.gather [hbm4b:s25+s4], $0x50, $0x38;
	[tilespmem:$0x7910] =	vst v63  }
0x92: {  	p1 =	sgt.u32 s16, $0x7C  }
0x93: {  	s17 =	simm.s32 @!p1 $0x4  }
0x94: {  	_ =	swait.ge @!p1 [sflag:s17], $0x50  }
0x95: {  	s18 =	simm.s32 @!p1 $0x180;
	[sflag:s17] =	ssyncset.done @!p1 $0x0  }
0x96: {  	s7 =	simm.s32 @!p1 $0x200;
	[sflag:s17] =	ssyncadd.s32 @!p1 $0xFFFFFFB0;
	s17 =	simm.s32 @!p1 $0x50  }
0x97: {  	[spmem:s3] =	stream.indirect.scatter.add.f32 @!p1 [tilespmem:s7], [sflag:$0x6], $0x10, s18, s17, $0xb8;
	[tilespmem:$0x7910] =	vst v63  }
0x98: {  	s7 =	simm.s32 @!p1 $0x6  }
0x99: {  	s18 =	sadd.s32 $0x2, s16;
	_ =	swait.ge @!p1 [sflag:s7], $0x500  }
0x9a: {  	p2 =	sgt.u32 s18, $0x7C;
	[sflag:s7] =	ssyncset.done @!p1 $0x0  }
0x9b: {  	s17 =	simm.s32 @!p2 $0x80;
	[sflag:s7] =	ssyncadd.s32 @!p1 $0xFFFFFB00;
	s7 =	simm.s32 @!p2 $0x0  }
0x9c: {  	[tilespmem:s17], [sflag:$0x2] =	stream.linear.gather @!p2 [hbm4b:s23+s7], $0x50, $0x38;
	[tilespmem:$0x7910] =	vst v63  }
0x9d: {  	s18 =	sadd.s32 $0x3, s16;
	_ =	swait.ge [sflag:s29], $0x50  }
0x9e: {  	p1 =	sgt.u32 s18, $0x7C;
	[sflag:s29] =	ssyncset.done $0x0  }
.Ltmp6:
0x9f: {  	[sflag:s29] =	ssyncadd.s32 $0xFFFFFFB0;
	(pc) =	sbr.rel @p1 .LBB2_8-.Ltmp6, $4  }
0xa0: {  	[spmem:s3] =	stream.indirect.scatter.add.f32 [tilespmem:s31], [sflag:$0x6], $0x10, s4, s30, $0xb8;
	[tilespmem:$0x7910] =	vst v63  }
0xa1: {  	_ =	swait.ge [sflag:s2], $0x500  }
0xa2: {  	[sflag:s2] =	ssyncset.done $0x0  }
0xa3: {  	[sflag:s2] =	ssyncadd.s32 $0xFFFFFB00  }
.Ltmp7:
0xa4: {  	(pc) =	sbr.rel .LBB2_9-.Ltmp7, $2  }
0xa5: {  	_ =	sdelay $0x2  }
0xa6: {  	[tilespmem:s0], [sflag:$0x3] =	stream.linear.gather [hbm4b:s24+s4], $0x50, $0x38;
	[tilespmem:$0x7910] =	vst v63  }
.LBB2_8:
.Ltmp8:
0xa7: {  	(pc) =	sbr.rel @p2 .LBB2_11-.Ltmp8, $1  }
0xa8: {  	_ =	sdelay $0x3  }
.LBB2_9:
0xa9: {  	_ =	swait.ge [sflag:s6], $0x50;
	s17 =	sadd.s32 $0x4, s16  }
0xaa: {  	[sflag:s6] =	ssyncset.done $0x0;
	p2 =	slt.u32 s17, $0x7D  }
.Ltmp9:
0xab: {  	[sflag:s6] =	ssyncadd.s32 $0xFFFFFFB0;
	(pc) =	sbr.rel @p2 .LBB2_12-.Ltmp9, $4  }
0xac: {  	[spmem:s3] =	stream.indirect.scatter.add.f32 [tilespmem:s31], [sflag:$0x6], $0x10, s11, s30, $0xb8;
	[tilespmem:$0x7910] =	vst v63  }
0xad: {  	_ =	swait.ge [sflag:s2], $0x500  }
0xae: {  	[sflag:s2] =	ssyncset.done $0x0  }
0xaf: {  	[sflag:s2] =	ssyncadd.s32 $0xFFFFFB00  }
.Ltmp10:
0xb0: {  	(pc) =	sbr.rel @p1 .LBB2_14-.Ltmp10, $4  }
.Ltmp11:
0xb1: {  	(pc) =	sbr.rel @!p1 .LBB2_13-.Ltmp11, $4  }
0xb2: {  	_ = 	snop  }
0xb3: {  	_ = 	snop  }
0xb4: {  	_ = 	snop  }
0xb5: {  	_ = 	snop  }
.LBB2_11:
0xb6: {  	p1 =	sgt.u32 s15, $0x1E  }
.Ltmp12:
0xb7: {  	_ = 	snop;
	(pc) =	sbr.rel @p1 .LBB2_14-.Ltmp12, $2  }
0xb8: {  	_ =	sdelay $0x2  }
0xb9: {  	s17 =	simm.s32 $0x7C  }
.LBB2_12:
0xba: {  	s7 =	smul.u32 $0x50, s17;
	p1 =	slt.u32 s18, $0x7D  }
.Ltmp13:
0xbb: {  	_ = 	snop;
	(pc) =	sbr.rel @!p1 .LBB2_14-.Ltmp13, $4  }
.Ltmp14:
0xbc: {  	s7 =	sadd.s32 s1, s7;
	(pc) =	sbr.rel @p1 .LBB2_13-.Ltmp14, $4  }
0xbd: {  	s7 =	sshrl.u32 s7, $0x3  }
0xbe: {  	s7 =	sadd.s32 s5, s7  }
0xbf: {  	[tilespmem:s12], [sflag:$0x4] =	stream.linear.gather [hbm4b:s7+s4], $0x50, $0x38;
	[tilespmem:$0x7910] =	vst v63  }
0xc0: {  	_ = 	snop  }
.LBB2_16:
0xc1: {  	_ =	sfence.sel $0x180000  }
0xc2: {  	[bflag:$0x0] =	sbarrier.arrive $0xFFFF  }
0xc3: {  	_ =	strace $0x90000047  }
0xc4: {  	s0 =	stileid.u32;
	[bflag:$0x2] =	sbarrier.arrive $0xFFFF  }
0xc5: {  	p0 =	sne.s32 s0, $0x0;
	s0 =	rddreg [dreg:$0x2]  }
0xc6: {  	s0 =	sadd.s32 @!p0 $0x100000, s0  }
0xc7: {  	[sflag:s0] =	ssyncadd.tile.s32 @!p0 $0x1;
	_ =	shalt  }
.Lfunc_end2:
_tile_overlayer_lowered:
.L_overlay_start_2:
0xc8: {  	(tag) =	ssettag $0x2  }
0xc9: {  	s0 =	rddreg [dreg:$0x0];
	s2 =	stileid.u32  }
0xca: {  	s1 =	rddreg [dreg:$0x1];
	p0 =	sne.s32 s2, $0x0  }
0xcb: {  	s3 =	rddreg [dreg:$0x2];
	[bflag:$0x3] =	sbarrier.arrive $0xFFFF;
	s2 =	simm.s32 @!p0 $0x1C05  }
0xcc: {  	[timem:s3], [sflag:s2] =	dma.local @!p0 [hbm:s0], s1  }
0xcd: {  	s0 =	simm.s32 @!p0 $0x5  }
0xce: {  	_ =	swait.ge @!p0 [sflag:s0], s1  }
0xcf: {  	s1 =	ssub.s32 @!p0 $0x0, s1;
	[sflag:s0] =	ssyncset.done @!p0 $0x0  }
0xd0: {  	[sflag:s0] =	ssyncadd.s32 @!p0 s1  }
0xd1: {  	[bflag:$0x3] =	sbarrier.arrive $0xFFFF  }
0xd2: {  	_ =	shalt  }

// kernel: kernel.13.cloned.1.call-start
scs
__scs_entry_jumppad:
0x0: {  	(pc) =	sbr.rel $0x88, $3  }
0x1: {  	(tag) =	ssettag $0x0;
	lr =	simm.s32 $0x1  }
0x2: {  	[smem:$0x3F94] =	sst lr;
	_ =	strace $0xD0000000  }
0x3: {  	_ = 	snop  }
0x4: {  	_ = 	snop  }
0x5: {  	_ = 	snop  }
0x6: {  	_ = 	snop  }
0x7: {  	_ = 	snop  }
__scs_overlays_trampoline_lowered:
0x8: {  	[smem:$0x3FA3] =	sst s0  }
0x9: {  	[smem:$0x3FA4] =	sst s1  }
0xa: {  	[smem:$0x3FA5] =	sst s2  }
0xb: {  	[smem:$0x3FA6] =	sst s3  }
0xc: {  	[smem:$0x3FA7] =	sst s4  }
0xd: {  	[smem:$0x3FA8] =	sst s5  }
0xe: {  	[smem:$0x3FA9] =	sst s6  }
0xf: {  	[smem:$0x3FAA] =	sst s7  }
0x10: {  	[smem:$0x3FAB] =	sst s8  }
0x11: {  	[smem:$0x3FAC] =	sst s9;
	s0 =	simm.s32 @!p0 $0x0  }
0x12: {  	s1 =	sld [smem:$0x3F92];
	s0 =	simm.s32 @p0 $0x1  }
0x13: {  	[smem:$0x3FAD] =	sst s0;
	s0 =	simm.s32 @!p1 $0x0  }
0x14: {  	s2 =	sld [smem:$0x3F91];
	s0 =	simm.s32 @p1 $0x1  }
0x15: {  	[smem:$0x3FAE] =	sst s0;
	s0 =	simm.s32 @!p2 $0x0  }
0x16: {  	s3 =	sld [smem:$0x3FDB];
	s0 =	simm.s32 @p2 $0x1  }
0x17: {  	s4 =	simm.s32 $0x1BF5;
	[smem:$0x3FB0] =	sst s0  }
0x18: {  	s0 =	sld [smem:$0x3F93];
	_ =	swait.ge [sflag:s4], $0x0  }
0x19: {  	s7 =	sld [smem:$0x3F94]  }
0x1a: {  	s8 =	sadd.s32 $0xFFFFE003, lr  }
0x1b: {  	s9 =	sadd.s32 $0xFFFFFEF7, lr;
	s5 =	simm.s32 $0xFFFFFFFF;
	p2 =	slt.u32 s8, $0xFFFFF086  }
0x1c: {  	p1 =	slt.u32 s9, $0xF7A;
	s5 =	simm.s32 @!p2 $0x0  }
0x1d: {  	s5 =	simm.s32 @p1 $0x1;
	p0 =	seq.s32 s7, s2  }
0x1e: {  	s7 =	smul.u32 @!p0 $0xF7A, s2;
	p2 =	seq.s32 @!p0 s5, $0x0  }
0x1f: {  	s9 =	smul.u32 $0xF7A, s1;
	s8 =	simm.s32 @!p0 $0x1BF5;
	p2 =	por !p2, p0  }
0x20: {  	[sflag:s8] =	ssyncset.s32 @!p0 $0xFFFFF086;
	s6 =	sadd.s32 @!p0 s3, s7;
	s7 =	simm.s32 @!p0 $0x108  }
0x21: {  	s3 =	sadd.s32 s3, s9;
	s6 =	sadd.s32 @!p0 $0x88, s6;
	s7 =	simm.s32 @p2 $0x1082  }
0x22: {  	[simem:s7], [sflag:s8] =	dma.local @!p0 [hbm:s6], $0xF7A  }
0x23: {  	s9 =	sor.u32 $0xD0000000, s2;
	s6 =	simm.s32 $0x108;
	_ =	swait.ge @!p0 [sflag:s8], $0x0  }
0x24: {  	s3 =	sadd.s32 $0x88, s3;
	s6 =	simm.s32 @!p1 $0x1082;
	[sflag:s4] =	ssyncset.s32 $0xFFFFF086  }
0x25: {  	[simem:s6], [sflag:s4] =	dma.local [hbm:s3], $0xF7A  }
0x26: {  	[smem:$0x3F94] =	sst s1;
	(tag) =	ssettag s2;
	_ =	strace s9  }
0x27: {  	s1 =	sld [smem:$0x3FA4]  }
0x28: {  	s2 =	sld [smem:$0x3FA5]  }
0x29: {  	s4 =	sld [smem:$0x3FA7]  }
0x2a: {  	p0 =	seq.s32 s5, $0x0;
	s5 =	sld [smem:$0x3FA8]  }
0x2b: {  	s6 =	sld [smem:$0x3FA9]  }
0x2c: {  	s7 =	sld [smem:$0x3FAA]  }
0x2d: {  	s3 =	simm.s32 $0x108;
	s8 =	sld [smem:$0x3FAB]  }
0x2e: {  	s3 =	simm.s32 @!p0 $0x1082;
	s9 =	sld [smem:$0x3FAC]  }
0x2f: {  	lr =	sadd.s32 s0, s3;
	s0 =	sld [smem:$0x3FA3]  }
0x30: {  	s3 =	sld [smem:$0x3FA6]  }
0x31: {  	[smem:$0x3FAF] =	sst s10  }
0x32: {  	s10 =	sld [smem:$0x3FAD];
	_ =	sdelay $0x3  }
0x33: {  	p0 =	seq.s32 s10, $0x1;
	s10 =	sld [smem:$0x3FAF];
	_ =	sdelay $0x3  }
0x34: {  	[smem:$0x3FAF] =	sst s10  }
0x35: {  	s10 =	sld [smem:$0x3FAE];
	_ =	sdelay $0x3  }
0x36: {  	p1 =	seq.s32 s10, $0x1;
	s10 =	sld [smem:$0x3FAF];
	_ =	sdelay $0x3  }
0x37: {  	[smem:$0x3FAF] =	sst s10  }
0x38: {  	s10 =	sld [smem:$0x3FB0]  }
0x39: {  	_ = 	snop;
	(pc) =	sbr.ind lr, $3  }
0x3a: {  	_ = 	snop  }
0x3b: {  	_ = 	snop  }
0x3c: {  	p2 =	seq.s32 s10, $0x1;
	s10 =	sld [smem:$0x3FAF]  }
0x3d: {  	_ =	shalt  }
0x3e: {  	_ =	shalt  }
0x3f: {  	_ =	shalt  }
0x40: {  	_ =	shalt  }
0x41: {  	_ =	shalt  }
0x42: {  	_ =	shalt  }
0x43: {  	_ =	shalt  }
0x44: {  	_ =	shalt  }
0x45: {  	_ =	shalt  }
0x46: {  	_ =	shalt  }
0x47: {  	_ =	shalt  }
0x48: {  	_ =	shalt  }
0x49: {  	_ =	shalt  }
0x4a: {  	_ =	shalt  }
0x4b: {  	_ =	shalt  }
0x4c: {  	_ =	shalt  }
0x4d: {  	_ =	shalt  }
0x4e: {  	_ =	shalt  }
0x4f: {  	_ =	shalt  }
0x50: {  	_ =	shalt  }
0x51: {  	_ =	shalt  }
0x52: {  	_ =	shalt  }
0x53: {  	_ =	shalt  }
0x54: {  	_ =	shalt  }
0x55: {  	_ =	shalt  }
0x56: {  	_ =	shalt  }
0x57: {  	_ =	shalt  }
0x58: {  	_ =	shalt  }
0x59: {  	_ =	shalt  }
0x5a: {  	_ =	shalt  }
0x5b: {  	_ =	shalt  }
0x5c: {  	_ =	shalt  }
0x5d: {  	_ =	shalt  }
0x5e: {  	_ =	shalt  }
0x5f: {  	_ =	shalt  }
0x60: {  	_ =	shalt  }
0x61: {  	_ =	shalt  }
0x62: {  	_ =	shalt  }
0x63: {  	_ =	shalt  }
0x64: {  	_ =	shalt  }
0x65: {  	_ =	shalt  }
0x66: {  	_ =	shalt  }
0x67: {  	_ =	shalt  }
0x68: {  	_ =	shalt  }
0x69: {  	_ =	shalt  }
0x6a: {  	_ =	shalt  }
0x6b: {  	_ =	shalt  }
0x6c: {  	_ =	shalt  }
0x6d: {  	_ =	shalt  }
0x6e: {  	_ =	shalt  }
0x6f: {  	_ =	shalt  }
0x70: {  	_ =	shalt  }
0x71: {  	_ =	shalt  }
0x72: {  	_ =	shalt  }
0x73: {  	_ =	shalt  }
0x74: {  	_ =	shalt  }
0x75: {  	_ =	shalt  }
0x76: {  	_ =	shalt  }
0x77: {  	_ =	shalt  }
0x78: {  	_ =	shalt  }
0x79: {  	_ =	shalt  }
0x7a: {  	_ =	shalt  }
0x7b: {  	_ =	shalt  }
0x7c: {  	_ =	shalt  }
0x7d: {  	_ =	shalt  }
0x7e: {  	_ =	shalt  }
0x7f: {  	_ =	shalt  }
0x80: {  	_ =	shalt  }
0x81: {  	_ =	shalt  }
0x82: {  	_ =	shalt  }
0x83: {  	_ =	shalt  }
0x84: {  	_ =	shalt  }
0x85: {  	_ =	shalt  }
0x86: {  	_ =	shalt  }
0x87: {  	_ =	shalt  }
.Lfunc_end0:
.L_simem_size_0:
called_computation.1_lowered:
.L_overlay_start_0:
0x88: {  	s2 =	sld [smem:$0x3FD9]  }
0x89: {  	s3 =	sld [smem:$0x3FFE];
	_ =	sdelay $0x1  }
0x8a: {  	s1 =	srdreg.scid  }
0x8b: {  	s0 =	sand.u32 $0x1, s1  }
0x8c: {  	s16 =	sshll.u32 s0, $0xA;
	s2 =	sadd.s32 s3, s2  }
0x8d: {  	s2 =	sadd.s32 s2, s16  }
0x8e: {  	[smem:$0x3FBB] =	sst s2  }
0x8f: {  	_ = 	snop  }
0x90: {  	(tm) =	ssettm $0x1  }
0x91: {  	s17 =	sld [smem:$0x3FFB];
	_ =	sdelay $0x3  }
0x92: {  	_ =	strace s17  }
0x93: {  	s2 =	sld [smem:$0x3FFC];
	_ =	sdelay $0x3  }
0x94: {  	_ =	strace s2  }
0x95: {  	s2 =	sld [smem:$0x3FFD];
	_ =	sdelay $0x3  }
0x96: {  	_ =	strace s2  }
0x97: {  	_ =	strace $0x8FFFFFFF  }
0x98: {  	s18 =	sld [smem:$0x3FDB];
	_ =	sdelay $0x1  }
0x99: {  	s19 =	simm.s32 $_scs_section_size  }
0x9a: {  	s4 =	simm.s32 $_size__tile_overlayer_lowered;
	s5 =	simm.s32 $_tile_overlayer_lowered  }
0x9b: {  	s22 =	simm.s32 $0x1BFF;
	s21 =	sshll.u32 s5, $0x1;
	s2 =	sadd.s32 s19, s18  }
0x9c: {  	s6 =	simm.s32 $0x0;
	s20 =	sshll.u32 s4, $0x1;
	s4 =	sadd.s32 s21, s2  }
0x9d: {  	[timem:s6], [sflag:s22] =	dma.local [hbm:s4], s20  }
0x9e: {  	_ =	swait.ge [sflag:s22], s20  }
0x9f: {  	s3 =	ssub.s32 $0x0, s20;
	[sflag:s22] =	ssyncset.done $0x0  }
0xa0: {  	[sflag:s22] =	ssyncadd.s32 s3;
	_ =	sdelay $0x1  }
0xa1: {  	s23 =	simm.s32 $0x1B8B  }
0xa2: {  	_ =	swait.ge [sflag:s23], $0x1  }
0xa3: {  	[sflag:s23] =	ssyncset.done $0x0  }
0xa4: {  	s25 =	simm.s32 $0x1B8E;
	s24 =	sld [smem:$0x3FFE];
	[sflag:s23] =	ssyncadd.s32 $0xFFFFFFFF  }
0xa5: {  	s26 =	simm.s32 $execute0_lowered;
	[smem:$0x3FD2] =	sst s25  }
0xa6: {  	s4 =	sshll.u32 s26, $0x1;
	_ =	strace $0x80000049;
	[dreg:$0x1] =	wrdreg $0xFFFFFFFF  }
0xa7: {  	s28 =	simm.s32 $_size_execute0_lowered;
	s2 =	sadd.s32 s2, s4;
	[dreg:$0x0] =	wrdreg $0x0  }
0xa8: {  	s4 =	sshll.u32 s28, $0x1;
	[dreg:$0x2] =	wrdreg s2  }
0xa9: {  	[dreg:$0x3] =	wrdreg s4  }
0xaa: {  	[dreg:$0x4] =	wrdreg $0xC0  }
0xab: {  	_ =	task [dreg:s6], $0x5FFFF  }
0xac: {  	[dreg:$0x1] =	wrdreg $0xFFFFFFFF  }
0xad: {  	[dreg:$0x0] =	wrdreg $0x60  }
0xae: {  	[dreg:$0x2] =	wrdreg s24  }
0xaf: {  	[dreg:$0x3] =	wrdreg $0xA4000  }
0xb0: {  	[dreg:$0x4] =	wrdreg $0x9  }
0xb1: {  	_ =	task.clear_ibuf [dreg:s6], $0x5FFFF;
	_ =	strace $0x90000049  }
0xb2: {  	s29 =	simm.s32 $0x9;
	_ =	strace $0x8000004B  }
0xb3: {  	_ =	swait.ge [sflag:s29], $0x1  }
0xb4: {  	[sflag:s29] =	ssyncadd.s32 $0xFFFFFFFF  }
0xb5: {  	_ =	strace $0x9000004B  }
0xb6: {  	_ =	sfence  }
0xb7: {  	s30 =	sld [smem:$0x0];
	_ =	sdelay $0x2  }
0xb8: {  	s31 =	sshll.u32 s1, $0xD;
	s1 =	sshrl.u32 s1, $0x2  }
0xb9: {  	s3 =	sand.u32 $0x4000, s31;
	s1 =	sadd.s32 s1, s30  }
0xba: {  	s0 =	sor.u32 s3, s0;
	s1 =	sshll.u32 s1, $0x11  }
0xbb: {  	s0 =	sor.u32 s1, s0  }
0xbc: {  	s0 =	sadd.s32 $0x8F2B, s0  }
0xbd: {  	[sflag:s0] =	ssyncadd.remote.s32 $0x1  }
0xbe: {  	_ =	sfence.sel $0xFFFF  }
0xbf: {  	[dreg:$0x0] =	wrdreg $0xFFFFFFFF;
	(pc) =	sbr.abs _section_cstart, $3  }
0xc0: {  	[dreg:$0x1] =	wrdreg $0xFFFFFFFF  }
0xc1: {  	_ =	task.clear_ibuf [dreg:s6], $0x2FFFF;
	_ =	strace $0x9FFFFFFF  }
0xc2: {  	(tm) =	ssettm $0x7FFFFFFF  }
0xc3: {  	_ =	shalt  }
tec
execute0_lowered:
.L_overlay_start_1:
0x0: {  	(tag) =	ssettag $0x1  }
0x1: {  	s2 =	srdreg.scid;
	s20 =	stileid.u32  }
0x2: {  	s10 =	sand.u32 $0x1, s2;
	s13 =	smul.u32 $0x2800, s20  }
0x3: {  	s5 =	sor.u32 $0x10, s20;
	s11 =	smul.u32 $0x138800, s10  }
0x4: {  	s1 =	rddreg [dreg:$0x0];
	s0 =	simm.s32 $0x0;
	s4 =	smul.u32 $0xA000, s5  }
0x5: {  	s31 =	simm.s32 $0x400;
	s14 =	sor.u32 $0x20, s20;
	s15 =	smul.u32 $0x2800, s5  }
0x6: {  	s28 =	simm.s32 $0x5;
	s21 =	sor.u32 $0x30, s20;
	s16 =	smul.u32 $0x2800, s14  }
0x7: {  	[smem:$0x7FF] =	sst s0;
	s8 =	sor.u32 $0x40, s20;
	s17 =	smul.u32 $0x2800, s21  }
0x8: {  	s3 =	sadd.s32 $0x2E00, s1;
	s7 =	sadd.s32 $0xCC00, s1;
	s24 =	smul.u32 $0x2800, s8  }
0x9: {  	s2 =	ssub.s32 $0x2, s10;
	s5 =	sor.u32 $0x60, s20;
	s10 =	smul.u32 $0x2710, s10  }
0xa: {  	s12 =	sadd.s32 $0x3DC00, s1;
	s6 =	sshrl.u32 s2, $0x1;
	s18 =	smul.u32 $0x2800, s5  }
0xb: {  	s5 =	smul.u32 $0xA000, s5;
	s9 =	ssub.s32 s2, s6;
	s6 =	sor.u32 $0x50, s20  }
0xc: {  	s2 =	sor.u32 $0x70, s20;
	s13 =	sadd.s32 s11, s13;
	s15 =	sadd.s32 s11, s15  }
0xd: {  	s25 =	sadd.s32 s11, s16;
	s26 =	sadd.s32 s11, s17;
	s13 =	sshrl.u32 s13, $0x3  }
0xe: {  	s15 =	sshrl.u32 s15, $0x3;
	s29 =	smul.u32 $0x2800, s6;
	s16 =	sshrl.u32 s26, $0x3  }
0xf: {  	s22 =	smul.u32 $0x2800, s2;
	s26 =	sadd.s32 s11, s18;
	s13 =	sadd.s32 s12, s13  }
0x10: {  	p0 =	sgt.u32 s2, $0x7C;
	s23 =	sadd.s32 s12, s15;
	[dreg:$0x3] =	wrdreg s13  }
0x11: {  	s15 =	sshrl.u32 s25, $0x3;
	s19 =	sadd.s32 s12, s16;
	[dreg:$0x4] =	wrdreg s23  }
0x12: {  	s2 =	smul.u32 $0xA000, s2;
	s15 =	sadd.s32 s12, s15;
	[dreg:$0x6] =	wrdreg s19  }
0x13: {  	s13 =	sadd.s32 s11, s24;
	s23 =	sadd.s32 s11, s29;
	s24 =	smul.u32 $0x4E20, s20  }
0x14: {  	s11 =	sadd.s32 s11, s22;
	s2 =	sshrl.u32 s2, $0x2;
	s13 =	sshrl.u32 s13, $0x3  }
0x15: {  	[dreg:$0x5] =	wrdreg s15;
	s16 =	sshrl.u32 s23, $0x3;
	s13 =	sadd.s32 s12, s13  }
0x16: {  	s25 =	sadd.s32 s12, s16;
	s29 =	sadd.s32 s10, s24;
	s16 =	sshrl.u32 s11, $0x3  }
0x17: {  	s24 =	smul.u32 $0xA000, s20;
	s20 =	sadd.s32 $0x16A00, s1;
	[dreg:$0x7] =	wrdreg s13  }
0x18: {  	[dreg:$0x8] =	wrdreg s25;
	s13 =	sshrl.u32 s26, $0x3;
	s17 =	sadd.s32 $0x50, s29  }
0x19: {  	s10 =	sadd.s32 s12, s16;
	s18 =	sadd.s32 $0xA0, s29;
	s22 =	sadd.s32 $0xF0, s29  }
0x1a: {  	s25 =	smul.u32 $0xA000, s14;
	s26 =	smax.u32 s9, $0x1;
	s9 =	sshrl.u32 s4, $0x2  }
0x1b: {  	s14 =	smul.u32 $0xA000, s8;
	s8 =	simm.s32 $0x2C00;
	[dreg:$0xa] =	wrdreg s10  }
0x1c: {  	s13 =	sadd.s32 s12, s13;
	s19 =	sshrl.u32 s18, $0x3;
	s18 =	rddreg [dreg:$0x1]  }
0x1d: {  	s11 =	sshrl.u32 s17, $0x3;
	s23 =	sshrl.u32 s22, $0x3;
	[dreg:$0x9] =	wrdreg s13  }
0x1e: {  	s10 =	sadd.s32 s11, s7;
	s11 =	sadd.s32 s11, s3;
	s12 =	sadd.s32 s19, s7  }
0x1f: {  	s13 =	sadd.s32 s19, s3;
	s19 =	sshrl.u32 s29, $0x3;
	s15 =	sadd.s32 s23, s7  }
0x20: {  	s16 =	sadd.s32 s23, s3;
	s29 =	smul.u32 $0xA000, s21;
	s30 =	sadd.s32 s9, s18  }
0x21: {  	s1 =	sshrl.u32 s25, $0x2;
	s21 =	smul.u32 $0xA000, s6;
	s4 =	sshrl.u32 s14, $0x2  }
0x22: {  	s25 =	sshrl.u32 s5, $0x2;
	s14 =	simm.s32 $0x9;
	s6 =	simm.s32 $0x2  }
0x23: {  	s9 =	simm.s32 $0x8;
	s17 =	sadd.s32 s19, s7;
	s19 =	sadd.s32 s19, s3  }
0x24: {  	_ =	strace $0x8000004A;
	[dreg:$0xb] =	wrdreg s26;
	s3 =	sshrl.u32 s24, $0x2  }
0x25: {  	s1 =	sadd.s32 s1, s18;
	s23 =	sadd.s32 s4, s18;
	[dreg:$0xd] =	wrdreg s30  }
0x26: {  	s4 =	simm.s32 $0x100;
	s7 =	simm.s32 $0x80;
	[dreg:$0xe] =	wrdreg s1  }
0x27: {  	s26 =	sadd.s32 s3, s18;
	s22 =	sshrl.u32 s29, $0x2;
	[dreg:$0x10] =	wrdreg s23  }
0x28: {  	s24 =	sshrl.u32 s21, $0x2;
	s29 =	sadd.s32 s2, s18;
	s2 =	simm.s32 $0x1  }
.Ltmp0:
0x29: {  	s3 =	simm.s32 $0x50;
	[dreg:$0x13] =	wrdreg s29;
	(pc) =	sbr.rel .LBB2_1-.Ltmp0, $4  }
0x2a: {  	s21 =	simm.s32 $0x380;
	s1 =	sadd.s32 s22, s18;
	[dreg:$0xc] =	wrdreg s26  }
0x2b: {  	s23 =	simm.s32 $0xA;
	[dreg:$0xf] =	wrdreg s1;
	s1 =	sadd.s32 s24, s18  }
0x2c: {  	s24 =	simm.s32 $0x0;
	[dreg:$0x11] =	wrdreg s1;
	s1 =	sadd.s32 s25, s18  }
0x2d: {  	v0 =	vimm.f32 $0.0e+00;
	s25 =	simm.s32 $0x3;
	[dreg:$0x12] =	wrdreg s1;
	s1 =	simm.s32 $0x200  }
.LBB2_15:
0x2e: {  	s5 =	stileid.u32;
	[bflag:$0x0] =	sbarrier.arrive $0xFFFF  }
0x2f: {  	s5 =	sshll.u32 s5, $0x6;
	s26 =	rddreg [dreg:$0xc]  }
0x30: {  	s24 =	rddreg [dreg:$0x3];
	s5 =	sor.u32 $0x1C09, s5;
	s22 =	sshrl.u32 s26, $0x3  }
0x31: {  	[hbm:s24], [sflag:s5] =	dma.local [spmem:s22], $0x500  }
0x32: {  	_ =	swait.ge [sflag:s14], $0x500  }
0x33: {  	[sflag:s14] =	ssyncset.done $0x0;
	s30 =	rddreg [dreg:$0xd]  }
0x34: {  	s29 =	rddreg [dreg:$0x4];
	[sflag:s14] =	ssyncadd.s32 $0xFFFFFB00;
	s24 =	sshrl.u32 s30, $0x3  }
0x35: {  	[hbm:s29], [sflag:s5] =	dma.local [spmem:s24], $0x500  }
0x36: {  	_ =	swait.ge [sflag:s14], $0x500  }
0x37: {  	[sflag:s14] =	ssyncset.done $0x0;
	s24 =	rddreg [dreg:$0xe]  }
0x38: {  	s29 =	rddreg [dreg:$0x5];
	[sflag:s14] =	ssyncadd.s32 $0xFFFFFB00;
	s22 =	sshrl.u32 s24, $0x3  }
0x39: {  	[hbm:s29], [sflag:s5] =	dma.local [spmem:s22], $0x500  }
0x3a: {  	_ =	swait.ge [sflag:s14], $0x500  }
0x3b: {  	[sflag:s14] =	ssyncset.done $0x0;
	s24 =	rddreg [dreg:$0xf]  }
0x3c: {  	s29 =	rddreg [dreg:$0x6];
	[sflag:s14] =	ssyncadd.s32 $0xFFFFFB00;
	s22 =	sshrl.u32 s24, $0x3  }
0x3d: {  	[hbm:s29], [sflag:s5] =	dma.local [spmem:s22], $0x500  }
0x3e: {  	_ =	swait.ge [sflag:s14], $0x500  }
0x3f: {  	[sflag:s14] =	ssyncset.done $0x0;
	s24 =	rddreg [dreg:$0x10]  }
0x40: {  	s29 =	rddreg [dreg:$0x7];
	[sflag:s14] =	ssyncadd.s32 $0xFFFFFB00;
	s22 =	sshrl.u32 s24, $0x3  }
0x41: {  	[hbm:s29], [sflag:s5] =	dma.local [spmem:s22], $0x500  }
0x42: {  	_ =	swait.ge [sflag:s14], $0x500  }
0x43: {  	[sflag:s14] =	ssyncset.done $0x0;
	s24 =	rddreg [dreg:$0x11]  }
0x44: {  	s29 =	rddreg [dreg:$0x8];
	[sflag:s14] =	ssyncadd.s32 $0xFFFFFB00;
	s22 =	sshrl.u32 s24, $0x3  }
0x45: {  	[hbm:s29], [sflag:s5] =	dma.local [spmem:s22], $0x500  }
0x46: {  	_ =	swait.ge [sflag:s14], $0x500  }
0x47: {  	[sflag:s14] =	ssyncset.done $0x0;
	s24 =	rddreg [dreg:$0x12]  }
0x48: {  	s29 =	rddreg [dreg:$0x9];
	[sflag:s14] =	ssyncadd.s32 $0xFFFFFB00;
	s22 =	sshrl.u32 s24, $0x3  }
0x49: {  	[hbm:s29], [sflag:s5] =	dma.local [spmem:s22], $0x500  }
0x4a: {  	_ =	swait.ge [sflag:s14], $0x500  }
0x4b: {  	[sflag:s14] =	ssyncset.done $0x0;
	s22 =	rddreg [dreg:$0x13]  }
0x4c: {  	s24 =	rddreg [dreg:$0xa];
	[sflag:s14] =	ssyncadd.s32 $0xFFFFFB00;
	s22 =	sshrl.u32 @!p0 s22, $0x3  }
0x4d: {  	[hbm:s24], [sflag:s5] =	dma.local @!p0 [spmem:s22], $0x500  }
0x4e: {  	s5 =	simm.s32 @!p0 $0x9  }
0x4f: {  	_ =	swait.ge @!p0 [sflag:s5], $0x500  }
0x50: {  	s22 =	rddreg [dreg:$0x14]  }
0x51: {  	s29 =	rddreg [dreg:$0xb];
	s24 =	sadd.s32 $0x1, s22  }
0x52: {  	p1 =	sne.s32 s24, s29  }
.Ltmp1:
0x53: {  	_ = 	snop;
	(pc) =	sbr.rel @!p1 .LBB2_16-.Ltmp1, $3  }
0x54: {  	_ =	sdelay $0x1  }
0x55: {  	[sflag:s5] =	ssyncset.done @!p0 $0x0  }
0x56: {  	[sflag:s5] =	ssyncadd.s32 @!p0 $0xFFFFFB00  }
.LBB2_1:
0x57: {  	[dreg:$0x14] =	wrdreg s24;
	s24 =	simm.s32 $0x0;
	s29 =	simm.s32 $0x200  }
.LBB2_2:
0x58: {  	p1 =	sne.s32 s29, $0x9E00;
	[tilespmem:s24+$0x470] =	vst v0  }
0x59: {  	[tilespmem:s24+$0x400] =	vst v0  }
0x5a: {  	[tilespmem:s24+$0x410] =	vst v0  }
.Ltmp2:
0x5b: {  	[tilespmem:s24+$0x420] =	vst v0;
	(pc) =	sbr.rel @p1 .LBB2_2-.Ltmp2, $4  }
0x5c: {  	[tilespmem:s24+$0x430] =	vst v0  }
0x5d: {  	[tilespmem:s24+$0x440] =	vst v0  }
0x5e: {  	[tilespmem:s24+$0x450] =	vst v0  }
0x5f: {  	[tilespmem:s24+$0x460] =	vst v0;
	s24 =	sshra.s32 s29, $0x2;
	s29 =	sadd.s32 $0x200, s29  }
0x60: {  	[tilespmem:s24+$0x470] =	vst v0  }
0x61: {  	[tilespmem:s24+$0x400] =	vst v0  }
0x62: {  	[tilespmem:s24+$0x410] =	vst v0  }
0x63: {  	[tilespmem:s24+$0x420] =	vst v0  }
0x64: {  	[tilespmem:s24+$0x430] =	vst v0  }
0x65: {  	[tilespmem:s24+$0x440] =	vst v0  }
0x66: {  	[tilespmem:s24+$0x450] =	vst v0  }
0x67: {  	[tilespmem:s24+$0x460] =	vst v0  }
0x68: {  	[spmem:s26] =	stream.linear.scatter [tilespmem:s31], [sflag:$0x9], $0x2800, $0x38;
	[tilespmem:$0x1DC80] =	vst v63  }
0x69: {  	_ =	swait.ge [sflag:s14], $0x2800  }
0x6a: {  	[sflag:s14] =	ssyncset.done $0x0  }
0x6b: {  	[sflag:s14] =	ssyncadd.s32 $0xFFFFD800  }
0x6c: {  	[spmem:s30] =	stream.linear.scatter [tilespmem:s31], [sflag:$0x9], $0x2800, $0x38;
	[tilespmem:$0x1DC80] =	vst v63  }
0x6d: {  	_ =	swait.ge [sflag:s14], $0x2800  }
0x6e: {  	[sflag:s14] =	ssyncset.done $0x0  }
0x6f: {  	s5 =	rddreg [dreg:$0xe];
	[sflag:s14] =	ssyncadd.s32 $0xFFFFD800  }
0x70: {  	[spmem:s5] =	stream.linear.scatter [tilespmem:s31], [sflag:$0x9], $0x2800, $0x38;
	[tilespmem:$0x1DC80] =	vst v63  }
0x71: {  	_ =	swait.ge [sflag:s14], $0x2800  }
0x72: {  	[sflag:s14] =	ssyncset.done $0x0  }
0x73: {  	s22 =	rddreg [dreg:$0xf];
	[sflag:s14] =	ssyncadd.s32 $0xFFFFD800  }
0x74: {  	[spmem:s22] =	stream.linear.scatter [tilespmem:s31], [sflag:$0x9], $0x2800, $0x38;
	[tilespmem:$0x1DC80] =	vst v63  }
0x75: {  	_ =	swait.ge [sflag:s14], $0x2800  }
0x76: {  	[sflag:s14] =	ssyncset.done $0x0  }
0x77: {  	s24 =	rddreg [dreg:$0x10];
	[sflag:s14] =	ssyncadd.s32 $0xFFFFD800  }
0x78: {  	[spmem:s24] =	stream.linear.scatter [tilespmem:s31], [sflag:$0x9], $0x2800, $0x38;
	[tilespmem:$0x1DC80] =	vst v63  }
0x79: {  	_ =	swait.ge [sflag:s14], $0x2800  }
0x7a: {  	[sflag:s14] =	ssyncset.done $0x0  }
0x7b: {  	s26 =	rddreg [dreg:$0x11];
	[sflag:s14] =	ssyncadd.s32 $0xFFFFD800  }
0x7c: {  	[spmem:s26] =	stream.linear.scatter [tilespmem:s31], [sflag:$0x9], $0x2800, $0x38;
	[tilespmem:$0x1DC80] =	vst v63  }
0x7d: {  	_ =	swait.ge [sflag:s14], $0x2800  }
0x7e: {  	[sflag:s14] =	ssyncset.done $0x0  }
0x7f: {  	s29 =	rddreg [dreg:$0x12];
	[sflag:s14] =	ssyncadd.s32 $0xFFFFD800  }
0x80: {  	[spmem:s29] =	stream.linear.scatter [tilespmem:s31], [sflag:$0x9], $0x2800, $0x38;
	[tilespmem:$0x1DC80] =	vst v63  }
0x81: {  	_ =	swait.ge [sflag:s14], $0x2800  }
0x82: {  	[sflag:s14] =	ssyncset.done $0x0  }
0x83: {  	s24 =	simm.s32 @!p0 $0x400;
	s5 =	rddreg [dreg:$0x13];
	[sflag:s14] =	ssyncadd.s32 $0xFFFFD800  }
0x84: {  	[spmem:s5] =	stream.linear.scatter @!p0 [tilespmem:s24], [sflag:$0x9], $0x2800, $0x38;
	[tilespmem:$0x1DC80] =	vst v63  }
0x85: {  	s24 =	simm.s32 @!p0 $0x9  }
.Ltmp3:
0x86: {  	_ =	swait.ge @!p0 [sflag:s24], $0x2800;
	(pc) =	sbr.rel .LBB2_4-.Ltmp3, $4  }
0x87: {  	[sflag:s24] =	ssyncset.done @!p0 $0x0  }
0x88: {  	[sflag:s24] =	ssyncadd.s32 @!p0 $0xFFFFD800  }
0x89: {  	[bflag:$0x0] =	sbarrier.arrive $0xFFFF  }
0x8a: {  	s30 =	simm.s32 $0x3;
	s24 =	simm.s32 $0x0  }
.LBB2_11:
0x8b: {  	s5 =	sadd.s32 s24, s16;
	s22 =	simm.s32 $0x180  }
0x8c: {  	[tilespmem:s22], [sflag:$0x4] =	stream.linear.gather [hbm4b:s5+s0], $0x50, $0x38;
	[tilespmem:$0x1DC80] =	vst v63  }
0x8d: {  	s29 =	sadd.s32 s24, s15  }
0x8e: {  	[tilespmem:s21], [sflag:$0x4] =	stream.linear.gather [hbm4b:s29+s0], $0x50, $0x38;
	[tilespmem:$0x1DC80] =	vst v63  }
.LBB2_13:
0x8f: {  	_ =	swait.ge [sflag:s25], $0x50  }
0x90: {  	[sflag:s25] =	ssyncset.done $0x0  }
0x91: {  	[sflag:s25] =	ssyncadd.s32 $0xFFFFFFB0  }
0x92: {  	_ =	swait.ge [sflag:s25], $0x50  }
0x93: {  	[sflag:s25] =	ssyncset.done $0x0  }
0x94: {  	s5 =	simm.s32 $0x5400;
	[sflag:s25] =	ssyncadd.s32 $0xFFFFFFB0  }
0x95: {  	[tilespmem:s5], [sflag:$0x7] =	stream.indirect.gather [hbm4b:s20+s3], $0x80, s4, s3, $0xb8;
	[tilespmem:$0x1DC80] =	vst v63  }
.LBB2_14:
0x96: {  	_ =	swait.ge [sflag:s28], $0x2800;
	s24 =	sadd.s32 $0x28, s24  }
0x97: {  	[sflag:s28] =	ssyncset.done $0x0;
	p1 =	sne.s32 s24, $0x500  }
.Ltmp4:
0x98: {  	[sflag:s28] =	ssyncadd.s32 $0xFFFFD800;
	(pc) =	sbr.rel @!p1 .LBB2_15-.Ltmp4, $4  }
0x99: {  	[spmem:s18] =	stream.indirect.scatter.add.f32 [tilespmem:s31], [sflag:$0x9], $0x80, s1, s3, $0xb8;
	[tilespmem:$0x1DC80] =	vst v63  }
0x9a: {  	_ =	swait.ge [sflag:s14], $0x2800  }
0x9b: {  	[sflag:s14] =	ssyncset.done $0x0  }
0x9c: {  	s30 =	sadd.s32 $0x4, s30;
	[sflag:s14] =	ssyncadd.s32 $0xFFFFD800  }
.LBB2_4:
0x9d: {  	s29 =	sadd.s32 s24, s19  }
0x9e: {  	[tilespmem:s0], [sflag:$0x1] =	stream.linear.gather [hbm4b:s29+s0], $0x50, $0x38;
	[tilespmem:$0x1DC80] =	vst v63  }
0x9f: {  	s29 =	sadd.s32 s24, s17  }
0xa0: {  	[tilespmem:s1], [sflag:$0x1] =	stream.linear.gather [hbm4b:s29+s0], $0x50, $0x38;
	[tilespmem:$0x1DC80] =	vst v63  }
0xa1: {  	s29 =	sadd.s32 $0xFFFFFFFC, s30  }
0xa2: {  	p1 =	sgt.u32 s29, $0x7C  }
0xa3: {  	s5 =	simm.s32 @!p1 $0x4  }
0xa4: {  	_ =	swait.ge @!p1 [sflag:s5], $0x50  }
0xa5: {  	[sflag:s5] =	ssyncset.done @!p1 $0x0  }
0xa6: {  	[sflag:s5] =	ssyncadd.s32 @!p1 $0xFFFFFFB0  }
0xa7: {  	_ =	swait.ge @!p1 [sflag:s5], $0x50  }
0xa8: {  	s22 =	simm.s32 @!p1 $0x180;
	[sflag:s5] =	ssyncset.done @!p1 $0x0  }
0xa9: {  	s26 =	simm.s32 @!p1 $0x7C00;
	[sflag:s5] =	ssyncadd.s32 @!p1 $0xFFFFFFB0;
	s5 =	simm.s32 @!p1 $0x50  }
0xaa: {  	[tilespmem:s26], [sflag:$0x8] =	stream.indirect.gather @!p1 [hbm4b:s20+s5], $0x80, s22, s5, $0xb8;
	[tilespmem:$0x1DC80] =	vst v63  }
0xab: {  	s22 =	sadd.s32 $0xFFFFFFFA, s30  }
0xac: {  	p2 =	sgt.u32 s22, $0x7C  }
0xad: {  	s5 =	simm.s32 @!p2 $0x6  }
0xae: {  	_ =	swait.ge @!p2 [sflag:s5], $0x2800  }
0xaf: {  	s22 =	simm.s32 @!p2 $0x280;
	[sflag:s5] =	ssyncset.done @!p2 $0x0  }
0xb0: {  	s26 =	simm.s32 @!p2 $0x2C00;
	[sflag:s5] =	ssyncadd.s32 @!p2 $0xFFFFD800;
	s5 =	simm.s32 @!p2 $0x50  }
0xb1: {  	[spmem:s18] =	stream.indirect.scatter.add.f32 @!p2 [tilespmem:s26], [sflag:$0xA], $0x80, s22, s5, $0xb8;
	[tilespmem:$0x1DC80] =	vst v63  }
0xb2: {  	s5 =	simm.s32 @!p2 $0xA;
	s26 =	sadd.s32 $0xFFFFFFFE, s30  }
0xb3: {  	_ =	swait.ge @!p2 [sflag:s5], $0x2800;
	p3 =	sgt.u32 s26, $0x7C  }
0xb4: {  	[sflag:s5] =	ssyncset.done @!p2 $0x0;
	s22 =	simm.s32 @!p3 $0x0  }
0xb5: {  	s26 =	simm.s32 @!p3 $0x80;
	[sflag:s5] =	ssyncadd.s32 @!p2 $0xFFFFD800;
	s5 =	sadd.s32 @!p3 s24, s11  }
0xb6: {  	[tilespmem:s26], [sflag:$0x2] =	stream.linear.gather @!p3 [hbm4b:s5+s22], $0x50, $0x38;
	[tilespmem:$0x1DC80] =	vst v63  }
0xb7: {  	s5 =	sadd.s32 @!p3 s24, s10;
	s26 =	simm.s32 @!p3 $0x280  }
0xb8: {  	[tilespmem:s26], [sflag:$0x2] =	stream.linear.gather @!p3 [hbm4b:s5+s22], $0x50, $0x38;
	[tilespmem:$0x1DC80] =	vst v63  }
0xb9: {  	_ =	swait.ge [sflag:s2], $0x50  }
0xba: {  	[sflag:s2] =	ssyncset.done $0x0  }
0xbb: {  	[sflag:s2] =	ssyncadd.s32 $0xFFFFFFB0  }
0xbc: {  	s22 =	sadd.s32 $0xFFFFFFFB, s30;
	_ =	swait.ge [sflag:s2], $0x50  }
0xbd: {  	p4 =	sgt.u32 s22, $0x7C;
	[sflag:s2] =	ssyncset.done $0x0  }
0xbe: {  	s5 =	simm.s32 @!p4 $0x7;
	[sflag:s2] =	ssyncadd.s32 $0xFFFFFFB0  }
0xbf: {  	[tilespmem:s31], [sflag:$0x5] =	stream.indirect.gather [hbm4b:s20+s3], $0x80, s0, s3, $0xb8;
	[tilespmem:$0x1DC80] =	vst v63  }
0xc0: {  	_ =	swait.ge @!p4 [sflag:s5], $0x2800  }
0xc1: {  	s22 =	simm.s32 @!p4 $0x300;
	[sflag:s5] =	ssyncset.done @!p4 $0x0  }
0xc2: {  	s26 =	simm.s32 @!p4 $0x5400;
	[sflag:s5] =	ssyncadd.s32 @!p4 $0xFFFFD800;
	s5 =	simm.s32 @!p4 $0x50  }
0xc3: {  	[spmem:s18] =	stream.indirect.scatter.add.f32 @!p4 [tilespmem:s26], [sflag:$0xA], $0x80, s22, s5, $0xb8;
	[tilespmem:$0x1DC80] =	vst v63  }
0xc4: {  	s26 =	sadd.s32 $0xFFFFFFFF, s30  }
0xc5: {  	p2 =	sgt.u32 s26, $0x7C  }
.Ltmp5:
0xc6: {  	_ = 	snop;
	(pc) =	sbr.rel @p2 .LBB2_6-.Ltmp5, $4  }
0xc7: {  	s5 =	simm.s32 @!p4 $0xA  }
0xc8: {  	_ =	swait.ge @!p4 [sflag:s5], $0x2800  }
0xc9: {  	[sflag:s5] =	ssyncset.done @!p4 $0x0  }
0xca: {  	[sflag:s5] =	ssyncadd.s32 @!p4 $0xFFFFD800  }
.Ltmp6:
0xcb: {  	(pc) =	sbr.rel .LBB2_7-.Ltmp6, $4  }
0xcc: {  	s5 =	sadd.s32 s24, s13  }
0xcd: {  	[tilespmem:s4], [sflag:$0x3] =	stream.linear.gather [hbm4b:s5+s0], $0x50, $0x38;
	[tilespmem:$0x1DC80] =	vst v63  }
0xce: {  	s26 =	sadd.s32 s24, s12;
	s22 =	simm.s32 $0x300  }
0xcf: {  	[tilespmem:s22], [sflag:$0x3] =	stream.linear.gather [hbm4b:s26+s0], $0x50, $0x38;
	[tilespmem:$0x1DC80] =	vst v63  }
.LBB2_6:
.Ltmp7:
0xd0: {  	(pc) =	sbr.rel @p3 .LBB2_8-.Ltmp7, $1  }
0xd1: {  	_ =	sdelay $0x3  }
.LBB2_7:
0xd2: {  	_ =	swait.ge [sflag:s6], $0x50  }
0xd3: {  	p1 =	slt.u32 s29, $0x7D;
	[sflag:s6] =	ssyncset.done $0x0  }
.Ltmp8:
0xd4: {  	[sflag:s6] =	ssyncadd.s32 $0xFFFFFFB0;
	(pc) =	sbr.rel @p1 .LBB2_9-.Ltmp8, $4  }
.Ltmp9:
0xd5: {  	_ =	swait.ge [sflag:s6], $0x50;
	(pc) =	sbr.rel @!p1 .LBB2_10-.Ltmp9, $4  }
0xd6: {  	[sflag:s6] =	ssyncset.done $0x0  }
0xd7: {  	[sflag:s6] =	ssyncadd.s32 $0xFFFFFFB0  }
0xd8: {  	[tilespmem:s8], [sflag:$0x6] =	stream.indirect.gather [hbm4b:s20+s3], $0x80, s7, s3, $0xb8;
	[tilespmem:$0x1DC80] =	vst v63  }
0xd9: {  	_ = 	snop  }
.LBB2_8:
.Ltmp10:
0xda: {  	(pc) =	sbr.rel @p1 .LBB2_14-.Ltmp10, $1  }
0xdb: {  	_ =	sdelay $0x3  }
.LBB2_9:
0xdc: {  	_ =	swait.ge [sflag:s9], $0x2800  }
0xdd: {  	[sflag:s9] =	ssyncset.done $0x0  }
0xde: {  	s5 =	simm.s32 $0x7C00;
	[sflag:s9] =	ssyncadd.s32 $0xFFFFD800  }
0xdf: {  	[spmem:s18] =	stream.indirect.scatter.add.f32 [tilespmem:s5], [sflag:$0xA], $0x80, s21, s3, $0xb8;
	[tilespmem:$0x1DC80] =	vst v63  }
0xe0: {  	_ =	swait.ge [sflag:s23], $0x2800  }
0xe1: {  	[sflag:s23] =	ssyncset.done $0x0  }
0xe2: {  	[sflag:s23] =	ssyncadd.s32 $0xFFFFD800  }
.LBB2_10:
0xe3: {  	p1 =	sgt.u32 s30, $0x7C  }
.Ltmp11:
0xe4: {  	_ = 	snop;
	(pc) =	sbr.rel @!p1 .LBB2_11-.Ltmp11, $1  }
0xe5: {  	_ =	sdelay $0x3  }
.Ltmp12:
0xe6: {  	(pc) =	sbr.rel @p2 .LBB2_14-.Ltmp12, $4  }
.Ltmp13:
0xe7: {  	(pc) =	sbr.rel @!p2 .LBB2_13-.Ltmp13, $4  }
0xe8: {  	_ = 	snop  }
0xe9: {  	_ = 	snop  }
0xea: {  	_ = 	snop  }
0xeb: {  	_ = 	snop  }
.LBB2_16:
0xec: {  	_ =	sfence.sel $0x180000  }
0xed: {  	[bflag:$0x0] =	sbarrier.arrive $0xFFFF  }
0xee: {  	_ =	strace $0x9000004A  }
0xef: {  	s0 =	stileid.u32;
	[bflag:$0x2] =	sbarrier.arrive $0xFFFF  }
0xf0: {  	p0 =	sne.s32 s0, $0x0;
	s0 =	rddreg [dreg:$0x2]  }
0xf1: {  	s0 =	sadd.s32 @!p0 $0x100000, s0  }
0xf2: {  	[sflag:s0] =	ssyncadd.tile.s32 @!p0 $0x1;
	_ =	shalt  }
.Lfunc_end2:
_tile_overlayer_lowered:
.L_overlay_start_2:
0xf3: {  	(tag) =	ssettag $0x2  }
0xf4: {  	s0 =	rddreg [dreg:$0x0];
	s2 =	stileid.u32  }
0xf5: {  	s1 =	rddreg [dreg:$0x1];
	p0 =	sne.s32 s2, $0x0  }
0xf6: {  	s3 =	rddreg [dreg:$0x2];
	[bflag:$0x3] =	sbarrier.arrive $0xFFFF;
	s2 =	simm.s32 @!p0 $0x1C09  }
0xf7: {  	[timem:s3], [sflag:s2] =	dma.local @!p0 [hbm:s0], s1  }
0xf8: {  	s0 =	simm.s32 @!p0 $0x9  }
0xf9: {  	_ =	swait.ge @!p0 [sflag:s0], s1  }
0xfa: {  	s1 =	ssub.s32 @!p0 $0x0, s1;
	[sflag:s0] =	ssyncset.done @!p0 $0x0  }
0xfb: {  	[sflag:s0] =	ssyncadd.s32 @!p0 s1  }
0xfc: {  	[bflag:$0x3] =	sbarrier.arrive $0xFFFF  }
0xfd: {  	_ =	shalt  }

// kernel: kernel.16.cloned.1.call-start
scs
__scs_entry_jumppad:
0x0: {  	(pc) =	sbr.rel $0x88, $3  }
0x1: {  	(tag) =	ssettag $0x0;
	lr =	simm.s32 $0x1  }
0x2: {  	[smem:$0x3F94] =	sst lr;
	_ =	strace $0xD0000000  }
0x3: {  	_ = 	snop  }
0x4: {  	_ = 	snop  }
0x5: {  	_ = 	snop  }
0x6: {  	_ = 	snop  }
0x7: {  	_ = 	snop  }
__scs_overlays_trampoline_lowered:
0x8: {  	[smem:$0x3FA3] =	sst s0  }
0x9: {  	[smem:$0x3FA4] =	sst s1  }
0xa: {  	[smem:$0x3FA5] =	sst s2  }
0xb: {  	[smem:$0x3FA6] =	sst s3  }
0xc: {  	[smem:$0x3FA7] =	sst s4  }
0xd: {  	[smem:$0x3FA8] =	sst s5  }
0xe: {  	[smem:$0x3FA9] =	sst s6  }
0xf: {  	[smem:$0x3FAA] =	sst s7  }
0x10: {  	[smem:$0x3FAB] =	sst s8  }
0x11: {  	[smem:$0x3FAC] =	sst s9;
	s0 =	simm.s32 @!p0 $0x0  }
0x12: {  	s1 =	sld [smem:$0x3F92];
	s0 =	simm.s32 @p0 $0x1  }
0x13: {  	[smem:$0x3FAD] =	sst s0;
	s0 =	simm.s32 @!p1 $0x0  }
0x14: {  	s2 =	sld [smem:$0x3F91];
	s0 =	simm.s32 @p1 $0x1  }
0x15: {  	[smem:$0x3FAE] =	sst s0;
	s0 =	simm.s32 @!p2 $0x0  }
0x16: {  	s3 =	sld [smem:$0x3FDB];
	s0 =	simm.s32 @p2 $0x1  }
0x17: {  	s4 =	simm.s32 $0x1BF5;
	[smem:$0x3FB0] =	sst s0  }
0x18: {  	s0 =	sld [smem:$0x3F93];
	_ =	swait.ge [sflag:s4], $0x0  }
0x19: {  	s7 =	sld [smem:$0x3F94]  }
0x1a: {  	s8 =	sadd.s32 $0xFFFFE003, lr  }
0x1b: {  	s9 =	sadd.s32 $0xFFFFFEF7, lr;
	s5 =	simm.s32 $0xFFFFFFFF;
	p2 =	slt.u32 s8, $0xFFFFF086  }
0x1c: {  	p1 =	slt.u32 s9, $0xF7A;
	s5 =	simm.s32 @!p2 $0x0  }
0x1d: {  	s5 =	simm.s32 @p1 $0x1;
	p0 =	seq.s32 s7, s2  }
0x1e: {  	s7 =	smul.u32 @!p0 $0xF7A, s2;
	p2 =	seq.s32 @!p0 s5, $0x0  }
0x1f: {  	s9 =	smul.u32 $0xF7A, s1;
	s8 =	simm.s32 @!p0 $0x1BF5;
	p2 =	por !p2, p0  }
0x20: {  	[sflag:s8] =	ssyncset.s32 @!p0 $0xFFFFF086;
	s6 =	sadd.s32 @!p0 s3, s7;
	s7 =	simm.s32 @!p0 $0x108  }
0x21: {  	s3 =	sadd.s32 s3, s9;
	s6 =	sadd.s32 @!p0 $0x88, s6;
	s7 =	simm.s32 @p2 $0x1082  }
0x22: {  	[simem:s7], [sflag:s8] =	dma.local @!p0 [hbm:s6], $0xF7A  }
0x23: {  	s9 =	sor.u32 $0xD0000000, s2;
	s6 =	simm.s32 $0x108;
	_ =	swait.ge @!p0 [sflag:s8], $0x0  }
0x24: {  	s3 =	sadd.s32 $0x88, s3;
	s6 =	simm.s32 @!p1 $0x1082;
	[sflag:s4] =	ssyncset.s32 $0xFFFFF086  }
0x25: {  	[simem:s6], [sflag:s4] =	dma.local [hbm:s3], $0xF7A  }
0x26: {  	[smem:$0x3F94] =	sst s1;
	(tag) =	ssettag s2;
	_ =	strace s9  }
0x27: {  	s1 =	sld [smem:$0x3FA4]  }
0x28: {  	s2 =	sld [smem:$0x3FA5]  }
0x29: {  	s4 =	sld [smem:$0x3FA7]  }
0x2a: {  	p0 =	seq.s32 s5, $0x0;
	s5 =	sld [smem:$0x3FA8]  }
0x2b: {  	s6 =	sld [smem:$0x3FA9]  }
0x2c: {  	s7 =	sld [smem:$0x3FAA]  }
0x2d: {  	s3 =	simm.s32 $0x108;
	s8 =	sld [smem:$0x3FAB]  }
0x2e: {  	s3 =	simm.s32 @!p0 $0x1082;
	s9 =	sld [smem:$0x3FAC]  }
0x2f: {  	lr =	sadd.s32 s0, s3;
	s0 =	sld [smem:$0x3FA3]  }
0x30: {  	s3 =	sld [smem:$0x3FA6]  }
0x31: {  	[smem:$0x3FAF] =	sst s10  }
0x32: {  	s10 =	sld [smem:$0x3FAD];
	_ =	sdelay $0x3  }
0x33: {  	p0 =	seq.s32 s10, $0x1;
	s10 =	sld [smem:$0x3FAF];
	_ =	sdelay $0x3  }
0x34: {  	[smem:$0x3FAF] =	sst s10  }
0x35: {  	s10 =	sld [smem:$0x3FAE];
	_ =	sdelay $0x3  }
0x36: {  	p1 =	seq.s32 s10, $0x1;
	s10 =	sld [smem:$0x3FAF];
	_ =	sdelay $0x3  }
0x37: {  	[smem:$0x3FAF] =	sst s10  }
0x38: {  	s10 =	sld [smem:$0x3FB0]  }
0x39: {  	_ = 	snop;
	(pc) =	sbr.ind lr, $3  }
0x3a: {  	_ = 	snop  }
0x3b: {  	_ = 	snop  }
0x3c: {  	p2 =	seq.s32 s10, $0x1;
	s10 =	sld [smem:$0x3FAF]  }
0x3d: {  	_ =	shalt  }
0x3e: {  	_ =	shalt  }
0x3f: {  	_ =	shalt  }
0x40: {  	_ =	shalt  }
0x41: {  	_ =	shalt  }
0x42: {  	_ =	shalt  }
0x43: {  	_ =	shalt  }
0x44: {  	_ =	shalt  }
0x45: {  	_ =	shalt  }
0x46: {  	_ =	shalt  }
0x47: {  	_ =	shalt  }
0x48: {  	_ =	shalt  }
0x49: {  	_ =	shalt  }
0x4a: {  	_ =	shalt  }
0x4b: {  	_ =	shalt  }
0x4c: {  	_ =	shalt  }
0x4d: {  	_ =	shalt  }
0x4e: {  	_ =	shalt  }
0x4f: {  	_ =	shalt  }
0x50: {  	_ =	shalt  }
0x51: {  	_ =	shalt  }
0x52: {  	_ =	shalt  }
0x53: {  	_ =	shalt  }
0x54: {  	_ =	shalt  }
0x55: {  	_ =	shalt  }
0x56: {  	_ =	shalt  }
0x57: {  	_ =	shalt  }
0x58: {  	_ =	shalt  }
0x59: {  	_ =	shalt  }
0x5a: {  	_ =	shalt  }
0x5b: {  	_ =	shalt  }
0x5c: {  	_ =	shalt  }
0x5d: {  	_ =	shalt  }
0x5e: {  	_ =	shalt  }
0x5f: {  	_ =	shalt  }
0x60: {  	_ =	shalt  }
0x61: {  	_ =	shalt  }
0x62: {  	_ =	shalt  }
0x63: {  	_ =	shalt  }
0x64: {  	_ =	shalt  }
0x65: {  	_ =	shalt  }
0x66: {  	_ =	shalt  }
0x67: {  	_ =	shalt  }
0x68: {  	_ =	shalt  }
0x69: {  	_ =	shalt  }
0x6a: {  	_ =	shalt  }
0x6b: {  	_ =	shalt  }
0x6c: {  	_ =	shalt  }
0x6d: {  	_ =	shalt  }
0x6e: {  	_ =	shalt  }
0x6f: {  	_ =	shalt  }
0x70: {  	_ =	shalt  }
0x71: {  	_ =	shalt  }
0x72: {  	_ =	shalt  }
0x73: {  	_ =	shalt  }
0x74: {  	_ =	shalt  }
0x75: {  	_ =	shalt  }
0x76: {  	_ =	shalt  }
0x77: {  	_ =	shalt  }
0x78: {  	_ =	shalt  }
0x79: {  	_ =	shalt  }
0x7a: {  	_ =	shalt  }
0x7b: {  	_ =	shalt  }
0x7c: {  	_ =	shalt  }
0x7d: {  	_ =	shalt  }
0x7e: {  	_ =	shalt  }
0x7f: {  	_ =	shalt  }
0x80: {  	_ =	shalt  }
0x81: {  	_ =	shalt  }
0x82: {  	_ =	shalt  }
0x83: {  	_ =	shalt  }
0x84: {  	_ =	shalt  }
0x85: {  	_ =	shalt  }
0x86: {  	_ =	shalt  }
0x87: {  	_ =	shalt  }
.Lfunc_end0:
.L_simem_size_0:
called_computation.2_lowered:
.L_overlay_start_0:
0x88: {  	s2 =	sld [smem:$0x3FD9]  }
0x89: {  	s3 =	sld [smem:$0x3FFE];
	_ =	sdelay $0x1  }
0x8a: {  	s1 =	srdreg.scid  }
0x8b: {  	s0 =	sand.u32 $0x1, s1  }
0x8c: {  	s16 =	sshll.u32 s0, $0xA;
	s2 =	sadd.s32 s3, s2  }
0x8d: {  	s2 =	sadd.s32 s2, s16  }
0x8e: {  	[smem:$0x3FBB] =	sst s2  }
0x8f: {  	_ = 	snop  }
0x90: {  	(tm) =	ssettm $0x1  }
0x91: {  	s17 =	sld [smem:$0x3FFB];
	_ =	sdelay $0x3  }
0x92: {  	_ =	strace s17  }
0x93: {  	s2 =	sld [smem:$0x3FFC];
	_ =	sdelay $0x3  }
0x94: {  	_ =	strace s2  }
0x95: {  	s2 =	sld [smem:$0x3FFD];
	_ =	sdelay $0x3  }
0x96: {  	_ =	strace s2  }
0x97: {  	_ =	strace $0x8FFFFFFF  }
0x98: {  	s18 =	sld [smem:$0x3FDB];
	_ =	sdelay $0x1  }
0x99: {  	s19 =	simm.s32 $_scs_section_size  }
0x9a: {  	s4 =	simm.s32 $_size__tile_overlayer_lowered;
	s5 =	simm.s32 $_tile_overlayer_lowered  }
0x9b: {  	s22 =	simm.s32 $0x1BFF;
	s21 =	sshll.u32 s5, $0x1;
	s2 =	sadd.s32 s19, s18  }
0x9c: {  	s6 =	simm.s32 $0x0;
	s20 =	sshll.u32 s4, $0x1;
	s4 =	sadd.s32 s21, s2  }
0x9d: {  	[timem:s6], [sflag:s22] =	dma.local [hbm:s4], s20  }
0x9e: {  	_ =	swait.ge [sflag:s22], s20  }
0x9f: {  	s3 =	ssub.s32 $0x0, s20;
	[sflag:s22] =	ssyncset.done $0x0  }
0xa0: {  	[sflag:s22] =	ssyncadd.s32 s3;
	_ =	sdelay $0x1  }
0xa1: {  	s23 =	simm.s32 $0x1B8B  }
0xa2: {  	_ =	swait.ge [sflag:s23], $0x1  }
0xa3: {  	[sflag:s23] =	ssyncset.done $0x0  }
0xa4: {  	s25 =	simm.s32 $0x1B8E;
	s24 =	sld [smem:$0x3FFE];
	[sflag:s23] =	ssyncadd.s32 $0xFFFFFFFF  }
0xa5: {  	s26 =	simm.s32 $execute0_lowered;
	[smem:$0x3FD2] =	sst s25  }
0xa6: {  	s4 =	sshll.u32 s26, $0x1;
	_ =	strace $0x8000004C;
	[dreg:$0x1] =	wrdreg $0xFFFFFFFF  }
0xa7: {  	s28 =	simm.s32 $_size_execute0_lowered;
	s2 =	sadd.s32 s2, s4;
	[dreg:$0x0] =	wrdreg $0x0  }
0xa8: {  	s4 =	sshll.u32 s28, $0x1;
	[dreg:$0x2] =	wrdreg s2  }
0xa9: {  	[dreg:$0x3] =	wrdreg s4  }
0xaa: {  	[dreg:$0x4] =	wrdreg $0xC0  }
0xab: {  	_ =	task [dreg:s6], $0x5FFFF  }
0xac: {  	[dreg:$0x1] =	wrdreg $0xFFFFFFFF  }
0xad: {  	[dreg:$0x0] =	wrdreg $0x60  }
0xae: {  	[dreg:$0x2] =	wrdreg s24  }
0xaf: {  	[dreg:$0x3] =	wrdreg $0xA4000  }
0xb0: {  	[dreg:$0x4] =	wrdreg $0x9  }
0xb1: {  	_ =	task.clear_ibuf [dreg:s6], $0x5FFFF;
	_ =	strace $0x9000004C  }
0xb2: {  	s29 =	simm.s32 $0x9;
	_ =	strace $0x8000004E  }
0xb3: {  	_ =	swait.ge [sflag:s29], $0x1  }
0xb4: {  	[sflag:s29] =	ssyncadd.s32 $0xFFFFFFFF  }
0xb5: {  	_ =	strace $0x9000004E  }
0xb6: {  	_ =	sfence  }
0xb7: {  	s30 =	sld [smem:$0x0];
	_ =	sdelay $0x2  }
0xb8: {  	s31 =	sshll.u32 s1, $0xD;
	s1 =	sshrl.u32 s1, $0x2  }
0xb9: {  	s3 =	sand.u32 $0x4000, s31;
	s1 =	sadd.s32 s1, s30  }
0xba: {  	s0 =	sor.u32 s3, s0;
	s1 =	sshll.u32 s1, $0x11  }
0xbb: {  	s0 =	sor.u32 s1, s0  }
0xbc: {  	s0 =	sadd.s32 $0x8F2B, s0  }
0xbd: {  	[sflag:s0] =	ssyncadd.remote.s32 $0x1  }
0xbe: {  	_ =	sfence.sel $0xFFFF  }
0xbf: {  	[dreg:$0x0] =	wrdreg $0xFFFFFFFF;
	(pc) =	sbr.abs _section_cstart, $3  }
0xc0: {  	[dreg:$0x1] =	wrdreg $0xFFFFFFFF  }
0xc1: {  	_ =	task.clear_ibuf [dreg:s6], $0x2FFFF;
	_ =	strace $0x9FFFFFFF  }
0xc2: {  	(tm) =	ssettm $0x7FFFFFFF  }
0xc3: {  	_ =	shalt  }
tec
execute0_lowered:
.L_overlay_start_1:
0x0: {  	(tag) =	ssettag $0x1  }
0x1: {  	s2 =	srdreg.scid;
	s20 =	stileid.u32  }
0x2: {  	s10 =	sand.u32 $0x1, s2;
	s13 =	smul.u32 $0x2800, s20  }
0x3: {  	s5 =	sor.u32 $0x10, s20;
	s11 =	smul.u32 $0x138800, s10  }
0x4: {  	s1 =	rddreg [dreg:$0x0];
	s0 =	simm.s32 $0x0;
	s4 =	smul.u32 $0xA000, s5  }
0x5: {  	s31 =	simm.s32 $0x400;
	s14 =	sor.u32 $0x20, s20;
	s15 =	smul.u32 $0x2800, s5  }
0x6: {  	s28 =	simm.s32 $0x5;
	s21 =	sor.u32 $0x30, s20;
	s16 =	smul.u32 $0x2800, s14  }
0x7: {  	[smem:$0x7FF] =	sst s0;
	s8 =	sor.u32 $0x40, s20;
	s17 =	smul.u32 $0x2800, s21  }
0x8: {  	s3 =	sadd.s32 $0x2E00, s1;
	s7 =	sadd.s32 $0xCC00, s1;
	s24 =	smul.u32 $0x2800, s8  }
0x9: {  	s2 =	ssub.s32 $0x2, s10;
	s5 =	sor.u32 $0x60, s20;
	s10 =	smul.u32 $0x2710, s10  }
0xa: {  	s12 =	sadd.s32 $0x3DC00, s1;
	s6 =	sshrl.u32 s2, $0x1;
	s18 =	smul.u32 $0x2800, s5  }
0xb: {  	s5 =	smul.u32 $0xA000, s5;
	s9 =	ssub.s32 s2, s6;
	s6 =	sor.u32 $0x50, s20  }
0xc: {  	s2 =	sor.u32 $0x70, s20;
	s13 =	sadd.s32 s11, s13;
	s15 =	sadd.s32 s11, s15  }
0xd: {  	s25 =	sadd.s32 s11, s16;
	s26 =	sadd.s32 s11, s17;
	s13 =	sshrl.u32 s13, $0x3  }
0xe: {  	s15 =	sshrl.u32 s15, $0x3;
	s29 =	smul.u32 $0x2800, s6;
	s16 =	sshrl.u32 s26, $0x3  }
0xf: {  	s22 =	smul.u32 $0x2800, s2;
	s26 =	sadd.s32 s11, s18;
	s13 =	sadd.s32 s12, s13  }
0x10: {  	p0 =	sgt.u32 s2, $0x7C;
	s23 =	sadd.s32 s12, s15;
	[dreg:$0x3] =	wrdreg s13  }
0x11: {  	s15 =	sshrl.u32 s25, $0x3;
	s19 =	sadd.s32 s12, s16;
	[dreg:$0x4] =	wrdreg s23  }
0x12: {  	s2 =	smul.u32 $0xA000, s2;
	s15 =	sadd.s32 s12, s15;
	[dreg:$0x6] =	wrdreg s19  }
0x13: {  	s13 =	sadd.s32 s11, s24;
	s23 =	sadd.s32 s11, s29;
	s24 =	smul.u32 $0x4E20, s20  }
0x14: {  	s11 =	sadd.s32 s11, s22;
	s2 =	sshrl.u32 s2, $0x2;
	s13 =	sshrl.u32 s13, $0x3  }
0x15: {  	[dreg:$0x5] =	wrdreg s15;
	s16 =	sshrl.u32 s23, $0x3;
	s13 =	sadd.s32 s12, s13  }
0x16: {  	s25 =	sadd.s32 s12, s16;
	s29 =	sadd.s32 s10, s24;
	s16 =	sshrl.u32 s11, $0x3  }
0x17: {  	s24 =	smul.u32 $0xA000, s20;
	s20 =	sadd.s32 $0x16A00, s1;
	[dreg:$0x7] =	wrdreg s13  }
0x18: {  	[dreg:$0x8] =	wrdreg s25;
	s13 =	sshrl.u32 s26, $0x3;
	s17 =	sadd.s32 $0x50, s29  }
0x19: {  	s10 =	sadd.s32 s12, s16;
	s18 =	sadd.s32 $0xA0, s29;
	s22 =	sadd.s32 $0xF0, s29  }
0x1a: {  	s25 =	smul.u32 $0xA000, s14;
	s26 =	smax.u32 s9, $0x1;
	s9 =	sshrl.u32 s4, $0x2  }
0x1b: {  	s14 =	smul.u32 $0xA000, s8;
	s8 =	simm.s32 $0x2C00;
	[dreg:$0xa] =	wrdreg s10  }
0x1c: {  	s13 =	sadd.s32 s12, s13;
	s19 =	sshrl.u32 s18, $0x3;
	s18 =	rddreg [dreg:$0x1]  }
0x1d: {  	s11 =	sshrl.u32 s17, $0x3;
	s23 =	sshrl.u32 s22, $0x3;
	[dreg:$0x9] =	wrdreg s13  }
0x1e: {  	s10 =	sadd.s32 s11, s7;
	s11 =	sadd.s32 s11, s3;
	s12 =	sadd.s32 s19, s7  }
0x1f: {  	s13 =	sadd.s32 s19, s3;
	s19 =	sshrl.u32 s29, $0x3;
	s15 =	sadd.s32 s23, s7  }
0x20: {  	s16 =	sadd.s32 s23, s3;
	s29 =	smul.u32 $0xA000, s21;
	s30 =	sadd.s32 s9, s18  }
0x21: {  	s1 =	sshrl.u32 s25, $0x2;
	s21 =	smul.u32 $0xA000, s6;
	s4 =	sshrl.u32 s14, $0x2  }
0x22: {  	s25 =	sshrl.u32 s5, $0x2;
	s14 =	simm.s32 $0x9;
	s6 =	simm.s32 $0x2  }
0x23: {  	s9 =	simm.s32 $0x8;
	s17 =	sadd.s32 s19, s7;
	s19 =	sadd.s32 s19, s3  }
0x24: {  	_ =	strace $0x8000004D;
	[dreg:$0xb] =	wrdreg s26;
	s3 =	sshrl.u32 s24, $0x2  }
0x25: {  	s1 =	sadd.s32 s1, s18;
	s23 =	sadd.s32 s4, s18;
	[dreg:$0xd] =	wrdreg s30  }
0x26: {  	s4 =	simm.s32 $0x100;
	s7 =	simm.s32 $0x80;
	[dreg:$0xe] =	wrdreg s1  }
0x27: {  	s26 =	sadd.s32 s3, s18;
	s22 =	sshrl.u32 s29, $0x2;
	[dreg:$0x10] =	wrdreg s23  }
0x28: {  	s24 =	sshrl.u32 s21, $0x2;
	s29 =	sadd.s32 s2, s18;
	s2 =	simm.s32 $0x1  }
.Ltmp0:
0x29: {  	s3 =	simm.s32 $0x50;
	[dreg:$0x13] =	wrdreg s29;
	(pc) =	sbr.rel .LBB2_1-.Ltmp0, $4  }
0x2a: {  	s21 =	simm.s32 $0x380;
	s1 =	sadd.s32 s22, s18;
	[dreg:$0xc] =	wrdreg s26  }
0x2b: {  	s23 =	simm.s32 $0xA;
	[dreg:$0xf] =	wrdreg s1;
	s1 =	sadd.s32 s24, s18  }
0x2c: {  	s24 =	simm.s32 $0x0;
	[dreg:$0x11] =	wrdreg s1;
	s1 =	sadd.s32 s25, s18  }
0x2d: {  	v0 =	vimm.f32 $0.0e+00;
	s25 =	simm.s32 $0x3;
	[dreg:$0x12] =	wrdreg s1;
	s1 =	simm.s32 $0x200  }
.LBB2_15:
0x2e: {  	s5 =	stileid.u32;
	[bflag:$0x0] =	sbarrier.arrive $0xFFFF  }
0x2f: {  	s5 =	sshll.u32 s5, $0x6;
	s26 =	rddreg [dreg:$0xc]  }
0x30: {  	s24 =	rddreg [dreg:$0x3];
	s5 =	sor.u32 $0x1C09, s5;
	s22 =	sshrl.u32 s26, $0x3  }
0x31: {  	[hbm:s24], [sflag:s5] =	dma.local [spmem:s22], $0x500  }
0x32: {  	_ =	swait.ge [sflag:s14], $0x500  }
0x33: {  	[sflag:s14] =	ssyncset.done $0x0;
	s30 =	rddreg [dreg:$0xd]  }
0x34: {  	s29 =	rddreg [dreg:$0x4];
	[sflag:s14] =	ssyncadd.s32 $0xFFFFFB00;
	s24 =	sshrl.u32 s30, $0x3  }
0x35: {  	[hbm:s29], [sflag:s5] =	dma.local [spmem:s24], $0x500  }
0x36: {  	_ =	swait.ge [sflag:s14], $0x500  }
0x37: {  	[sflag:s14] =	ssyncset.done $0x0;
	s24 =	rddreg [dreg:$0xe]  }
0x38: {  	s29 =	rddreg [dreg:$0x5];
	[sflag:s14] =	ssyncadd.s32 $0xFFFFFB00;
	s22 =	sshrl.u32 s24, $0x3  }
0x39: {  	[hbm:s29], [sflag:s5] =	dma.local [spmem:s22], $0x500  }
0x3a: {  	_ =	swait.ge [sflag:s14], $0x500  }
0x3b: {  	[sflag:s14] =	ssyncset.done $0x0;
	s24 =	rddreg [dreg:$0xf]  }
0x3c: {  	s29 =	rddreg [dreg:$0x6];
	[sflag:s14] =	ssyncadd.s32 $0xFFFFFB00;
	s22 =	sshrl.u32 s24, $0x3  }
0x3d: {  	[hbm:s29], [sflag:s5] =	dma.local [spmem:s22], $0x500  }
0x3e: {  	_ =	swait.ge [sflag:s14], $0x500  }
0x3f: {  	[sflag:s14] =	ssyncset.done $0x0;
	s24 =	rddreg [dreg:$0x10]  }
0x40: {  	s29 =	rddreg [dreg:$0x7];
	[sflag:s14] =	ssyncadd.s32 $0xFFFFFB00;
	s22 =	sshrl.u32 s24, $0x3  }
0x41: {  	[hbm:s29], [sflag:s5] =	dma.local [spmem:s22], $0x500  }
0x42: {  	_ =	swait.ge [sflag:s14], $0x500  }
0x43: {  	[sflag:s14] =	ssyncset.done $0x0;
	s24 =	rddreg [dreg:$0x11]  }
0x44: {  	s29 =	rddreg [dreg:$0x8];
	[sflag:s14] =	ssyncadd.s32 $0xFFFFFB00;
	s22 =	sshrl.u32 s24, $0x3  }
0x45: {  	[hbm:s29], [sflag:s5] =	dma.local [spmem:s22], $0x500  }
0x46: {  	_ =	swait.ge [sflag:s14], $0x500  }
0x47: {  	[sflag:s14] =	ssyncset.done $0x0;
	s24 =	rddreg [dreg:$0x12]  }
0x48: {  	s29 =	rddreg [dreg:$0x9];
	[sflag:s14] =	ssyncadd.s32 $0xFFFFFB00;
	s22 =	sshrl.u32 s24, $0x3  }
0x49: {  	[hbm:s29], [sflag:s5] =	dma.local [spmem:s22], $0x500  }
0x4a: {  	_ =	swait.ge [sflag:s14], $0x500  }
0x4b: {  	[sflag:s14] =	ssyncset.done $0x0;
	s22 =	rddreg [dreg:$0x13]  }
0x4c: {  	s24 =	rddreg [dreg:$0xa];
	[sflag:s14] =	ssyncadd.s32 $0xFFFFFB00;
	s22 =	sshrl.u32 @!p0 s22, $0x3  }
0x4d: {  	[hbm:s24], [sflag:s5] =	dma.local @!p0 [spmem:s22], $0x500  }
0x4e: {  	s5 =	simm.s32 @!p0 $0x9  }
0x4f: {  	_ =	swait.ge @!p0 [sflag:s5], $0x500  }
0x50: {  	s22 =	rddreg [dreg:$0x14]  }
0x51: {  	s29 =	rddreg [dreg:$0xb];
	s24 =	sadd.s32 $0x1, s22  }
0x52: {  	p1 =	sne.s32 s24, s29  }
.Ltmp1:
0x53: {  	_ = 	snop;
	(pc) =	sbr.rel @!p1 .LBB2_16-.Ltmp1, $3  }
0x54: {  	_ =	sdelay $0x1  }
0x55: {  	[sflag:s5] =	ssyncset.done @!p0 $0x0  }
0x56: {  	[sflag:s5] =	ssyncadd.s32 @!p0 $0xFFFFFB00  }
.LBB2_1:
0x57: {  	[dreg:$0x14] =	wrdreg s24;
	s24 =	simm.s32 $0x0;
	s29 =	simm.s32 $0x200  }
.LBB2_2:
0x58: {  	p1 =	sne.s32 s29, $0x9E00;
	[tilespmem:s24+$0x470] =	vst v0  }
0x59: {  	[tilespmem:s24+$0x400] =	vst v0  }
0x5a: {  	[tilespmem:s24+$0x410] =	vst v0  }
.Ltmp2:
0x5b: {  	[tilespmem:s24+$0x420] =	vst v0;
	(pc) =	sbr.rel @p1 .LBB2_2-.Ltmp2, $4  }
0x5c: {  	[tilespmem:s24+$0x430] =	vst v0  }
0x5d: {  	[tilespmem:s24+$0x440] =	vst v0  }
0x5e: {  	[tilespmem:s24+$0x450] =	vst v0  }
0x5f: {  	[tilespmem:s24+$0x460] =	vst v0;
	s24 =	sshra.s32 s29, $0x2;
	s29 =	sadd.s32 $0x200, s29  }
0x60: {  	[tilespmem:s24+$0x470] =	vst v0  }
0x61: {  	[tilespmem:s24+$0x400] =	vst v0  }
0x62: {  	[tilespmem:s24+$0x410] =	vst v0  }
0x63: {  	[tilespmem:s24+$0x420] =	vst v0  }
0x64: {  	[tilespmem:s24+$0x430] =	vst v0  }
0x65: {  	[tilespmem:s24+$0x440] =	vst v0  }
0x66: {  	[tilespmem:s24+$0x450] =	vst v0  }
0x67: {  	[tilespmem:s24+$0x460] =	vst v0  }
0x68: {  	[spmem:s26] =	stream.linear.scatter [tilespmem:s31], [sflag:$0x9], $0x2800, $0x38;
	[tilespmem:$0x1DC80] =	vst v63  }
0x69: {  	_ =	swait.ge [sflag:s14], $0x2800  }
0x6a: {  	[sflag:s14] =	ssyncset.done $0x0  }
0x6b: {  	[sflag:s14] =	ssyncadd.s32 $0xFFFFD800  }
0x6c: {  	[spmem:s30] =	stream.linear.scatter [tilespmem:s31], [sflag:$0x9], $0x2800, $0x38;
	[tilespmem:$0x1DC80] =	vst v63  }
0x6d: {  	_ =	swait.ge [sflag:s14], $0x2800  }
0x6e: {  	[sflag:s14] =	ssyncset.done $0x0  }
0x6f: {  	s5 =	rddreg [dreg:$0xe];
	[sflag:s14] =	ssyncadd.s32 $0xFFFFD800  }
0x70: {  	[spmem:s5] =	stream.linear.scatter [tilespmem:s31], [sflag:$0x9], $0x2800, $0x38;
	[tilespmem:$0x1DC80] =	vst v63  }
0x71: {  	_ =	swait.ge [sflag:s14], $0x2800  }
0x72: {  	[sflag:s14] =	ssyncset.done $0x0  }
0x73: {  	s22 =	rddreg [dreg:$0xf];
	[sflag:s14] =	ssyncadd.s32 $0xFFFFD800  }
0x74: {  	[spmem:s22] =	stream.linear.scatter [tilespmem:s31], [sflag:$0x9], $0x2800, $0x38;
	[tilespmem:$0x1DC80] =	vst v63  }
0x75: {  	_ =	swait.ge [sflag:s14], $0x2800  }
0x76: {  	[sflag:s14] =	ssyncset.done $0x0  }
0x77: {  	s24 =	rddreg [dreg:$0x10];
	[sflag:s14] =	ssyncadd.s32 $0xFFFFD800  }
0x78: {  	[spmem:s24] =	stream.linear.scatter [tilespmem:s31], [sflag:$0x9], $0x2800, $0x38;
	[tilespmem:$0x1DC80] =	vst v63  }
0x79: {  	_ =	swait.ge [sflag:s14], $0x2800  }
0x7a: {  	[sflag:s14] =	ssyncset.done $0x0  }
0x7b: {  	s26 =	rddreg [dreg:$0x11];
	[sflag:s14] =	ssyncadd.s32 $0xFFFFD800  }
0x7c: {  	[spmem:s26] =	stream.linear.scatter [tilespmem:s31], [sflag:$0x9], $0x2800, $0x38;
	[tilespmem:$0x1DC80] =	vst v63  }
0x7d: {  	_ =	swait.ge [sflag:s14], $0x2800  }
0x7e: {  	[sflag:s14] =	ssyncset.done $0x0  }
0x7f: {  	s29 =	rddreg [dreg:$0x12];
	[sflag:s14] =	ssyncadd.s32 $0xFFFFD800  }
0x80: {  	[spmem:s29] =	stream.linear.scatter [tilespmem:s31], [sflag:$0x9], $0x2800, $0x38;
	[tilespmem:$0x1DC80] =	vst v63  }
0x81: {  	_ =	swait.ge [sflag:s14], $0x2800  }
0x82: {  	[sflag:s14] =	ssyncset.done $0x0  }
0x83: {  	s24 =	simm.s32 @!p0 $0x400;
	s5 =	rddreg [dreg:$0x13];
	[sflag:s14] =	ssyncadd.s32 $0xFFFFD800  }
0x84: {  	[spmem:s5] =	stream.linear.scatter @!p0 [tilespmem:s24], [sflag:$0x9], $0x2800, $0x38;
	[tilespmem:$0x1DC80] =	vst v63  }
0x85: {  	s24 =	simm.s32 @!p0 $0x9  }
.Ltmp3:
0x86: {  	_ =	swait.ge @!p0 [sflag:s24], $0x2800;
	(pc) =	sbr.rel .LBB2_4-.Ltmp3, $4  }
0x87: {  	[sflag:s24] =	ssyncset.done @!p0 $0x0  }
0x88: {  	[sflag:s24] =	ssyncadd.s32 @!p0 $0xFFFFD800  }
0x89: {  	[bflag:$0x0] =	sbarrier.arrive $0xFFFF  }
0x8a: {  	s30 =	simm.s32 $0x3;
	s24 =	simm.s32 $0x0  }
.LBB2_11:
0x8b: {  	s5 =	sadd.s32 s24, s16;
	s22 =	simm.s32 $0x180  }
0x8c: {  	[tilespmem:s22], [sflag:$0x4] =	stream.linear.gather [hbm4b:s5+s0], $0x50, $0x38;
	[tilespmem:$0x1DC80] =	vst v63  }
0x8d: {  	s29 =	sadd.s32 s24, s15  }
0x8e: {  	[tilespmem:s21], [sflag:$0x4] =	stream.linear.gather [hbm4b:s29+s0], $0x50, $0x38;
	[tilespmem:$0x1DC80] =	vst v63  }
.LBB2_13:
0x8f: {  	_ =	swait.ge [sflag:s25], $0x50  }
0x90: {  	[sflag:s25] =	ssyncset.done $0x0  }
0x91: {  	[sflag:s25] =	ssyncadd.s32 $0xFFFFFFB0  }
0x92: {  	_ =	swait.ge [sflag:s25], $0x50  }
0x93: {  	[sflag:s25] =	ssyncset.done $0x0  }
0x94: {  	s5 =	simm.s32 $0x5400;
	[sflag:s25] =	ssyncadd.s32 $0xFFFFFFB0  }
0x95: {  	[tilespmem:s5], [sflag:$0x7] =	stream.indirect.gather [hbm4b:s20+s3], $0x80, s4, s3, $0xb8;
	[tilespmem:$0x1DC80] =	vst v63  }
.LBB2_14:
0x96: {  	_ =	swait.ge [sflag:s28], $0x2800;
	s24 =	sadd.s32 $0x28, s24  }
0x97: {  	[sflag:s28] =	ssyncset.done $0x0;
	p1 =	sne.s32 s24, $0x500  }
.Ltmp4:
0x98: {  	[sflag:s28] =	ssyncadd.s32 $0xFFFFD800;
	(pc) =	sbr.rel @!p1 .LBB2_15-.Ltmp4, $4  }
0x99: {  	[spmem:s18] =	stream.indirect.scatter.add.f32 [tilespmem:s31], [sflag:$0x9], $0x80, s1, s3, $0xb8;
	[tilespmem:$0x1DC80] =	vst v63  }
0x9a: {  	_ =	swait.ge [sflag:s14], $0x2800  }
0x9b: {  	[sflag:s14] =	ssyncset.done $0x0  }
0x9c: {  	s30 =	sadd.s32 $0x4, s30;
	[sflag:s14] =	ssyncadd.s32 $0xFFFFD800  }
.LBB2_4:
0x9d: {  	s29 =	sadd.s32 s24, s19  }
0x9e: {  	[tilespmem:s0], [sflag:$0x1] =	stream.linear.gather [hbm4b:s29+s0], $0x50, $0x38;
	[tilespmem:$0x1DC80] =	vst v63  }
0x9f: {  	s29 =	sadd.s32 s24, s17  }
0xa0: {  	[tilespmem:s1], [sflag:$0x1] =	stream.linear.gather [hbm4b:s29+s0], $0x50, $0x38;
	[tilespmem:$0x1DC80] =	vst v63  }
0xa1: {  	s29 =	sadd.s32 $0xFFFFFFFC, s30  }
0xa2: {  	p1 =	sgt.u32 s29, $0x7C  }
0xa3: {  	s5 =	simm.s32 @!p1 $0x4  }
0xa4: {  	_ =	swait.ge @!p1 [sflag:s5], $0x50  }
0xa5: {  	[sflag:s5] =	ssyncset.done @!p1 $0x0  }
0xa6: {  	[sflag:s5] =	ssyncadd.s32 @!p1 $0xFFFFFFB0  }
0xa7: {  	_ =	swait.ge @!p1 [sflag:s5], $0x50  }
0xa8: {  	s22 =	simm.s32 @!p1 $0x180;
	[sflag:s5] =	ssyncset.done @!p1 $0x0  }
0xa9: {  	s26 =	simm.s32 @!p1 $0x7C00;
	[sflag:s5] =	ssyncadd.s32 @!p1 $0xFFFFFFB0;
	s5 =	simm.s32 @!p1 $0x50  }
0xaa: {  	[tilespmem:s26], [sflag:$0x8] =	stream.indirect.gather @!p1 [hbm4b:s20+s5], $0x80, s22, s5, $0xb8;
	[tilespmem:$0x1DC80] =	vst v63  }
0xab: {  	s22 =	sadd.s32 $0xFFFFFFFA, s30  }
0xac: {  	p2 =	sgt.u32 s22, $0x7C  }
0xad: {  	s5 =	simm.s32 @!p2 $0x6  }
0xae: {  	_ =	swait.ge @!p2 [sflag:s5], $0x2800  }
0xaf: {  	s22 =	simm.s32 @!p2 $0x280;
	[sflag:s5] =	ssyncset.done @!p2 $0x0  }
0xb0: {  	s26 =	simm.s32 @!p2 $0x2C00;
	[sflag:s5] =	ssyncadd.s32 @!p2 $0xFFFFD800;
	s5 =	simm.s32 @!p2 $0x50  }
0xb1: {  	[spmem:s18] =	stream.indirect.scatter.add.f32 @!p2 [tilespmem:s26], [sflag:$0xA], $0x80, s22, s5, $0xb8;
	[tilespmem:$0x1DC80] =	vst v63  }
0xb2: {  	s5 =	simm.s32 @!p2 $0xA;
	s26 =	sadd.s32 $0xFFFFFFFE, s30  }
0xb3: {  	_ =	swait.ge @!p2 [sflag:s5], $0x2800;
	p3 =	sgt.u32 s26, $0x7C  }
0xb4: {  	[sflag:s5] =	ssyncset.done @!p2 $0x0;
	s22 =	simm.s32 @!p3 $0x0  }
0xb5: {  	s26 =	simm.s32 @!p3 $0x80;
	[sflag:s5] =	ssyncadd.s32 @!p2 $0xFFFFD800;
	s5 =	sadd.s32 @!p3 s24, s11  }
0xb6: {  	[tilespmem:s26], [sflag:$0x2] =	stream.linear.gather @!p3 [hbm4b:s5+s22], $0x50, $0x38;
	[tilespmem:$0x1DC80] =	vst v63  }
0xb7: {  	s5 =	sadd.s32 @!p3 s24, s10;
	s26 =	simm.s32 @!p3 $0x280  }
0xb8: {  	[tilespmem:s26], [sflag:$0x2] =	stream.linear.gather @!p3 [hbm4b:s5+s22], $0x50, $0x38;
	[tilespmem:$0x1DC80] =	vst v63  }
0xb9: {  	_ =	swait.ge [sflag:s2], $0x50  }
0xba: {  	[sflag:s2] =	ssyncset.done $0x0  }
0xbb: {  	[sflag:s2] =	ssyncadd.s32 $0xFFFFFFB0  }
0xbc: {  	s22 =	sadd.s32 $0xFFFFFFFB, s30;
	_ =	swait.ge [sflag:s2], $0x50  }
0xbd: {  	p4 =	sgt.u32 s22, $0x7C;
	[sflag:s2] =	ssyncset.done $0x0  }
0xbe: {  	s5 =	simm.s32 @!p4 $0x7;
	[sflag:s2] =	ssyncadd.s32 $0xFFFFFFB0  }
0xbf: {  	[tilespmem:s31], [sflag:$0x5] =	stream.indirect.gather [hbm4b:s20+s3], $0x80, s0, s3, $0xb8;
	[tilespmem:$0x1DC80] =	vst v63  }
0xc0: {  	_ =	swait.ge @!p4 [sflag:s5], $0x2800  }
0xc1: {  	s22 =	simm.s32 @!p4 $0x300;
	[sflag:s5] =	ssyncset.done @!p4 $0x0  }
0xc2: {  	s26 =	simm.s32 @!p4 $0x5400;
	[sflag:s5] =	ssyncadd.s32 @!p4 $0xFFFFD800;
	s5 =	simm.s32 @!p4 $0x50  }
0xc3: {  	[spmem:s18] =	stream.indirect.scatter.add.f32 @!p4 [tilespmem:s26], [sflag:$0xA], $0x80, s22, s5, $0xb8;
	[tilespmem:$0x1DC80] =	vst v63  }
0xc4: {  	s26 =	sadd.s32 $0xFFFFFFFF, s30  }
0xc5: {  	p2 =	sgt.u32 s26, $0x7C  }
.Ltmp5:
0xc6: {  	_ = 	snop;
	(pc) =	sbr.rel @p2 .LBB2_6-.Ltmp5, $4  }
0xc7: {  	s5 =	simm.s32 @!p4 $0xA  }
0xc8: {  	_ =	swait.ge @!p4 [sflag:s5], $0x2800  }
0xc9: {  	[sflag:s5] =	ssyncset.done @!p4 $0x0  }
0xca: {  	[sflag:s5] =	ssyncadd.s32 @!p4 $0xFFFFD800  }
.Ltmp6:
0xcb: {  	(pc) =	sbr.rel .LBB2_7-.Ltmp6, $4  }
0xcc: {  	s5 =	sadd.s32 s24, s13  }
0xcd: {  	[tilespmem:s4], [sflag:$0x3] =	stream.linear.gather [hbm4b:s5+s0], $0x50, $0x38;
	[tilespmem:$0x1DC80] =	vst v63  }
0xce: {  	s26 =	sadd.s32 s24, s12;
	s22 =	simm.s32 $0x300  }
0xcf: {  	[tilespmem:s22], [sflag:$0x3] =	stream.linear.gather [hbm4b:s26+s0], $0x50, $0x38;
	[tilespmem:$0x1DC80] =	vst v63  }
.LBB2_6:
.Ltmp7:
0xd0: {  	(pc) =	sbr.rel @p3 .LBB2_8-.Ltmp7, $1  }
0xd1: {  	_ =	sdelay $0x3  }
.LBB2_7:
0xd2: {  	_ =	swait.ge [sflag:s6], $0x50  }
0xd3: {  	p1 =	slt.u32 s29, $0x7D;
	[sflag:s6] =	ssyncset.done $0x0  }
.Ltmp8:
0xd4: {  	[sflag:s6] =	ssyncadd.s32 $0xFFFFFFB0;
	(pc) =	sbr.rel @p1 .LBB2_9-.Ltmp8, $4  }
.Ltmp9:
0xd5: {  	_ =	swait.ge [sflag:s6], $0x50;
	(pc) =	sbr.rel @!p1 .LBB2_10-.Ltmp9, $4  }
0xd6: {  	[sflag:s6] =	ssyncset.done $0x0  }
0xd7: {  	[sflag:s6] =	ssyncadd.s32 $0xFFFFFFB0  }
0xd8: {  	[tilespmem:s8], [sflag:$0x6] =	stream.indirect.gather [hbm4b:s20+s3], $0x80, s7, s3, $0xb8;
	[tilespmem:$0x1DC80] =	vst v63  }
0xd9: {  	_ = 	snop  }
.LBB2_8:
.Ltmp10:
0xda: {  	(pc) =	sbr.rel @p1 .LBB2_14-.Ltmp10, $1  }
0xdb: {  	_ =	sdelay $0x3  }
.LBB2_9:
0xdc: {  	_ =	swait.ge [sflag:s9], $0x2800  }
0xdd: {  	[sflag:s9] =	ssyncset.done $0x0  }
0xde: {  	s5 =	simm.s32 $0x7C00;
	[sflag:s9] =	ssyncadd.s32 $0xFFFFD800  }
0xdf: {  	[spmem:s18] =	stream.indirect.scatter.add.f32 [tilespmem:s5], [sflag:$0xA], $0x80, s21, s3, $0xb8;
	[tilespmem:$0x1DC80] =	vst v63  }
0xe0: {  	_ =	swait.ge [sflag:s23], $0x2800  }
0xe1: {  	[sflag:s23] =	ssyncset.done $0x0  }
0xe2: {  	[sflag:s23] =	ssyncadd.s32 $0xFFFFD800  }
.LBB2_10:
0xe3: {  	p1 =	sgt.u32 s30, $0x7C  }
.Ltmp11:
0xe4: {  	_ = 	snop;
	(pc) =	sbr.rel @!p1 .LBB2_11-.Ltmp11, $1  }
0xe5: {  	_ =	sdelay $0x3  }
.Ltmp12:
0xe6: {  	(pc) =	sbr.rel @p2 .LBB2_14-.Ltmp12, $4  }
.Ltmp13:
0xe7: {  	(pc) =	sbr.rel @!p2 .LBB2_13-.Ltmp13, $4  }
0xe8: {  	_ = 	snop  }
0xe9: {  	_ = 	snop  }
0xea: {  	_ = 	snop  }
0xeb: {  	_ = 	snop  }
.LBB2_16:
0xec: {  	_ =	sfence.sel $0x180000  }
0xed: {  	[bflag:$0x0] =	sbarrier.arrive $0xFFFF  }
0xee: {  	_ =	strace $0x9000004D  }
0xef: {  	s0 =	stileid.u32;
	[bflag:$0x2] =	sbarrier.arrive $0xFFFF  }
0xf0: {  	p0 =	sne.s32 s0, $0x0;
	s0 =	rddreg [dreg:$0x2]  }
0xf1: {  	s0 =	sadd.s32 @!p0 $0x100000, s0  }
0xf2: {  	[sflag:s0] =	ssyncadd.tile.s32 @!p0 $0x1;
	_ =	shalt  }
.Lfunc_end2:
_tile_overlayer_lowered:
.L_overlay_start_2:
0xf3: {  	(tag) =	ssettag $0x2  }
0xf4: {  	s0 =	rddreg [dreg:$0x0];
	s2 =	stileid.u32  }
0xf5: {  	s1 =	rddreg [dreg:$0x1];
	p0 =	sne.s32 s2, $0x0  }
0xf6: {  	s3 =	rddreg [dreg:$0x2];
	[bflag:$0x3] =	sbarrier.arrive $0xFFFF;
	s2 =	simm.s32 @!p0 $0x1C09  }
0xf7: {  	[timem:s3], [sflag:s2] =	dma.local @!p0 [hbm:s0], s1  }
0xf8: {  	s0 =	simm.s32 @!p0 $0x9  }
0xf9: {  	_ =	swait.ge @!p0 [sflag:s0], s1  }
0xfa: {  	s1 =	ssub.s32 @!p0 $0x0, s1;
	[sflag:s0] =	ssyncset.done @!p0 $0x0  }
0xfb: {  	[sflag:s0] =	ssyncadd.s32 @!p0 s1  }
0xfc: {  	[bflag:$0x3] =	sbarrier.arrive $0xFFFF  }
0xfd: {  	_ =	shalt  }

// kernel: kernel.19.cloned.1.call-start
scs
__scs_entry_jumppad:
0x0: {  	(pc) =	sbr.rel $0x88, $3  }
0x1: {  	(tag) =	ssettag $0x0;
	lr =	simm.s32 $0x1  }
0x2: {  	[smem:$0x3F94] =	sst lr;
	_ =	strace $0xD0000000  }
0x3: {  	_ = 	snop  }
0x4: {  	_ = 	snop  }
0x5: {  	_ = 	snop  }
0x6: {  	_ = 	snop  }
0x7: {  	_ = 	snop  }
__scs_overlays_trampoline_lowered:
0x8: {  	[smem:$0x3FA3] =	sst s0  }
0x9: {  	[smem:$0x3FA4] =	sst s1  }
0xa: {  	[smem:$0x3FA5] =	sst s2  }
0xb: {  	[smem:$0x3FA6] =	sst s3  }
0xc: {  	[smem:$0x3FA7] =	sst s4  }
0xd: {  	[smem:$0x3FA8] =	sst s5  }
0xe: {  	[smem:$0x3FA9] =	sst s6  }
0xf: {  	[smem:$0x3FAA] =	sst s7  }
0x10: {  	[smem:$0x3FAB] =	sst s8  }
0x11: {  	[smem:$0x3FAC] =	sst s9;
	s0 =	simm.s32 @!p0 $0x0  }
0x12: {  	s1 =	sld [smem:$0x3F92];
	s0 =	simm.s32 @p0 $0x1  }
0x13: {  	[smem:$0x3FAD] =	sst s0;
	s0 =	simm.s32 @!p1 $0x0  }
0x14: {  	s2 =	sld [smem:$0x3F91];
	s0 =	simm.s32 @p1 $0x1  }
0x15: {  	[smem:$0x3FAE] =	sst s0;
	s0 =	simm.s32 @!p2 $0x0  }
0x16: {  	s3 =	sld [smem:$0x3FDB];
	s0 =	simm.s32 @p2 $0x1  }
0x17: {  	s4 =	simm.s32 $0x1BF5;
	[smem:$0x3FB0] =	sst s0  }
0x18: {  	s0 =	sld [smem:$0x3F93];
	_ =	swait.ge [sflag:s4], $0x0  }
0x19: {  	s7 =	sld [smem:$0x3F94]  }
0x1a: {  	s8 =	sadd.s32 $0xFFFFE003, lr  }
0x1b: {  	s9 =	sadd.s32 $0xFFFFFEF7, lr;
	s5 =	simm.s32 $0xFFFFFFFF;
	p2 =	slt.u32 s8, $0xFFFFF086  }
0x1c: {  	p1 =	slt.u32 s9, $0xF7A;
	s5 =	simm.s32 @!p2 $0x0  }
0x1d: {  	s5 =	simm.s32 @p1 $0x1;
	p0 =	seq.s32 s7, s2  }
0x1e: {  	s7 =	smul.u32 @!p0 $0xF7A, s2;
	p2 =	seq.s32 @!p0 s5, $0x0  }
0x1f: {  	s9 =	smul.u32 $0xF7A, s1;
	s8 =	simm.s32 @!p0 $0x1BF5;
	p2 =	por !p2, p0  }
0x20: {  	[sflag:s8] =	ssyncset.s32 @!p0 $0xFFFFF086;
	s6 =	sadd.s32 @!p0 s3, s7;
	s7 =	simm.s32 @!p0 $0x108  }
0x21: {  	s3 =	sadd.s32 s3, s9;
	s6 =	sadd.s32 @!p0 $0x88, s6;
	s7 =	simm.s32 @p2 $0x1082  }
0x22: {  	[simem:s7], [sflag:s8] =	dma.local @!p0 [hbm:s6], $0xF7A  }
0x23: {  	s9 =	sor.u32 $0xD0000000, s2;
	s6 =	simm.s32 $0x108;
	_ =	swait.ge @!p0 [sflag:s8], $0x0  }
0x24: {  	s3 =	sadd.s32 $0x88, s3;
	s6 =	simm.s32 @!p1 $0x1082;
	[sflag:s4] =	ssyncset.s32 $0xFFFFF086  }
0x25: {  	[simem:s6], [sflag:s4] =	dma.local [hbm:s3], $0xF7A  }
0x26: {  	[smem:$0x3F94] =	sst s1;
	(tag) =	ssettag s2;
	_ =	strace s9  }
0x27: {  	s1 =	sld [smem:$0x3FA4]  }
0x28: {  	s2 =	sld [smem:$0x3FA5]  }
0x29: {  	s4 =	sld [smem:$0x3FA7]  }
0x2a: {  	p0 =	seq.s32 s5, $0x0;
	s5 =	sld [smem:$0x3FA8]  }
0x2b: {  	s6 =	sld [smem:$0x3FA9]  }
0x2c: {  	s7 =	sld [smem:$0x3FAA]  }
0x2d: {  	s3 =	simm.s32 $0x108;
	s8 =	sld [smem:$0x3FAB]  }
0x2e: {  	s3 =	simm.s32 @!p0 $0x1082;
	s9 =	sld [smem:$0x3FAC]  }
0x2f: {  	lr =	sadd.s32 s0, s3;
	s0 =	sld [smem:$0x3FA3]  }
0x30: {  	s3 =	sld [smem:$0x3FA6]  }
0x31: {  	[smem:$0x3FAF] =	sst s10  }
0x32: {  	s10 =	sld [smem:$0x3FAD];
	_ =	sdelay $0x3  }
0x33: {  	p0 =	seq.s32 s10, $0x1;
	s10 =	sld [smem:$0x3FAF];
	_ =	sdelay $0x3  }
0x34: {  	[smem:$0x3FAF] =	sst s10  }
0x35: {  	s10 =	sld [smem:$0x3FAE];
	_ =	sdelay $0x3  }
0x36: {  	p1 =	seq.s32 s10, $0x1;
	s10 =	sld [smem:$0x3FAF];
	_ =	sdelay $0x3  }
0x37: {  	[smem:$0x3FAF] =	sst s10  }
0x38: {  	s10 =	sld [smem:$0x3FB0]  }
0x39: {  	_ = 	snop;
	(pc) =	sbr.ind lr, $3  }
0x3a: {  	_ = 	snop  }
0x3b: {  	_ = 	snop  }
0x3c: {  	p2 =	seq.s32 s10, $0x1;
	s10 =	sld [smem:$0x3FAF]  }
0x3d: {  	_ =	shalt  }
0x3e: {  	_ =	shalt  }
0x3f: {  	_ =	shalt  }
0x40: {  	_ =	shalt  }
0x41: {  	_ =	shalt  }
0x42: {  	_ =	shalt  }
0x43: {  	_ =	shalt  }
0x44: {  	_ =	shalt  }
0x45: {  	_ =	shalt  }
0x46: {  	_ =	shalt  }
0x47: {  	_ =	shalt  }
0x48: {  	_ =	shalt  }
0x49: {  	_ =	shalt  }
0x4a: {  	_ =	shalt  }
0x4b: {  	_ =	shalt  }
0x4c: {  	_ =	shalt  }
0x4d: {  	_ =	shalt  }
0x4e: {  	_ =	shalt  }
0x4f: {  	_ =	shalt  }
0x50: {  	_ =	shalt  }
0x51: {  	_ =	shalt  }
0x52: {  	_ =	shalt  }
0x53: {  	_ =	shalt  }
0x54: {  	_ =	shalt  }
0x55: {  	_ =	shalt  }
0x56: {  	_ =	shalt  }
0x57: {  	_ =	shalt  }
0x58: {  	_ =	shalt  }
0x59: {  	_ =	shalt  }
0x5a: {  	_ =	shalt  }
0x5b: {  	_ =	shalt  }
0x5c: {  	_ =	shalt  }
0x5d: {  	_ =	shalt  }
0x5e: {  	_ =	shalt  }
0x5f: {  	_ =	shalt  }
0x60: {  	_ =	shalt  }
0x61: {  	_ =	shalt  }
0x62: {  	_ =	shalt  }
0x63: {  	_ =	shalt  }
0x64: {  	_ =	shalt  }
0x65: {  	_ =	shalt  }
0x66: {  	_ =	shalt  }
0x67: {  	_ =	shalt  }
0x68: {  	_ =	shalt  }
0x69: {  	_ =	shalt  }
0x6a: {  	_ =	shalt  }
0x6b: {  	_ =	shalt  }
0x6c: {  	_ =	shalt  }
0x6d: {  	_ =	shalt  }
0x6e: {  	_ =	shalt  }
0x6f: {  	_ =	shalt  }
0x70: {  	_ =	shalt  }
0x71: {  	_ =	shalt  }
0x72: {  	_ =	shalt  }
0x73: {  	_ =	shalt  }
0x74: {  	_ =	shalt  }
0x75: {  	_ =	shalt  }
0x76: {  	_ =	shalt  }
0x77: {  	_ =	shalt  }
0x78: {  	_ =	shalt  }
0x79: {  	_ =	shalt  }
0x7a: {  	_ =	shalt  }
0x7b: {  	_ =	shalt  }
0x7c: {  	_ =	shalt  }
0x7d: {  	_ =	shalt  }
0x7e: {  	_ =	shalt  }
0x7f: {  	_ =	shalt  }
0x80: {  	_ =	shalt  }
0x81: {  	_ =	shalt  }
0x82: {  	_ =	shalt  }
0x83: {  	_ =	shalt  }
0x84: {  	_ =	shalt  }
0x85: {  	_ =	shalt  }
0x86: {  	_ =	shalt  }
0x87: {  	_ =	shalt  }
.Lfunc_end0:
.L_simem_size_0:
called_computation.3_lowered:
.L_overlay_start_0:
0x88: {  	s2 =	sld [smem:$0x3FD9]  }
0x89: {  	s3 =	sld [smem:$0x3FFE];
	_ =	sdelay $0x1  }
0x8a: {  	s1 =	srdreg.scid  }
0x8b: {  	s0 =	sand.u32 $0x1, s1  }
0x8c: {  	s16 =	sshll.u32 s0, $0xA;
	s2 =	sadd.s32 s3, s2  }
0x8d: {  	s2 =	sadd.s32 s2, s16  }
0x8e: {  	[smem:$0x3FBB] =	sst s2  }
0x8f: {  	_ = 	snop  }
0x90: {  	(tm) =	ssettm $0x1  }
0x91: {  	s17 =	sld [smem:$0x3FFB];
	_ =	sdelay $0x3  }
0x92: {  	_ =	strace s17  }
0x93: {  	s2 =	sld [smem:$0x3FFC];
	_ =	sdelay $0x3  }
0x94: {  	_ =	strace s2  }
0x95: {  	s2 =	sld [smem:$0x3FFD];
	_ =	sdelay $0x3  }
0x96: {  	_ =	strace s2  }
0x97: {  	_ =	strace $0x8FFFFFFF  }
0x98: {  	s18 =	sld [smem:$0x3FDB];
	_ =	sdelay $0x1  }
0x99: {  	s19 =	simm.s32 $_scs_section_size  }
0x9a: {  	s4 =	simm.s32 $_size__tile_overlayer_lowered;
	s5 =	simm.s32 $_tile_overlayer_lowered  }
0x9b: {  	s22 =	simm.s32 $0x1BFF;
	s21 =	sshll.u32 s5, $0x1;
	s2 =	sadd.s32 s19, s18  }
0x9c: {  	s6 =	simm.s32 $0x0;
	s20 =	sshll.u32 s4, $0x1;
	s4 =	sadd.s32 s21, s2  }
0x9d: {  	[timem:s6], [sflag:s22] =	dma.local [hbm:s4], s20  }
0x9e: {  	_ =	swait.ge [sflag:s22], s20  }
0x9f: {  	s3 =	ssub.s32 $0x0, s20;
	[sflag:s22] =	ssyncset.done $0x0  }
0xa0: {  	[sflag:s22] =	ssyncadd.s32 s3;
	_ =	sdelay $0x1  }
0xa1: {  	s23 =	simm.s32 $0x1B8B  }
0xa2: {  	_ =	swait.ge [sflag:s23], $0x1  }
0xa3: {  	[sflag:s23] =	ssyncset.done $0x0  }
0xa4: {  	s25 =	simm.s32 $0x1B8E;
	s24 =	sld [smem:$0x3FFE];
	[sflag:s23] =	ssyncadd.s32 $0xFFFFFFFF  }
0xa5: {  	s26 =	simm.s32 $execute0_lowered;
	[smem:$0x3FD2] =	sst s25  }
0xa6: {  	s4 =	sshll.u32 s26, $0x1;
	_ =	strace $0x8000004F;
	[dreg:$0x1] =	wrdreg $0xFFFFFFFF  }
0xa7: {  	s28 =	simm.s32 $_size_execute0_lowered;
	s2 =	sadd.s32 s2, s4;
	[dreg:$0x0] =	wrdreg $0x0  }
0xa8: {  	s4 =	sshll.u32 s28, $0x1;
	[dreg:$0x2] =	wrdreg s2  }
0xa9: {  	[dreg:$0x3] =	wrdreg s4  }
0xaa: {  	[dreg:$0x4] =	wrdreg $0xC0  }
0xab: {  	_ =	task [dreg:s6], $0x5FFFF  }
0xac: {  	[dreg:$0x1] =	wrdreg $0xFFFFFFFF  }
0xad: {  	[dreg:$0x0] =	wrdreg $0x60  }
0xae: {  	[dreg:$0x2] =	wrdreg s24  }
0xaf: {  	[dreg:$0x3] =	wrdreg $0xA4000  }
0xb0: {  	[dreg:$0x4] =	wrdreg $0x9  }
0xb1: {  	_ =	task.clear_ibuf [dreg:s6], $0x5FFFF;
	_ =	strace $0x9000004F  }
0xb2: {  	s29 =	simm.s32 $0x9;
	_ =	strace $0x80000051  }
0xb3: {  	_ =	swait.ge [sflag:s29], $0x1  }
0xb4: {  	[sflag:s29] =	ssyncadd.s32 $0xFFFFFFFF  }
0xb5: {  	_ =	strace $0x90000051  }
0xb6: {  	_ =	sfence  }
0xb7: {  	s30 =	sld [smem:$0x0];
	_ =	sdelay $0x2  }
0xb8: {  	s31 =	sshll.u32 s1, $0xD;
	s1 =	sshrl.u32 s1, $0x2  }
0xb9: {  	s3 =	sand.u32 $0x4000, s31;
	s1 =	sadd.s32 s1, s30  }
0xba: {  	s0 =	sor.u32 s3, s0;
	s1 =	sshll.u32 s1, $0x11  }
0xbb: {  	s0 =	sor.u32 s1, s0  }
0xbc: {  	s0 =	sadd.s32 $0x8F2B, s0  }
0xbd: {  	[sflag:s0] =	ssyncadd.remote.s32 $0x1  }
0xbe: {  	_ =	sfence.sel $0xFFFF  }
0xbf: {  	[dreg:$0x0] =	wrdreg $0xFFFFFFFF;
	(pc) =	sbr.abs _section_cstart, $3  }
0xc0: {  	[dreg:$0x1] =	wrdreg $0xFFFFFFFF  }
0xc1: {  	_ =	task.clear_ibuf [dreg:s6], $0x2FFFF;
	_ =	strace $0x9FFFFFFF  }
0xc2: {  	(tm) =	ssettm $0x7FFFFFFF  }
0xc3: {  	_ =	shalt  }
tec
execute0_lowered:
.L_overlay_start_1:
0x0: {  	(tag) =	ssettag $0x1  }
0x1: {  	s2 =	srdreg.scid;
	s20 =	stileid.u32  }
0x2: {  	s10 =	sand.u32 $0x1, s2;
	s13 =	smul.u32 $0x2800, s20  }
0x3: {  	s5 =	sor.u32 $0x10, s20;
	s11 =	smul.u32 $0x138800, s10  }
0x4: {  	s1 =	rddreg [dreg:$0x0];
	s0 =	simm.s32 $0x0;
	s4 =	smul.u32 $0xA000, s5  }
0x5: {  	s31 =	simm.s32 $0x400;
	s14 =	sor.u32 $0x20, s20;
	s15 =	smul.u32 $0x2800, s5  }
0x6: {  	s28 =	simm.s32 $0x5;
	s21 =	sor.u32 $0x30, s20;
	s16 =	smul.u32 $0x2800, s14  }
0x7: {  	[smem:$0x7FF] =	sst s0;
	s8 =	sor.u32 $0x40, s20;
	s17 =	smul.u32 $0x2800, s21  }
0x8: {  	s3 =	sadd.s32 $0x2E00, s1;
	s7 =	sadd.s32 $0xCC00, s1;
	s24 =	smul.u32 $0x2800, s8  }
0x9: {  	s2 =	ssub.s32 $0x2, s10;
	s5 =	sor.u32 $0x60, s20;
	s10 =	smul.u32 $0x2710, s10  }
0xa: {  	s12 =	sadd.s32 $0x3DC00, s1;
	s6 =	sshrl.u32 s2, $0x1;
	s18 =	smul.u32 $0x2800, s5  }
0xb: {  	s5 =	smul.u32 $0xA000, s5;
	s9 =	ssub.s32 s2, s6;
	s6 =	sor.u32 $0x50, s20  }
0xc: {  	s2 =	sor.u32 $0x70, s20;
	s13 =	sadd.s32 s11, s13;
	s15 =	sadd.s32 s11, s15  }
0xd: {  	s25 =	sadd.s32 s11, s16;
	s26 =	sadd.s32 s11, s17;
	s13 =	sshrl.u32 s13, $0x3  }
0xe: {  	s15 =	sshrl.u32 s15, $0x3;
	s29 =	smul.u32 $0x2800, s6;
	s16 =	sshrl.u32 s26, $0x3  }
0xf: {  	s22 =	smul.u32 $0x2800, s2;
	s26 =	sadd.s32 s11, s18;
	s13 =	sadd.s32 s12, s13  }
0x10: {  	p0 =	sgt.u32 s2, $0x7C;
	s23 =	sadd.s32 s12, s15;
	[dreg:$0x3] =	wrdreg s13  }
0x11: {  	s15 =	sshrl.u32 s25, $0x3;
	s19 =	sadd.s32 s12, s16;
	[dreg:$0x4] =	wrdreg s23  }
0x12: {  	s2 =	smul.u32 $0xA000, s2;
	s15 =	sadd.s32 s12, s15;
	[dreg:$0x6] =	wrdreg s19  }
0x13: {  	s13 =	sadd.s32 s11, s24;
	s23 =	sadd.s32 s11, s29;
	s24 =	smul.u32 $0x4E20, s20  }
0x14: {  	s11 =	sadd.s32 s11, s22;
	s2 =	sshrl.u32 s2, $0x2;
	s13 =	sshrl.u32 s13, $0x3  }
0x15: {  	[dreg:$0x5] =	wrdreg s15;
	s16 =	sshrl.u32 s23, $0x3;
	s13 =	sadd.s32 s12, s13  }
0x16: {  	s25 =	sadd.s32 s12, s16;
	s29 =	sadd.s32 s10, s24;
	s16 =	sshrl.u32 s11, $0x3  }
0x17: {  	s24 =	smul.u32 $0xA000, s20;
	s20 =	sadd.s32 $0x16A00, s1;
	[dreg:$0x7] =	wrdreg s13  }
0x18: {  	[dreg:$0x8] =	wrdreg s25;
	s13 =	sshrl.u32 s26, $0x3;
	s17 =	sadd.s32 $0x50, s29  }
0x19: {  	s10 =	sadd.s32 s12, s16;
	s18 =	sadd.s32 $0xA0, s29;
	s22 =	sadd.s32 $0xF0, s29  }
0x1a: {  	s25 =	smul.u32 $0xA000, s14;
	s26 =	smax.u32 s9, $0x1;
	s9 =	sshrl.u32 s4, $0x2  }
0x1b: {  	s14 =	smul.u32 $0xA000, s8;
	s8 =	simm.s32 $0x2C00;
	[dreg:$0xa] =	wrdreg s10  }
0x1c: {  	s13 =	sadd.s32 s12, s13;
	s19 =	sshrl.u32 s18, $0x3;
	s18 =	rddreg [dreg:$0x1]  }
0x1d: {  	s11 =	sshrl.u32 s17, $0x3;
	s23 =	sshrl.u32 s22, $0x3;
	[dreg:$0x9] =	wrdreg s13  }
0x1e: {  	s10 =	sadd.s32 s11, s7;
	s11 =	sadd.s32 s11, s3;
	s12 =	sadd.s32 s19, s7  }
0x1f: {  	s13 =	sadd.s32 s19, s3;
	s19 =	sshrl.u32 s29, $0x3;
	s15 =	sadd.s32 s23, s7  }
0x20: {  	s16 =	sadd.s32 s23, s3;
	s29 =	smul.u32 $0xA000, s21;
	s30 =	sadd.s32 s9, s18  }
0x21: {  	s1 =	sshrl.u32 s25, $0x2;
	s21 =	smul.u32 $0xA000, s6;
	s4 =	sshrl.u32 s14, $0x2  }
0x22: {  	s25 =	sshrl.u32 s5, $0x2;
	s14 =	simm.s32 $0x9;
	s6 =	simm.s32 $0x2  }
0x23: {  	s9 =	simm.s32 $0x8;
	s17 =	sadd.s32 s19, s7;
	s19 =	sadd.s32 s19, s3  }
0x24: {  	_ =	strace $0x80000050;
	[dreg:$0xb] =	wrdreg s26;
	s3 =	sshrl.u32 s24, $0x2  }
0x25: {  	s1 =	sadd.s32 s1, s18;
	s23 =	sadd.s32 s4, s18;
	[dreg:$0xd] =	wrdreg s30  }
0x26: {  	s4 =	simm.s32 $0x100;
	s7 =	simm.s32 $0x80;
	[dreg:$0xe] =	wrdreg s1  }
0x27: {  	s26 =	sadd.s32 s3, s18;
	s22 =	sshrl.u32 s29, $0x2;
	[dreg:$0x10] =	wrdreg s23  }
0x28: {  	s24 =	sshrl.u32 s21, $0x2;
	s29 =	sadd.s32 s2, s18;
	s2 =	simm.s32 $0x1  }
.Ltmp0:
0x29: {  	s3 =	simm.s32 $0x50;
	[dreg:$0x13] =	wrdreg s29;
	(pc) =	sbr.rel .LBB2_1-.Ltmp0, $4  }
0x2a: {  	s21 =	simm.s32 $0x380;
	s1 =	sadd.s32 s22, s18;
	[dreg:$0xc] =	wrdreg s26  }
0x2b: {  	s23 =	simm.s32 $0xA;
	[dreg:$0xf] =	wrdreg s1;
	s1 =	sadd.s32 s24, s18  }
0x2c: {  	s24 =	simm.s32 $0x0;
	[dreg:$0x11] =	wrdreg s1;
	s1 =	sadd.s32 s25, s18  }
0x2d: {  	v0 =	vimm.f32 $0.0e+00;
	s25 =	simm.s32 $0x3;
	[dreg:$0x12] =	wrdreg s1;
	s1 =	simm.s32 $0x200  }
.LBB2_15:
0x2e: {  	s5 =	stileid.u32;
	[bflag:$0x0] =	sbarrier.arrive $0xFFFF  }
0x2f: {  	s5 =	sshll.u32 s5, $0x6;
	s26 =	rddreg [dreg:$0xc]  }
0x30: {  	s24 =	rddreg [dreg:$0x3];
	s5 =	sor.u32 $0x1C09, s5;
	s22 =	sshrl.u32 s26, $0x3  }
0x31: {  	[hbm:s24], [sflag:s5] =	dma.local [spmem:s22], $0x500  }
0x32: {  	_ =	swait.ge [sflag:s14], $0x500  }
0x33: {  	[sflag:s14] =	ssyncset.done $0x0;
	s30 =	rddreg [dreg:$0xd]  }
0x34: {  	s29 =	rddreg [dreg:$0x4];
	[sflag:s14] =	ssyncadd.s32 $0xFFFFFB00;
	s24 =	sshrl.u32 s30, $0x3  }
0x35: {  	[hbm:s29], [sflag:s5] =	dma.local [spmem:s24], $0x500  }
0x36: {  	_ =	swait.ge [sflag:s14], $0x500  }
0x37: {  	[sflag:s14] =	ssyncset.done $0x0;
	s24 =	rddreg [dreg:$0xe]  }
0x38: {  	s29 =	rddreg [dreg:$0x5];
	[sflag:s14] =	ssyncadd.s32 $0xFFFFFB00;
	s22 =	sshrl.u32 s24, $0x3  }
0x39: {  	[hbm:s29], [sflag:s5] =	dma.local [spmem:s22], $0x500  }
0x3a: {  	_ =	swait.ge [sflag:s14], $0x500  }
0x3b: {  	[sflag:s14] =	ssyncset.done $0x0;
	s24 =	rddreg [dreg:$0xf]  }
0x3c: {  	s29 =	rddreg [dreg:$0x6];
	[sflag:s14] =	ssyncadd.s32 $0xFFFFFB00;
	s22 =	sshrl.u32 s24, $0x3  }
0x3d: {  	[hbm:s29], [sflag:s5] =	dma.local [spmem:s22], $0x500  }
0x3e: {  	_ =	swait.ge [sflag:s14], $0x500  }
0x3f: {  	[sflag:s14] =	ssyncset.done $0x0;
	s24 =	rddreg [dreg:$0x10]  }
0x40: {  	s29 =	rddreg [dreg:$0x7];
	[sflag:s14] =	ssyncadd.s32 $0xFFFFFB00;
	s22 =	sshrl.u32 s24, $0x3  }
0x41: {  	[hbm:s29], [sflag:s5] =	dma.local [spmem:s22], $0x500  }
0x42: {  	_ =	swait.ge [sflag:s14], $0x500  }
0x43: {  	[sflag:s14] =	ssyncset.done $0x0;
	s24 =	rddreg [dreg:$0x11]  }
0x44: {  	s29 =	rddreg [dreg:$0x8];
	[sflag:s14] =	ssyncadd.s32 $0xFFFFFB00;
	s22 =	sshrl.u32 s24, $0x3  }
0x45: {  	[hbm:s29], [sflag:s5] =	dma.local [spmem:s22], $0x500  }
0x46: {  	_ =	swait.ge [sflag:s14], $0x500  }
0x47: {  	[sflag:s14] =	ssyncset.done $0x0;
	s24 =	rddreg [dreg:$0x12]  }
0x48: {  	s29 =	rddreg [dreg:$0x9];
	[sflag:s14] =	ssyncadd.s32 $0xFFFFFB00;
	s22 =	sshrl.u32 s24, $0x3  }
0x49: {  	[hbm:s29], [sflag:s5] =	dma.local [spmem:s22], $0x500  }
0x4a: {  	_ =	swait.ge [sflag:s14], $0x500  }
0x4b: {  	[sflag:s14] =	ssyncset.done $0x0;
	s22 =	rddreg [dreg:$0x13]  }
0x4c: {  	s24 =	rddreg [dreg:$0xa];
	[sflag:s14] =	ssyncadd.s32 $0xFFFFFB00;
	s22 =	sshrl.u32 @!p0 s22, $0x3  }
0x4d: {  	[hbm:s24], [sflag:s5] =	dma.local @!p0 [spmem:s22], $0x500  }
0x4e: {  	s5 =	simm.s32 @!p0 $0x9  }
0x4f: {  	_ =	swait.ge @!p0 [sflag:s5], $0x500  }
0x50: {  	s22 =	rddreg [dreg:$0x14]  }
0x51: {  	s29 =	rddreg [dreg:$0xb];
	s24 =	sadd.s32 $0x1, s22  }
0x52: {  	p1 =	sne.s32 s24, s29  }
.Ltmp1:
0x53: {  	_ = 	snop;
	(pc) =	sbr.rel @!p1 .LBB2_16-.Ltmp1, $3  }
0x54: {  	_ =	sdelay $0x1  }
0x55: {  	[sflag:s5] =	ssyncset.done @!p0 $0x0  }
0x56: {  	[sflag:s5] =	ssyncadd.s32 @!p0 $0xFFFFFB00  }
.LBB2_1:
0x57: {  	[dreg:$0x14] =	wrdreg s24;
	s24 =	simm.s32 $0x0;
	s29 =	simm.s32 $0x200  }
.LBB2_2:
0x58: {  	p1 =	sne.s32 s29, $0x9E00;
	[tilespmem:s24+$0x470] =	vst v0  }
0x59: {  	[tilespmem:s24+$0x400] =	vst v0  }
0x5a: {  	[tilespmem:s24+$0x410] =	vst v0  }
.Ltmp2:
0x5b: {  	[tilespmem:s24+$0x420] =	vst v0;
	(pc) =	sbr.rel @p1 .LBB2_2-.Ltmp2, $4  }
0x5c: {  	[tilespmem:s24+$0x430] =	vst v0  }
0x5d: {  	[tilespmem:s24+$0x440] =	vst v0  }
0x5e: {  	[tilespmem:s24+$0x450] =	vst v0  }
0x5f: {  	[tilespmem:s24+$0x460] =	vst v0;
	s24 =	sshra.s32 s29, $0x2;
	s29 =	sadd.s32 $0x200, s29  }
0x60: {  	[tilespmem:s24+$0x470] =	vst v0  }
0x61: {  	[tilespmem:s24+$0x400] =	vst v0  }
0x62: {  	[tilespmem:s24+$0x410] =	vst v0  }
0x63: {  	[tilespmem:s24+$0x420] =	vst v0  }
0x64: {  	[tilespmem:s24+$0x430] =	vst v0  }
0x65: {  	[tilespmem:s24+$0x440] =	vst v0  }
0x66: {  	[tilespmem:s24+$0x450] =	vst v0  }
0x67: {  	[tilespmem:s24+$0x460] =	vst v0  }
0x68: {  	[spmem:s26] =	stream.linear.scatter [tilespmem:s31], [sflag:$0x9], $0x2800, $0x38;
	[tilespmem:$0x1DC80] =	vst v63  }
0x69: {  	_ =	swait.ge [sflag:s14], $0x2800  }
0x6a: {  	[sflag:s14] =	ssyncset.done $0x0  }
0x6b: {  	[sflag:s14] =	ssyncadd.s32 $0xFFFFD800  }
0x6c: {  	[spmem:s30] =	stream.linear.scatter [tilespmem:s31], [sflag:$0x9], $0x2800, $0x38;
	[tilespmem:$0x1DC80] =	vst v63  }
0x6d: {  	_ =	swait.ge [sflag:s14], $0x2800  }
0x6e: {  	[sflag:s14] =	ssyncset.done $0x0  }
0x6f: {  	s5 =	rddreg [dreg:$0xe];
	[sflag:s14] =	ssyncadd.s32 $0xFFFFD800  }
0x70: {  	[spmem:s5] =	stream.linear.scatter [tilespmem:s31], [sflag:$0x9], $0x2800, $0x38;
	[tilespmem:$0x1DC80] =	vst v63  }
0x71: {  	_ =	swait.ge [sflag:s14], $0x2800  }
0x72: {  	[sflag:s14] =	ssyncset.done $0x0  }
0x73: {  	s22 =	rddreg [dreg:$0xf];
	[sflag:s14] =	ssyncadd.s32 $0xFFFFD800  }
0x74: {  	[spmem:s22] =	stream.linear.scatter [tilespmem:s31], [sflag:$0x9], $0x2800, $0x38;
	[tilespmem:$0x1DC80] =	vst v63  }
0x75: {  	_ =	swait.ge [sflag:s14], $0x2800  }
0x76: {  	[sflag:s14] =	ssyncset.done $0x0  }
0x77: {  	s24 =	rddreg [dreg:$0x10];
	[sflag:s14] =	ssyncadd.s32 $0xFFFFD800  }
0x78: {  	[spmem:s24] =	stream.linear.scatter [tilespmem:s31], [sflag:$0x9], $0x2800, $0x38;
	[tilespmem:$0x1DC80] =	vst v63  }
0x79: {  	_ =	swait.ge [sflag:s14], $0x2800  }
0x7a: {  	[sflag:s14] =	ssyncset.done $0x0  }
0x7b: {  	s26 =	rddreg [dreg:$0x11];
	[sflag:s14] =	ssyncadd.s32 $0xFFFFD800  }
0x7c: {  	[spmem:s26] =	stream.linear.scatter [tilespmem:s31], [sflag:$0x9], $0x2800, $0x38;
	[tilespmem:$0x1DC80] =	vst v63  }
0x7d: {  	_ =	swait.ge [sflag:s14], $0x2800  }
0x7e: {  	[sflag:s14] =	ssyncset.done $0x0  }
0x7f: {  	s29 =	rddreg [dreg:$0x12];
	[sflag:s14] =	ssyncadd.s32 $0xFFFFD800  }
0x80: {  	[spmem:s29] =	stream.linear.scatter [tilespmem:s31], [sflag:$0x9], $0x2800, $0x38;
	[tilespmem:$0x1DC80] =	vst v63  }
0x81: {  	_ =	swait.ge [sflag:s14], $0x2800  }
0x82: {  	[sflag:s14] =	ssyncset.done $0x0  }
0x83: {  	s24 =	simm.s32 @!p0 $0x400;
	s5 =	rddreg [dreg:$0x13];
	[sflag:s14] =	ssyncadd.s32 $0xFFFFD800  }
0x84: {  	[spmem:s5] =	stream.linear.scatter @!p0 [tilespmem:s24], [sflag:$0x9], $0x2800, $0x38;
	[tilespmem:$0x1DC80] =	vst v63  }
0x85: {  	s24 =	simm.s32 @!p0 $0x9  }
.Ltmp3:
0x86: {  	_ =	swait.ge @!p0 [sflag:s24], $0x2800;
	(pc) =	sbr.rel .LBB2_4-.Ltmp3, $4  }
0x87: {  	[sflag:s24] =	ssyncset.done @!p0 $0x0  }
0x88: {  	[sflag:s24] =	ssyncadd.s32 @!p0 $0xFFFFD800  }
0x89: {  	[bflag:$0x0] =	sbarrier.arrive $0xFFFF  }
0x8a: {  	s30 =	simm.s32 $0x3;
	s24 =	simm.s32 $0x0  }
.LBB2_11:
0x8b: {  	s5 =	sadd.s32 s24, s16;
	s22 =	simm.s32 $0x180  }
0x8c: {  	[tilespmem:s22], [sflag:$0x4] =	stream.linear.gather [hbm4b:s5+s0], $0x50, $0x38;
	[tilespmem:$0x1DC80] =	vst v63  }
0x8d: {  	s29 =	sadd.s32 s24, s15  }
0x8e: {  	[tilespmem:s21], [sflag:$0x4] =	stream.linear.gather [hbm4b:s29+s0], $0x50, $0x38;
	[tilespmem:$0x1DC80] =	vst v63  }
.LBB2_13:
0x8f: {  	_ =	swait.ge [sflag:s25], $0x50  }
0x90: {  	[sflag:s25] =	ssyncset.done $0x0  }
0x91: {  	[sflag:s25] =	ssyncadd.s32 $0xFFFFFFB0  }
0x92: {  	_ =	swait.ge [sflag:s25], $0x50  }
0x93: {  	[sflag:s25] =	ssyncset.done $0x0  }
0x94: {  	s5 =	simm.s32 $0x5400;
	[sflag:s25] =	ssyncadd.s32 $0xFFFFFFB0  }
0x95: {  	[tilespmem:s5], [sflag:$0x7] =	stream.indirect.gather [hbm4b:s20+s3], $0x80, s4, s3, $0xb8;
	[tilespmem:$0x1DC80] =	vst v63  }
.LBB2_14:
0x96: {  	_ =	swait.ge [sflag:s28], $0x2800;
	s24 =	sadd.s32 $0x28, s24  }
0x97: {  	[sflag:s28] =	ssyncset.done $0x0;
	p1 =	sne.s32 s24, $0x500  }
.Ltmp4:
0x98: {  	[sflag:s28] =	ssyncadd.s32 $0xFFFFD800;
	(pc) =	sbr.rel @!p1 .LBB2_15-.Ltmp4, $4  }
0x99: {  	[spmem:s18] =	stream.indirect.scatter.add.f32 [tilespmem:s31], [sflag:$0x9], $0x80, s1, s3, $0xb8;
	[tilespmem:$0x1DC80] =	vst v63  }
0x9a: {  	_ =	swait.ge [sflag:s14], $0x2800  }
0x9b: {  	[sflag:s14] =	ssyncset.done $0x0  }
0x9c: {  	s30 =	sadd.s32 $0x4, s30;
	[sflag:s14] =	ssyncadd.s32 $0xFFFFD800  }
.LBB2_4:
0x9d: {  	s29 =	sadd.s32 s24, s19  }
0x9e: {  	[tilespmem:s0], [sflag:$0x1] =	stream.linear.gather [hbm4b:s29+s0], $0x50, $0x38;
	[tilespmem:$0x1DC80] =	vst v63  }
0x9f: {  	s29 =	sadd.s32 s24, s17  }
0xa0: {  	[tilespmem:s1], [sflag:$0x1] =	stream.linear.gather [hbm4b:s29+s0], $0x50, $0x38;
	[tilespmem:$0x1DC80] =	vst v63  }
0xa1: {  	s29 =	sadd.s32 $0xFFFFFFFC, s30  }
0xa2: {  	p1 =	sgt.u32 s29, $0x7C  }
0xa3: {  	s5 =	simm.s32 @!p1 $0x4  }
0xa4: {  	_ =	swait.ge @!p1 [sflag:s5], $0x50  }
0xa5: {  	[sflag:s5] =	ssyncset.done @!p1 $0x0  }
0xa6: {  	[sflag:s5] =	ssyncadd.s32 @!p1 $0xFFFFFFB0  }
0xa7: {  	_ =	swait.ge @!p1 [sflag:s5], $0x50  }
0xa8: {  	s22 =	simm.s32 @!p1 $0x180;
	[sflag:s5] =	ssyncset.done @!p1 $0x0  }
0xa9: {  	s26 =	simm.s32 @!p1 $0x7C00;
	[sflag:s5] =	ssyncadd.s32 @!p1 $0xFFFFFFB0;
	s5 =	simm.s32 @!p1 $0x50  }
0xaa: {  	[tilespmem:s26], [sflag:$0x8] =	stream.indirect.gather @!p1 [hbm4b:s20+s5], $0x80, s22, s5, $0xb8;
	[tilespmem:$0x1DC80] =	vst v63  }
0xab: {  	s22 =	sadd.s32 $0xFFFFFFFA, s30  }
0xac: {  	p2 =	sgt.u32 s22, $0x7C  }
0xad: {  	s5 =	simm.s32 @!p2 $0x6  }
0xae: {  	_ =	swait.ge @!p2 [sflag:s5], $0x2800  }
0xaf: {  	s22 =	simm.s32 @!p2 $0x280;
	[sflag:s5] =	ssyncset.done @!p2 $0x0  }
0xb0: {  	s26 =	simm.s32 @!p2 $0x2C00;
	[sflag:s5] =	ssyncadd.s32 @!p2 $0xFFFFD800;
	s5 =	simm.s32 @!p2 $0x50  }
0xb1: {  	[spmem:s18] =	stream.indirect.scatter.add.f32 @!p2 [tilespmem:s26], [sflag:$0xA], $0x80, s22, s5, $0xb8;
	[tilespmem:$0x1DC80] =	vst v63  }
0xb2: {  	s5 =	simm.s32 @!p2 $0xA;
	s26 =	sadd.s32 $0xFFFFFFFE, s30  }
0xb3: {  	_ =	swait.ge @!p2 [sflag:s5], $0x2800;
	p3 =	sgt.u32 s26, $0x7C  }
0xb4: {  	[sflag:s5] =	ssyncset.done @!p2 $0x0;
	s22 =	simm.s32 @!p3 $0x0  }
0xb5: {  	s26 =	simm.s32 @!p3 $0x80;
	[sflag:s5] =	ssyncadd.s32 @!p2 $0xFFFFD800;
	s5 =	sadd.s32 @!p3 s24, s11  }
0xb6: {  	[tilespmem:s26], [sflag:$0x2] =	stream.linear.gather @!p3 [hbm4b:s5+s22], $0x50, $0x38;
	[tilespmem:$0x1DC80] =	vst v63  }
0xb7: {  	s5 =	sadd.s32 @!p3 s24, s10;
	s26 =	simm.s32 @!p3 $0x280  }
0xb8: {  	[tilespmem:s26], [sflag:$0x2] =	stream.linear.gather @!p3 [hbm4b:s5+s22], $0x50, $0x38;
	[tilespmem:$0x1DC80] =	vst v63  }
0xb9: {  	_ =	swait.ge [sflag:s2], $0x50  }
0xba: {  	[sflag:s2] =	ssyncset.done $0x0  }
0xbb: {  	[sflag:s2] =	ssyncadd.s32 $0xFFFFFFB0  }
0xbc: {  	s22 =	sadd.s32 $0xFFFFFFFB, s30;
	_ =	swait.ge [sflag:s2], $0x50  }
0xbd: {  	p4 =	sgt.u32 s22, $0x7C;
	[sflag:s2] =	ssyncset.done $0x0  }
0xbe: {  	s5 =	simm.s32 @!p4 $0x7;
	[sflag:s2] =	ssyncadd.s32 $0xFFFFFFB0  }
0xbf: {  	[tilespmem:s31], [sflag:$0x5] =	stream.indirect.gather [hbm4b:s20+s3], $0x80, s0, s3, $0xb8;
	[tilespmem:$0x1DC80] =	vst v63  }
0xc0: {  	_ =	swait.ge @!p4 [sflag:s5], $0x2800  }
0xc1: {  	s22 =	simm.s32 @!p4 $0x300;
	[sflag:s5] =	ssyncset.done @!p4 $0x0  }
0xc2: {  	s26 =	simm.s32 @!p4 $0x5400;
	[sflag:s5] =	ssyncadd.s32 @!p4 $0xFFFFD800;
	s5 =	simm.s32 @!p4 $0x50  }
0xc3: {  	[spmem:s18] =	stream.indirect.scatter.add.f32 @!p4 [tilespmem:s26], [sflag:$0xA], $0x80, s22, s5, $0xb8;
	[tilespmem:$0x1DC80] =	vst v63  }
0xc4: {  	s26 =	sadd.s32 $0xFFFFFFFF, s30  }
0xc5: {  	p2 =	sgt.u32 s26, $0x7C  }
.Ltmp5:
0xc6: {  	_ = 	snop;
	(pc) =	sbr.rel @p2 .LBB2_6-.Ltmp5, $4  }
0xc7: {  	s5 =	simm.s32 @!p4 $0xA  }
0xc8: {  	_ =	swait.ge @!p4 [sflag:s5], $0x2800  }
0xc9: {  	[sflag:s5] =	ssyncset.done @!p4 $0x0  }
0xca: {  	[sflag:s5] =	ssyncadd.s32 @!p4 $0xFFFFD800  }
.Ltmp6:
0xcb: {  	(pc) =	sbr.rel .LBB2_7-.Ltmp6, $4  }
0xcc: {  	s5 =	sadd.s32 s24, s13  }
0xcd: {  	[tilespmem:s4], [sflag:$0x3] =	stream.linear.gather [hbm4b:s5+s0], $0x50, $0x38;
	[tilespmem:$0x1DC80] =	vst v63  }
0xce: {  	s26 =	sadd.s32 s24, s12;
	s22 =	simm.s32 $0x300  }
0xcf: {  	[tilespmem:s22], [sflag:$0x3] =	stream.linear.gather [hbm4b:s26+s0], $0x50, $0x38;
	[tilespmem:$0x1DC80] =	vst v63  }
.LBB2_6:
.Ltmp7:
0xd0: {  	(pc) =	sbr.rel @p3 .LBB2_8-.Ltmp7, $1  }
0xd1: {  	_ =	sdelay $0x3  }
.LBB2_7:
0xd2: {  	_ =	swait.ge [sflag:s6], $0x50  }
0xd3: {  	p1 =	slt.u32 s29, $0x7D;
	[sflag:s6] =	ssyncset.done $0x0  }
.Ltmp8:
0xd4: {  	[sflag:s6] =	ssyncadd.s32 $0xFFFFFFB0;
	(pc) =	sbr.rel @p1 .LBB2_9-.Ltmp8, $4  }
.Ltmp9:
0xd5: {  	_ =	swait.ge [sflag:s6], $0x50;
	(pc) =	sbr.rel @!p1 .LBB2_10-.Ltmp9, $4  }
0xd6: {  	[sflag:s6] =	ssyncset.done $0x0  }
0xd7: {  	[sflag:s6] =	ssyncadd.s32 $0xFFFFFFB0  }
0xd8: {  	[tilespmem:s8], [sflag:$0x6] =	stream.indirect.gather [hbm4b:s20+s3], $0x80, s7, s3, $0xb8;
	[tilespmem:$0x1DC80] =	vst v63  }
0xd9: {  	_ = 	snop  }
.LBB2_8:
.Ltmp10:
0xda: {  	(pc) =	sbr.rel @p1 .LBB2_14-.Ltmp10, $1  }
0xdb: {  	_ =	sdelay $0x3  }
.LBB2_9:
0xdc: {  	_ =	swait.ge [sflag:s9], $0x2800  }
0xdd: {  	[sflag:s9] =	ssyncset.done $0x0  }
0xde: {  	s5 =	simm.s32 $0x7C00;
	[sflag:s9] =	ssyncadd.s32 $0xFFFFD800  }
0xdf: {  	[spmem:s18] =	stream.indirect.scatter.add.f32 [tilespmem:s5], [sflag:$0xA], $0x80, s21, s3, $0xb8;
	[tilespmem:$0x1DC80] =	vst v63  }
0xe0: {  	_ =	swait.ge [sflag:s23], $0x2800  }
0xe1: {  	[sflag:s23] =	ssyncset.done $0x0  }
0xe2: {  	[sflag:s23] =	ssyncadd.s32 $0xFFFFD800  }
.LBB2_10:
0xe3: {  	p1 =	sgt.u32 s30, $0x7C  }
.Ltmp11:
0xe4: {  	_ = 	snop;
	(pc) =	sbr.rel @!p1 .LBB2_11-.Ltmp11, $1  }
0xe5: {  	_ =	sdelay $0x3  }
.Ltmp12:
0xe6: {  	(pc) =	sbr.rel @p2 .LBB2_14-.Ltmp12, $4  }
.Ltmp13:
0xe7: {  	(pc) =	sbr.rel @!p2 .LBB2_13-.Ltmp13, $4  }
0xe8: {  	_ = 	snop  }
0xe9: {  	_ = 	snop  }
0xea: {  	_ = 	snop  }
0xeb: {  	_ = 	snop  }
.LBB2_16:
0xec: {  	_ =	sfence.sel $0x180000  }
0xed: {  	[bflag:$0x0] =	sbarrier.arrive $0xFFFF  }
0xee: {  	_ =	strace $0x90000050  }
0xef: {  	s0 =	stileid.u32;
	[bflag:$0x2] =	sbarrier.arrive $0xFFFF  }
0xf0: {  	p0 =	sne.s32 s0, $0x0;
	s0 =	rddreg [dreg:$0x2]  }
0xf1: {  	s0 =	sadd.s32 @!p0 $0x100000, s0  }
0xf2: {  	[sflag:s0] =	ssyncadd.tile.s32 @!p0 $0x1;
	_ =	shalt  }
.Lfunc_end2:
_tile_overlayer_lowered:
.L_overlay_start_2:
0xf3: {  	(tag) =	ssettag $0x2  }
0xf4: {  	s0 =	rddreg [dreg:$0x0];
	s2 =	stileid.u32  }
0xf5: {  	s1 =	rddreg [dreg:$0x1];
	p0 =	sne.s32 s2, $0x0  }
0xf6: {  	s3 =	rddreg [dreg:$0x2];
	[bflag:$0x3] =	sbarrier.arrive $0xFFFF;
	s2 =	simm.s32 @!p0 $0x1C09  }
0xf7: {  	[timem:s3], [sflag:s2] =	dma.local @!p0 [hbm:s0], s1  }
0xf8: {  	s0 =	simm.s32 @!p0 $0x9  }
0xf9: {  	_ =	swait.ge @!p0 [sflag:s0], s1  }
0xfa: {  	s1 =	ssub.s32 @!p0 $0x0, s1;
	[sflag:s0] =	ssyncset.done @!p0 $0x0  }
0xfb: {  	[sflag:s0] =	ssyncadd.s32 @!p0 s1  }
0xfc: {  	[bflag:$0x3] =	sbarrier.arrive $0xFFFF  }
0xfd: {  	_ =	shalt  }

</sc_bundles>
